<compile_context>
chip_gen: v7x
topology: tpu7x:2x2x1
jax: 0.10.2.dev20260603
libtpu: 0.0.44.dev20260713+nightly
codegen_flags: <defaults>
</compile_context>

<pallas_src>
import functools

import jax
import jax.numpy as jnp
from jax import lax
from jax.experimental import pallas as pl
from jax.experimental.pallas import tpu as pltpu
from jax.experimental.pallas import tpu_sc as plsc

D = 64
CHK = 256


def _make_gather(B: int, H: int, V: int):
    info = plsc.get_sparse_core_info()
    NC, NS, L = info.num_cores, info.num_subcores, info.num_lanes
    NW = NC * NS
    assert B % NW == 0
    rows_per_w = B // NW
    half = rows_per_w // 2
    n_full = V // CHK
    per_tile = (n_full // NS) * NS
    nk = per_tile // NS
    mesh = plsc.VectorSubcoreMesh(core_axis_name="c", subcore_axis_name="s")

    @functools.partial(
        pl.kernel,
        mesh=mesh,
        out_type=jax.ShapeDtypeStruct((B, H, D), jnp.float32),
        scratch_types=[
            pltpu.HBM((NC, V, D), jnp.float32),
            pltpu.VMEM((2, CHK, D), jnp.float32),
            pltpu.VMEM((rows_per_w // 4, H), jnp.int32),
            pltpu.VMEM((2, H, D), jnp.float32),
            pltpu.SemaphoreType.DMA,
            pltpu.SemaphoreType.DMA,
            pltpu.SemaphoreType.DMA,
            pltpu.SemaphoreType.DMA,
            pltpu.SemaphoreType.DMA,
            pltpu.SemaphoreType.DMA,
            pltpu.SemaphoreType.DMA,
        ],
        compiler_params=pltpu.CompilerParams(use_tc_tiling_on_sc=True),
    )
    def gather_kernel(x_hbm, tab_hbm, out_hbm, scr, vt, idx2d, rows_v,
                      rsem0, rsem1, wsem0, wsem1, gsem, ssem0, ssem1):
        cid = lax.axis_index("c")
        sid = lax.axis_index("s")
        wid = sid * NC + cid
        base = wid * rows_per_w
        myscr = scr.at[cid]

        rsems = (rsem0, rsem1)
        wsems = (wsem0, wsem1)

        def g_of(k):
            return k * NS + sid

        def fire_read(k, p):
            pltpu.async_copy(tab_hbm.at[pl.ds(g_of(k) * CHK, CHK)],
                             vt.at[p], rsems[p])

        def drain_read(p):
            pltpu.make_async_copy(tab_hbm.at[pl.ds(0, CHK)], vt.at[p],
                                  rsems[p]).wait()

        def fire_write(k, p):
            pltpu.async_copy(vt.at[p], myscr.at[pl.ds(g_of(k) * CHK, CHK)],
                             wsems[p])

        def drain_write(p):
            pltpu.make_async_copy(vt.at[p], myscr.at[pl.ds(0, CHK)],
                                  wsems[p]).wait()

        def step(k, p, fire_next, wait_write):
            if fire_next:
                if wait_write:
                    drain_write(1 - p)
                fire_read(k + 1, 1 - p)
            drain_read(p)
            fire_write(k, p)

        fire_read(0, 0)
        step(0, 0, True, False)
        step(1, 1, True, True)

        def ph1_body(p2, carry):
            step(2 * p2, 0, True, True)
            step(2 * p2 + 1, 1, True, True)
            return carry

        lax.fori_loop(1, nk // 2 - 1, ph1_body, 0, unroll=False)
        step(nk - 2, 0, True, True)
        step(nk - 1, 1, False, False)
        drain_write(0)
        drain_write(1)

        @pl.when(sid == 0)
        def _():
            rest = V - per_tile * CHK
            pieces = []
            off0 = 0
            while off0 < rest:
                pieces.append((off0, min(CHK, rest - off0)))
                off0 += CHK
            for off, n in pieces:
                src = tab_hbm.at[pl.ds(per_tile * CHK + off, n)]
                pltpu.sync_copy(src, vt.at[0].at[pl.ds(0, n)])
                pltpu.sync_copy(vt.at[0].at[pl.ds(0, n)],
                                myscr.at[pl.ds(per_tile * CHK + off, n)])

        plsc.subcore_barrier()

        quarter = rows_per_w // 4

        def stage_idx(q):
            pltpu.sync_copy(x_hbm.at[pl.ds(base + q * quarter, quarter)],
                            idx2d)

        stage_idx(0)
        ssems = (ssem0, ssem1)

        def run_row(b_loc, b_glob, buf, wait_store):
            store_src = rows_v.at[buf]
            store_dst = out_hbm.at[base + b_glob]
            if wait_store:
                pltpu.make_async_copy(store_src, store_dst, ssems[buf]).wait()
            d1 = pltpu.async_copy(
                myscr.at[idx2d.at[b_loc, pl.ds(0, 128)]],
                rows_v.at[buf].at[pl.ds(0, 128)], gsem)
            d2 = pltpu.async_copy(
                myscr.at[idx2d.at[b_loc, pl.ds(128, H - 128)]],
                rows_v.at[buf].at[pl.ds(128, H - 128)], gsem)
            d1.wait()
            d2.wait()
            pltpu.async_copy(store_src, store_dst, ssems[buf])

        run_row(0, 0, 0, False)
        run_row(1, 1, 1, False)

        def body_a(p, carry):
            run_row(2 * p, 2 * p, 0, True)
            run_row(2 * p + 1, 2 * p + 1, 1, True)
            return carry

        lax.fori_loop(1, quarter // 2, body_a, 0, unroll=False)

        for q in range(1, 4):
            stage_idx(q)

            def body_q(p, carry, _q=q):
                run_row(2 * p, _q * quarter + 2 * p, 0, True)
                run_row(2 * p + 1, _q * quarter + 2 * p + 1, 1, True)
                return carry

            lax.fori_loop(0, quarter // 2, body_q, 0, unroll=False)

        pltpu.make_async_copy(
            rows_v.at[0], out_hbm.at[base + rows_per_w - 2], ssems[0]).wait()
        pltpu.make_async_copy(
            rows_v.at[1], out_hbm.at[base + rows_per_w - 1], ssems[1]).wait()

    return gather_kernel


def kernel(x, table):
    B, H = x.shape
    V = table.shape[0]
    return _make_gather(B, H, V)(x.astype(jnp.int32), table)

# --- scband reference (transcript-rebuilt; emitter-appended) ---
"""Pipeline reference for scband-token-embedding-81973745811719 (READ-ONLY COPY).

The authoritative reference and input builder live on the scoring server;
editing this copy changes nothing except your own understanding.
"""

import jax, jax.numpy as jnp
import numpy as np

VOCAB = 1000000
D_MODEL = 64
PADDING_IDX = 0
BATCH = 4096
HIST = 200


def setup_inputs(seed: int = 0) -> dict:
    key = jax.random.key(seed)
    k_idx, k_tab = jax.random.split(key)
    x = jax.random.randint(k_idx, (BATCH, HIST), 0, VOCAB)
    table = jax.random.normal(k_tab, (VOCAB, D_MODEL), dtype=jnp.float32)
    # nn.Embedding zeroes the padding_idx row at init
    table = table.at[PADDING_IDX].set(0.0)
    return {"x": x, "table": table}


def reference(x, table):
    # Faithful to nn.Embedding(vocab, d_model, padding_idx): the padding row
    # is zero and contributes nothing; forward is a pure row gather.
    emb = table.at[PADDING_IDX].set(0.0)
    return jnp.take(emb, x, axis=0)

if __name__ == "__main__":
    import jax
    _d = setup_inputs()
    print(jax.jit(kernel)(*tuple(_d.values())))

</pallas_src>

<mosaic_0001>
#map = affine_map<(d0, d1) -> (0, 0)>
#map1 = affine_map<(d0, d1) -> (0, 0, 0)>
module attributes {stable_mosaic.version = 14 : i64} {
  func.func @gather_kernel(%arg0: i32, %arg1: i32, %arg2: memref<4096x200xi32, #tpu.memory_space<hbm>>, %arg3: memref<1000000x64xf32, #tpu.memory_space<hbm>>, %arg4: memref<4096x200x64xf32, #tpu.memory_space<hbm>>, %arg5: memref<2x1000000x64xf32, #tpu.memory_space<hbm>>, %arg6: memref<2x256x64xf32, #tpu.memory_space<vmem>>, %arg7: memref<32x200xi32, #tpu.memory_space<vmem>>, %arg8: memref<2x200x64xf32, #tpu.memory_space<vmem>>, %arg9: memref<!tpu.dma_semaphore, #tpu.memory_space<semaphore_mem>>, %arg10: memref<!tpu.dma_semaphore, #tpu.memory_space<semaphore_mem>>, %arg11: memref<!tpu.dma_semaphore, #tpu.memory_space<semaphore_mem>>, %arg12: memref<!tpu.dma_semaphore, #tpu.memory_space<semaphore_mem>>, %arg13: memref<!tpu.dma_semaphore, #tpu.memory_space<semaphore_mem>>, %arg14: memref<!tpu.dma_semaphore, #tpu.memory_space<semaphore_mem>>, %arg15: memref<!tpu.dma_semaphore, #tpu.memory_space<semaphore_mem>>) attributes {dimension_semantics = [#tpu.dimension_semantics<core_parallel>, #tpu.dimension_semantics<subcore_parallel>], iteration_bounds = array<i64: 2, 16>, scalar_prefetch = 0 : i64, scratch_operands = 11 : i64, tpu.core_type = #tpu.core_type<sc_vector_subcore>, window_params = [{transform_indices = #map}, {transform_indices = #map}, {transform_indices = #map1}]} {
    %mul3A = arith.constant 2 : i32
    %mul3A_0 = arith.muli %arg1, %mul3A : i32
    %add3A = arith.addi %mul3A_0, %arg0 : i32
    %mul3A_1 = arith.constant 128 : i32
    %mul3A_2 = arith.muli %add3A, %mul3A_1 : i32
    %add3A_3 = arith.constant 0 : i32
    %add3A_4 = arith.addi %add3A_3, %arg1 : i32
    %mul3A_5 = arith.constant 256 : i32
    %mul3A_6 = arith.muli %add3A_4, %mul3A_5 : i32
    %dma_start3A = arith.constant 0 : i32
    %dma_start3A_7 = arith.constant 0 : i32
    %dma_start3A_8 = arith.constant 0 : i32
    %dma_start3A_9 = tpu.memref_slice %arg6[%dma_start3A, %dma_start3A_7, %dma_start3A_8] : memref<2x256x64xf32, #tpu.memory_space<vmem>> -> memref<1x256x64xf32, #tpu.memory_space<vmem>>
    %dma_start3A_10 = tpu.memref_squeeze %dma_start3A_9 : memref<1x256x64xf32, #tpu.memory_space<vmem>> -> memref<256x64xf32, #tpu.memory_space<vmem>>
    %dma_start3A_11 = arith.constant 0 : i32
    %dma_start3A_12 = tpu.memref_slice %arg3[%mul3A_6, %dma_start3A_11] : memref<1000000x64xf32, #tpu.memory_space<hbm>> -> memref<256x64xf32, #tpu.memory_space<hbm>>
    %dma_start3A_13 = arith.constant 0 : i32
    %dma_start3A_14 = arith.constant 0 : i32
    %dma_start3A_15 = tpu.memref_slice %arg6[%dma_start3A, %dma_start3A_13, %dma_start3A_14] : memref<2x256x64xf32, #tpu.memory_space<vmem>> -> memref<1x256x64xf32, #tpu.memory_space<vmem>>
    %dma_start3A_16 = tpu.memref_squeeze %dma_start3A_15 : memref<1x256x64xf32, #tpu.memory_space<vmem>> -> memref<256x64xf32, #tpu.memory_space<vmem>>
    %dma_start3A_17 = arith.constant 0 : i32
    %dma_start3A_18 = tpu.memref_slice %arg3[%mul3A_6, %dma_start3A_17] : memref<1000000x64xf32, #tpu.memory_space<hbm>> -> memref<256x64xf32, #tpu.memory_space<hbm>>
    tpu.enqueue_dma source(%dma_start3A_18 : memref<256x64xf32, #tpu.memory_space<hbm>>) target(%dma_start3A_16 : memref<256x64xf32, #tpu.memory_space<vmem>>) target_semaphore(%arg9 : memref<!tpu.dma_semaphore, #tpu.memory_space<semaphore_mem>>)
    %add3A_19 = arith.constant 16 : i32
    %add3A_20 = arith.addi %add3A_19, %arg1 : i32
    %mul3A_21 = arith.constant 256 : i32
    %mul3A_22 = arith.muli %add3A_20, %mul3A_21 : i32
    %dma_start3A_23 = arith.constant 1 : i32
    %dma_start3A_24 = arith.constant 0 : i32
    %dma_start3A_25 = arith.constant 0 : i32
    %dma_start3A_26 = tpu.memref_slice %arg6[%dma_start3A_23, %dma_start3A_24, %dma_start3A_25] : memref<2x256x64xf32, #tpu.memory_space<vmem>> -> memref<1x256x64xf32, #tpu.memory_space<vmem>>
    %dma_start3A_27 = tpu.memref_squeeze %dma_start3A_26 : memref<1x256x64xf32, #tpu.memory_space<vmem>> -> memref<256x64xf32, #tpu.memory_space<vmem>>
    %dma_start3A_28 = arith.constant 0 : i32
    %dma_start3A_29 = tpu.memref_slice %arg3[%mul3A_22, %dma_start3A_28] : memref<1000000x64xf32, #tpu.memory_space<hbm>> -> memref<256x64xf32, #tpu.memory_space<hbm>>
    %dma_start3A_30 = arith.constant 0 : i32
    %dma_start3A_31 = arith.constant 0 : i32
    %dma_start3A_32 = tpu.memref_slice %arg6[%dma_start3A_23, %dma_start3A_30, %dma_start3A_31] : memref<2x256x64xf32, #tpu.memory_space<vmem>> -> memref<1x256x64xf32, #tpu.memory_space<vmem>>
    %dma_start3A_33 = tpu.memref_squeeze %dma_start3A_32 : memref<1x256x64xf32, #tpu.memory_space<vmem>> -> memref<256x64xf32, #tpu.memory_space<vmem>>
    %dma_start3A_34 = arith.constant 0 : i32
    %dma_start3A_35 = tpu.memref_slice %arg3[%mul3A_22, %dma_start3A_34] : memref<1000000x64xf32, #tpu.memory_space<hbm>> -> memref<256x64xf32, #tpu.memory_space<hbm>>
    tpu.enqueue_dma source(%dma_start3A_35 : memref<256x64xf32, #tpu.memory_space<hbm>>) target(%dma_start3A_33 : memref<256x64xf32, #tpu.memory_space<vmem>>) target_semaphore(%arg10 : memref<!tpu.dma_semaphore, #tpu.memory_space<semaphore_mem>>)
    %dma_wait3A = arith.constant 0 : i32
    %dma_wait3A_36 = arith.constant 0 : i32
    %dma_wait3A_37 = arith.constant 0 : i32
    %dma_wait3A_38 = tpu.memref_slice %arg6[%dma_wait3A, %dma_wait3A_36, %dma_wait3A_37] : memref<2x256x64xf32, #tpu.memory_space<vmem>> -> memref<1x256x64xf32, #tpu.memory_space<vmem>>
    %dma_wait3A_39 = tpu.memref_squeeze %dma_wait3A_38 : memref<1x256x64xf32, #tpu.memory_space<vmem>> -> memref<256x64xf32, #tpu.memory_space<vmem>>
    %dma_wait3A_40 = arith.constant 0 : i32
    %dma_wait3A_41 = arith.constant 0 : i32
    %dma_wait3A_42 = tpu.memref_slice %arg3[%dma_wait3A_40, %dma_wait3A_41] : memref<1000000x64xf32, #tpu.memory_space<hbm>> -> memref<256x64xf32, #tpu.memory_space<hbm>>
    %dma_wait3A_43 = arith.constant 0 : i32
    %dma_wait3A_44 = arith.constant 0 : i32
    %dma_wait3A_45 = tpu.memref_slice %arg6[%dma_wait3A, %dma_wait3A_43, %dma_wait3A_44] : memref<2x256x64xf32, #tpu.memory_space<vmem>> -> memref<1x256x64xf32, #tpu.memory_space<vmem>>
    %dma_wait3A_46 = tpu.memref_squeeze %dma_wait3A_45 : memref<1x256x64xf32, #tpu.memory_space<vmem>> -> memref<256x64xf32, #tpu.memory_space<vmem>>
    %dma_wait3A_47 = arith.constant 0 : i32
    %dma_wait3A_48 = arith.constant 0 : i32
    %dma_wait3A_49 = tpu.memref_slice %arg3[%dma_wait3A_47, %dma_wait3A_48] : memref<1000000x64xf32, #tpu.memory_space<hbm>> -> memref<256x64xf32, #tpu.memory_space<hbm>>
    tpu.wait_dma2 semaphore(%arg9 : memref<!tpu.dma_semaphore, #tpu.memory_space<semaphore_mem>>) src(%dma_wait3A_49 : memref<256x64xf32, #tpu.memory_space<hbm>>) dst(%dma_wait3A_46 : memref<256x64xf32, #tpu.memory_space<vmem>>)
    %add3A_50 = arith.constant 0 : i32
    %add3A_51 = arith.addi %add3A_50, %arg1 : i32
    %mul3A_52 = arith.constant 256 : i32
    %mul3A_53 = arith.muli %add3A_51, %mul3A_52 : i32
    %dma_start3A_54 = arith.constant 0 : i32
    %dma_start3A_55 = arith.constant 0 : i32
    %dma_start3A_56 = arith.constant 0 : i32
    %dma_start3A_57 = tpu.memref_slice %arg6[%dma_start3A_54, %dma_start3A_55, %dma_start3A_56] : memref<2x256x64xf32, #tpu.memory_space<vmem>> -> memref<1x256x64xf32, #tpu.memory_space<vmem>>
    %dma_start3A_58 = tpu.memref_squeeze %dma_start3A_57 : memref<1x256x64xf32, #tpu.memory_space<vmem>> -> memref<256x64xf32, #tpu.memory_space<vmem>>
    %dma_start3A_59 = arith.constant 0 : i32
    %dma_start3A_60 = arith.constant 0 : i32
    %dma_start3A_61 = tpu.memref_slice %arg5[%arg0, %dma_start3A_59, %dma_start3A_60] : memref<2x1000000x64xf32, #tpu.memory_space<hbm>> -> memref<1x1000000x64xf32, #tpu.memory_space<hbm>>
    %dma_start3A_62 = tpu.memref_squeeze %dma_start3A_61 : memref<1x1000000x64xf32, #tpu.memory_space<hbm>> -> memref<1000000x64xf32, #tpu.memory_space<hbm>>
    %dma_start3A_63 = arith.constant 0 : i32
    %dma_start3A_64 = tpu.memref_slice %dma_start3A_62[%mul3A_53, %dma_start3A_63] : memref<1000000x64xf32, #tpu.memory_space<hbm>> -> memref<256x64xf32, #tpu.memory_space<hbm>>
    %dma_start3A_65 = arith.constant 0 : i32
    %dma_start3A_66 = arith.constant 0 : i32
    %dma_start3A_67 = tpu.memref_slice %arg5[%arg0, %dma_start3A_65, %dma_start3A_66] : memref<2x1000000x64xf32, #tpu.memory_space<hbm>> -> memref<1x1000000x64xf32, #tpu.memory_space<hbm>>
    %dma_start3A_68 = tpu.memref_squeeze %dma_start3A_67 : memref<1x1000000x64xf32, #tpu.memory_space<hbm>> -> memref<1000000x64xf32, #tpu.memory_space<hbm>>
    %dma_start3A_69 = arith.constant 0 : i32
    %dma_start3A_70 = tpu.memref_slice %dma_start3A_68[%mul3A_53, %dma_start3A_69] : memref<1000000x64xf32, #tpu.memory_space<hbm>> -> memref<256x64xf32, #tpu.memory_space<hbm>>
    %dma_start3A_71 = arith.constant 0 : i32
    %dma_start3A_72 = arith.constant 0 : i32
    %dma_start3A_73 = tpu.memref_slice %arg6[%dma_start3A_54, %dma_start3A_71, %dma_start3A_72] : memref<2x256x64xf32, #tpu.memory_space<vmem>> -> memref<1x256x64xf32, #tpu.memory_space<vmem>>
    %dma_start3A_74 = tpu.memref_squeeze %dma_start3A_73 : memref<1x256x64xf32, #tpu.memory_space<vmem>> -> memref<256x64xf32, #tpu.memory_space<vmem>>
    tpu.enqueue_dma source(%dma_start3A_74 : memref<256x64xf32, #tpu.memory_space<vmem>>) target(%dma_start3A_70 : memref<256x64xf32, #tpu.memory_space<hbm>>) target_semaphore(%arg11 : memref<!tpu.dma_semaphore, #tpu.memory_space<semaphore_mem>>)
    %dma_wait3A_75 = arith.constant 0 : i32
    %dma_wait3A_76 = arith.constant 0 : i32
    %dma_wait3A_77 = arith.constant 0 : i32
    %dma_wait3A_78 = tpu.memref_slice %arg6[%dma_wait3A_75, %dma_wait3A_76, %dma_wait3A_77] : memref<2x256x64xf32, #tpu.memory_space<vmem>> -> memref<1x256x64xf32, #tpu.memory_space<vmem>>
    %dma_wait3A_79 = tpu.memref_squeeze %dma_wait3A_78 : memref<1x256x64xf32, #tpu.memory_space<vmem>> -> memref<256x64xf32, #tpu.memory_space<vmem>>
    %dma_wait3A_80 = arith.constant 0 : i32
    %dma_wait3A_81 = arith.constant 0 : i32
    %dma_wait3A_82 = tpu.memref_slice %arg5[%arg0, %dma_wait3A_80, %dma_wait3A_81] : memref<2x1000000x64xf32, #tpu.memory_space<hbm>> -> memref<1x1000000x64xf32, #tpu.memory_space<hbm>>
    %dma_wait3A_83 = tpu.memref_squeeze %dma_wait3A_82 : memref<1x1000000x64xf32, #tpu.memory_space<hbm>> -> memref<1000000x64xf32, #tpu.memory_space<hbm>>
    %dma_wait3A_84 = arith.constant 0 : i32
    %dma_wait3A_85 = arith.constant 0 : i32
    %dma_wait3A_86 = tpu.memref_slice %dma_wait3A_83[%dma_wait3A_84, %dma_wait3A_85] : memref<1000000x64xf32, #tpu.memory_space<hbm>> -> memref<256x64xf32, #tpu.memory_space<hbm>>
    %dma_wait3A_87 = arith.constant 0 : i32
    %dma_wait3A_88 = arith.constant 0 : i32
    %dma_wait3A_89 = tpu.memref_slice %arg5[%arg0, %dma_wait3A_87, %dma_wait3A_88] : memref<2x1000000x64xf32, #tpu.memory_space<hbm>> -> memref<1x1000000x64xf32, #tpu.memory_space<hbm>>
    %dma_wait3A_90 = tpu.memref_squeeze %dma_wait3A_89 : memref<1x1000000x64xf32, #tpu.memory_space<hbm>> -> memref<1000000x64xf32, #tpu.memory_space<hbm>>
    %dma_wait3A_91 = arith.constant 0 : i32
    %dma_wait3A_92 = arith.constant 0 : i32
    %dma_wait3A_93 = tpu.memref_slice %dma_wait3A_90[%dma_wait3A_91, %dma_wait3A_92] : memref<1000000x64xf32, #tpu.memory_space<hbm>> -> memref<256x64xf32, #tpu.memory_space<hbm>>
    %dma_wait3A_94 = arith.constant 0 : i32
    %dma_wait3A_95 = arith.constant 0 : i32
    %dma_wait3A_96 = tpu.memref_slice %arg6[%dma_wait3A_75, %dma_wait3A_94, %dma_wait3A_95] : memref<2x256x64xf32, #tpu.memory_space<vmem>> -> memref<1x256x64xf32, #tpu.memory_space<vmem>>
    %dma_wait3A_97 = tpu.memref_squeeze %dma_wait3A_96 : memref<1x256x64xf32, #tpu.memory_space<vmem>> -> memref<256x64xf32, #tpu.memory_space<vmem>>
    tpu.wait_dma2 semaphore(%arg11 : memref<!tpu.dma_semaphore, #tpu.memory_space<semaphore_mem>>) src(%dma_wait3A_97 : memref<256x64xf32, #tpu.memory_space<vmem>>) dst(%dma_wait3A_93 : memref<256x64xf32, #tpu.memory_space<hbm>>)
    %add3A_98 = arith.constant 32 : i32
    %add3A_99 = arith.addi %add3A_98, %arg1 : i32
    %mul3A_100 = arith.constant 256 : i32
    %mul3A_101 = arith.muli %add3A_99, %mul3A_100 : i32
    %dma_start3A_102 = arith.constant 0 : i32
    %dma_start3A_103 = arith.constant 0 : i32
    %dma_start3A_104 = arith.constant 0 : i32
    %dma_start3A_105 = tpu.memref_slice %arg6[%dma_start3A_102, %dma_start3A_103, %dma_start3A_104] : memref<2x256x64xf32, #tpu.memory_space<vmem>> -> memref<1x256x64xf32, #tpu.memory_space<vmem>>
    %dma_start3A_106 = tpu.memref_squeeze %dma_start3A_105 : memref<1x256x64xf32, #tpu.memory_space<vmem>> -> memref<256x64xf32, #tpu.memory_space<vmem>>
    %dma_start3A_107 = arith.constant 0 : i32
    %dma_start3A_108 = tpu.memref_slice %arg3[%mul3A_101, %dma_start3A_107] : memref<1000000x64xf32, #tpu.memory_space<hbm>> -> memref<256x64xf32, #tpu.memory_space<hbm>>
    %dma_start3A_109 = arith.constant 0 : i32
    %dma_start3A_110 = arith.constant 0 : i32
    %dma_start3A_111 = tpu.memref_slice %arg6[%dma_start3A_102, %dma_start3A_109, %dma_start3A_110] : memref<2x256x64xf32, #tpu.memory_space<vmem>> -> memref<1x256x64xf32, #tpu.memory_space<vmem>>
    %dma_start3A_112 = tpu.memref_squeeze %dma_start3A_111 : memref<1x256x64xf32, #tpu.memory_space<vmem>> -> memref<256x64xf32, #tpu.memory_space<vmem>>
    %dma_start3A_113 = arith.constant 0 : i32
    %dma_start3A_114 = tpu.memref_slice %arg3[%mul3A_101, %dma_start3A_113] : memref<1000000x64xf32, #tpu.memory_space<hbm>> -> memref<256x64xf32, #tpu.memory_space<hbm>>
    tpu.enqueue_dma source(%dma_start3A_114 : memref<256x64xf32, #tpu.memory_space<hbm>>) target(%dma_start3A_112 : memref<256x64xf32, #tpu.memory_space<vmem>>) target_semaphore(%arg9 : memref<!tpu.dma_semaphore, #tpu.memory_space<semaphore_mem>>)
    %dma_wait3A_115 = arith.constant 1 : i32
    %dma_wait3A_116 = arith.constant 0 : i32
    %dma_wait3A_117 = arith.constant 0 : i32
    %dma_wait3A_118 = tpu.memref_slice %arg6[%dma_wait3A_115, %dma_wait3A_116, %dma_wait3A_117] : memref<2x256x64xf32, #tpu.memory_space<vmem>> -> memref<1x256x64xf32, #tpu.memory_space<vmem>>
    %dma_wait3A_119 = tpu.memref_squeeze %dma_wait3A_118 : memref<1x256x64xf32, #tpu.memory_space<vmem>> -> memref<256x64xf32, #tpu.memory_space<vmem>>
    %dma_wait3A_120 = arith.constant 0 : i32
    %dma_wait3A_121 = arith.constant 0 : i32
    %dma_wait3A_122 = tpu.memref_slice %arg3[%dma_wait3A_120, %dma_wait3A_121] : memref<1000000x64xf32, #tpu.memory_space<hbm>> -> memref<256x64xf32, #tpu.memory_space<hbm>>
    %dma_wait3A_123 = arith.constant 0 : i32
    %dma_wait3A_124 = arith.constant 0 : i32
    %dma_wait3A_125 = tpu.memref_slice %arg6[%dma_wait3A_115, %dma_wait3A_123, %dma_wait3A_124] : memref<2x256x64xf32, #tpu.memory_space<vmem>> -> memref<1x256x64xf32, #tpu.memory_space<vmem>>
    %dma_wait3A_126 = tpu.memref_squeeze %dma_wait3A_125 : memref<1x256x64xf32, #tpu.memory_space<vmem>> -> memref<256x64xf32, #tpu.memory_space<vmem>>
    %dma_wait3A_127 = arith.constant 0 : i32
    %dma_wait3A_128 = arith.constant 0 : i32
    %dma_wait3A_129 = tpu.memref_slice %arg3[%dma_wait3A_127, %dma_wait3A_128] : memref<1000000x64xf32, #tpu.memory_space<hbm>> -> memref<256x64xf32, #tpu.memory_space<hbm>>
    tpu.wait_dma2 semaphore(%arg10 : memref<!tpu.dma_semaphore, #tpu.memory_space<semaphore_mem>>) src(%dma_wait3A_129 : memref<256x64xf32, #tpu.memory_space<hbm>>) dst(%dma_wait3A_126 : memref<256x64xf32, #tpu.memory_space<vmem>>)
    %add3A_130 = arith.constant 16 : i32
    %add3A_131 = arith.addi %add3A_130, %arg1 : i32
    %mul3A_132 = arith.constant 256 : i32
    %mul3A_133 = arith.muli %add3A_131, %mul3A_132 : i32
    %dma_start3A_134 = arith.constant 1 : i32
    %dma_start3A_135 = arith.constant 0 : i32
    %dma_start3A_136 = arith.constant 0 : i32
    %dma_start3A_137 = tpu.memref_slice %arg6[%dma_start3A_134, %dma_start3A_135, %dma_start3A_136] : memref<2x256x64xf32, #tpu.memory_space<vmem>> -> memref<1x256x64xf32, #tpu.memory_space<vmem>>
    %dma_start3A_138 = tpu.memref_squeeze %dma_start3A_137 : memref<1x256x64xf32, #tpu.memory_space<vmem>> -> memref<256x64xf32, #tpu.memory_space<vmem>>
    %dma_start3A_139 = arith.constant 0 : i32
    %dma_start3A_140 = arith.constant 0 : i32
    %dma_start3A_141 = tpu.memref_slice %arg5[%arg0, %dma_start3A_139, %dma_start3A_140] : memref<2x1000000x64xf32, #tpu.memory_space<hbm>> -> memref<1x1000000x64xf32, #tpu.memory_space<hbm>>
    %dma_start3A_142 = tpu.memref_squeeze %dma_start3A_141 : memref<1x1000000x64xf32, #tpu.memory_space<hbm>> -> memref<1000000x64xf32, #tpu.memory_space<hbm>>
    %dma_start3A_143 = arith.constant 0 : i32
    %dma_start3A_144 = tpu.memref_slice %dma_start3A_142[%mul3A_133, %dma_start3A_143] : memref<1000000x64xf32, #tpu.memory_space<hbm>> -> memref<256x64xf32, #tpu.memory_space<hbm>>
    %dma_start3A_145 = arith.constant 0 : i32
    %dma_start3A_146 = arith.constant 0 : i32
    %dma_start3A_147 = tpu.memref_slice %arg5[%arg0, %dma_start3A_145, %dma_start3A_146] : memref<2x1000000x64xf32, #tpu.memory_space<hbm>> -> memref<1x1000000x64xf32, #tpu.memory_space<hbm>>
    %dma_start3A_148 = tpu.memref_squeeze %dma_start3A_147 : memref<1x1000000x64xf32, #tpu.memory_space<hbm>> -> memref<1000000x64xf32, #tpu.memory_space<hbm>>
    %dma_start3A_149 = arith.constant 0 : i32
    %dma_start3A_150 = tpu.memref_slice %dma_start3A_148[%mul3A_133, %dma_start3A_149] : memref<1000000x64xf32, #tpu.memory_space<hbm>> -> memref<256x64xf32, #tpu.memory_space<hbm>>
    %dma_start3A_151 = arith.constant 0 : i32
    %dma_start3A_152 = arith.constant 0 : i32
    %dma_start3A_153 = tpu.memref_slice %arg6[%dma_start3A_134, %dma_start3A_151, %dma_start3A_152] : memref<2x256x64xf32, #tpu.memory_space<vmem>> -> memref<1x256x64xf32, #tpu.memory_space<vmem>>
    %dma_start3A_154 = tpu.memref_squeeze %dma_start3A_153 : memref<1x256x64xf32, #tpu.memory_space<vmem>> -> memref<256x64xf32, #tpu.memory_space<vmem>>
    tpu.enqueue_dma source(%dma_start3A_154 : memref<256x64xf32, #tpu.memory_space<vmem>>) target(%dma_start3A_150 : memref<256x64xf32, #tpu.memory_space<hbm>>) target_semaphore(%arg12 : memref<!tpu.dma_semaphore, #tpu.memory_space<semaphore_mem>>)
    %scan3A = arith.constant 0 : i32
    %scan3A_155 = arith.constant 1 : i32
    %scan3A_156 = arith.constant 120 : i32
    %scan3A_157 = arith.addi %scan3A_155, %scan3A_156 : i32
    %scan3A_158 = arith.constant 1 : i32
    scf.for %scan3A_591 = %scan3A_155 to %scan3A_157 step %scan3A_158  : i32 {
      %mul3A_592 = arith.constant 2 : i32
      %mul3A_593 = arith.muli %mul3A_592, %scan3A_591 : i32
      %dma_wait3A_594 = arith.constant 1 : i32
      %dma_wait3A_595 = arith.constant 0 : i32
      %dma_wait3A_596 = arith.constant 0 : i32
      %dma_wait3A_597 = tpu.memref_slice %arg6[%dma_wait3A_594, %dma_wait3A_595, %dma_wait3A_596] : memref<2x256x64xf32, #tpu.memory_space<vmem>> -> memref<1x256x64xf32, #tpu.memory_space<vmem>>
      %dma_wait3A_598 = tpu.memref_squeeze %dma_wait3A_597 : memref<1x256x64xf32, #tpu.memory_space<vmem>> -> memref<256x64xf32, #tpu.memory_space<vmem>>
      %dma_wait3A_599 = arith.constant 0 : i32
      %dma_wait3A_600 = arith.constant 0 : i32
      %dma_wait3A_601 = tpu.memref_slice %arg5[%arg0, %dma_wait3A_599, %dma_wait3A_600] : memref<2x1000000x64xf32, #tpu.memory_space<hbm>> -> memref<1x1000000x64xf32, #tpu.memory_space<hbm>>
      %dma_wait3A_602 = tpu.memref_squeeze %dma_wait3A_601 : memref<1x1000000x64xf32, #tpu.memory_space<hbm>> -> memref<1000000x64xf32, #tpu.memory_space<hbm>>
      %dma_wait3A_603 = arith.constant 0 : i32
      %dma_wait3A_604 = arith.constant 0 : i32
      %dma_wait3A_605 = tpu.memref_slice %dma_wait3A_602[%dma_wait3A_603, %dma_wait3A_604] : memref<1000000x64xf32, #tpu.memory_space<hbm>> -> memref<256x64xf32, #tpu.memory_space<hbm>>
      %dma_wait3A_606 = arith.constant 0 : i32
      %dma_wait3A_607 = arith.constant 0 : i32
      %dma_wait3A_608 = tpu.memref_slice %arg5[%arg0, %dma_wait3A_606, %dma_wait3A_607] : memref<2x1000000x64xf32, #tpu.memory_space<hbm>> -> memref<1x1000000x64xf32, #tpu.memory_space<hbm>>
      %dma_wait3A_609 = tpu.memref_squeeze %dma_wait3A_608 : memref<1x1000000x64xf32, #tpu.memory_space<hbm>> -> memref<1000000x64xf32, #tpu.memory_space<hbm>>
      %dma_wait3A_610 = arith.constant 0 : i32
      %dma_wait3A_611 = arith.constant 0 : i32
      %dma_wait3A_612 = tpu.memref_slice %dma_wait3A_609[%dma_wait3A_610, %dma_wait3A_611] : memref<1000000x64xf32, #tpu.memory_space<hbm>> -> memref<256x64xf32, #tpu.memory_space<hbm>>
      %dma_wait3A_613 = arith.constant 0 : i32
      %dma_wait3A_614 = arith.constant 0 : i32
      %dma_wait3A_615 = tpu.memref_slice %arg6[%dma_wait3A_594, %dma_wait3A_613, %dma_wait3A_614] : memref<2x256x64xf32, #tpu.memory_space<vmem>> -> memref<1x256x64xf32, #tpu.memory_space<vmem>>
      %dma_wait3A_616 = tpu.memref_squeeze %dma_wait3A_615 : memref<1x256x64xf32, #tpu.memory_space<vmem>> -> memref<256x64xf32, #tpu.memory_space<vmem>>
      tpu.wait_dma2 semaphore(%arg12 : memref<!tpu.dma_semaphore, #tpu.memory_space<semaphore_mem>>) src(%dma_wait3A_616 : memref<256x64xf32, #tpu.memory_space<vmem>>) dst(%dma_wait3A_612 : memref<256x64xf32, #tpu.memory_space<hbm>>)
      %add3A_617 = arith.constant 1 : i32
      %add3A_618 = arith.addi %mul3A_593, %add3A_617 : i32
      %mul3A_619 = arith.constant 16 : i32
      %mul3A_620 = arith.muli %add3A_618, %mul3A_619 : i32
      %add3A_621 = arith.addi %mul3A_620, %arg1 : i32
      %mul3A_622 = arith.constant 256 : i32
      %mul3A_623 = arith.muli %add3A_621, %mul3A_622 : i32
      %dma_start3A_624 = arith.constant 1 : i32
      %dma_start3A_625 = arith.constant 0 : i32
      %dma_start3A_626 = arith.constant 0 : i32
      %dma_start3A_627 = tpu.memref_slice %arg6[%dma_start3A_624, %dma_start3A_625, %dma_start3A_626] : memref<2x256x64xf32, #tpu.memory_space<vmem>> -> memref<1x256x64xf32, #tpu.memory_space<vmem>>
      %dma_start3A_628 = tpu.memref_squeeze %dma_start3A_627 : memref<1x256x64xf32, #tpu.memory_space<vmem>> -> memref<256x64xf32, #tpu.memory_space<vmem>>
      %dma_start3A_629 = arith.constant 0 : i32
      %dma_start3A_630 = tpu.memref_slice %arg3[%mul3A_623, %dma_start3A_629] : memref<1000000x64xf32, #tpu.memory_space<hbm>> -> memref<256x64xf32, #tpu.memory_space<hbm>>
      %dma_start3A_631 = arith.constant 0 : i32
      %dma_start3A_632 = arith.constant 0 : i32
      %dma_start3A_633 = tpu.memref_slice %arg6[%dma_start3A_624, %dma_start3A_631, %dma_start3A_632] : memref<2x256x64xf32, #tpu.memory_space<vmem>> -> memref<1x256x64xf32, #tpu.memory_space<vmem>>
      %dma_start3A_634 = tpu.memref_squeeze %dma_start3A_633 : memref<1x256x64xf32, #tpu.memory_space<vmem>> -> memref<256x64xf32, #tpu.memory_space<vmem>>
      %dma_start3A_635 = arith.constant 0 : i32
      %dma_start3A_636 = tpu.memref_slice %arg3[%mul3A_623, %dma_start3A_635] : memref<1000000x64xf32, #tpu.memory_space<hbm>> -> memref<256x64xf32, #tpu.memory_space<hbm>>
      tpu.enqueue_dma source(%dma_start3A_636 : memref<256x64xf32, #tpu.memory_space<hbm>>) target(%dma_start3A_634 : memref<256x64xf32, #tpu.memory_space<vmem>>) target_semaphore(%arg10 : memref<!tpu.dma_semaphore, #tpu.memory_space<semaphore_mem>>)
      %dma_wait3A_637 = arith.constant 0 : i32
      %dma_wait3A_638 = arith.constant 0 : i32
      %dma_wait3A_639 = arith.constant 0 : i32
      %dma_wait3A_640 = tpu.memref_slice %arg6[%dma_wait3A_637, %dma_wait3A_638, %dma_wait3A_639] : memref<2x256x64xf32, #tpu.memory_space<vmem>> -> memref<1x256x64xf32, #tpu.memory_space<vmem>>
      %dma_wait3A_641 = tpu.memref_squeeze %dma_wait3A_640 : memref<1x256x64xf32, #tpu.memory_space<vmem>> -> memref<256x64xf32, #tpu.memory_space<vmem>>
      %dma_wait3A_642 = arith.constant 0 : i32
      %dma_wait3A_643 = arith.constant 0 : i32
      %dma_wait3A_644 = tpu.memref_slice %arg3[%dma_wait3A_642, %dma_wait3A_643] : memref<1000000x64xf32, #tpu.memory_space<hbm>> -> memref<256x64xf32, #tpu.memory_space<hbm>>
      %dma_wait3A_645 = arith.constant 0 : i32
      %dma_wait3A_646 = arith.constant 0 : i32
      %dma_wait3A_647 = tpu.memref_slice %arg6[%dma_wait3A_637, %dma_wait3A_645, %dma_wait3A_646] : memref<2x256x64xf32, #tpu.memory_space<vmem>> -> memref<1x256x64xf32, #tpu.memory_space<vmem>>
      %dma_wait3A_648 = tpu.memref_squeeze %dma_wait3A_647 : memref<1x256x64xf32, #tpu.memory_space<vmem>> -> memref<256x64xf32, #tpu.memory_space<vmem>>
      %dma_wait3A_649 = arith.constant 0 : i32
      %dma_wait3A_650 = arith.constant 0 : i32
      %dma_wait3A_651 = tpu.memref_slice %arg3[%dma_wait3A_649, %dma_wait3A_650] : memref<1000000x64xf32, #tpu.memory_space<hbm>> -> memref<256x64xf32, #tpu.memory_space<hbm>>
      tpu.wait_dma2 semaphore(%arg9 : memref<!tpu.dma_semaphore, #tpu.memory_space<semaphore_mem>>) src(%dma_wait3A_651 : memref<256x64xf32, #tpu.memory_space<hbm>>) dst(%dma_wait3A_648 : memref<256x64xf32, #tpu.memory_space<vmem>>)
      %mul3A_652 = arith.constant 16 : i32
      %mul3A_653 = arith.muli %mul3A_593, %mul3A_652 : i32
      %add3A_654 = arith.addi %mul3A_653, %arg1 : i32
      %mul3A_655 = arith.constant 256 : i32
      %mul3A_656 = arith.muli %add3A_654, %mul3A_655 : i32
      %dma_start3A_657 = arith.constant 0 : i32
      %dma_start3A_658 = arith.constant 0 : i32
      %dma_start3A_659 = arith.constant 0 : i32
      %dma_start3A_660 = tpu.memref_slice %arg6[%dma_start3A_657, %dma_start3A_658, %dma_start3A_659] : memref<2x256x64xf32, #tpu.memory_space<vmem>> -> memref<1x256x64xf32, #tpu.memory_space<vmem>>
      %dma_start3A_661 = tpu.memref_squeeze %dma_start3A_660 : memref<1x256x64xf32, #tpu.memory_space<vmem>> -> memref<256x64xf32, #tpu.memory_space<vmem>>
      %dma_start3A_662 = arith.constant 0 : i32
      %dma_start3A_663 = arith.constant 0 : i32
      %dma_start3A_664 = tpu.memref_slice %arg5[%arg0, %dma_start3A_662, %dma_start3A_663] : memref<2x1000000x64xf32, #tpu.memory_space<hbm>> -> memref<1x1000000x64xf32, #tpu.memory_space<hbm>>
      %dma_start3A_665 = tpu.memref_squeeze %dma_start3A_664 : memref<1x1000000x64xf32, #tpu.memory_space<hbm>> -> memref<1000000x64xf32, #tpu.memory_space<hbm>>
      %dma_start3A_666 = arith.constant 0 : i32
      %dma_start3A_667 = tpu.memref_slice %dma_start3A_665[%mul3A_656, %dma_start3A_666] : memref<1000000x64xf32, #tpu.memory_space<hbm>> -> memref<256x64xf32, #tpu.memory_space<hbm>>
      %dma_start3A_668 = arith.constant 0 : i32
      %dma_start3A_669 = arith.constant 0 : i32
      %dma_start3A_670 = tpu.memref_slice %arg5[%arg0, %dma_start3A_668, %dma_start3A_669] : memref<2x1000000x64xf32, #tpu.memory_space<hbm>> -> memref<1x1000000x64xf32, #tpu.memory_space<hbm>>
      %dma_start3A_671 = tpu.memref_squeeze %dma_start3A_670 : memref<1x1000000x64xf32, #tpu.memory_space<hbm>> -> memref<1000000x64xf32, #tpu.memory_space<hbm>>
      %dma_start3A_672 = arith.constant 0 : i32
      %dma_start3A_673 = tpu.memref_slice %dma_start3A_671[%mul3A_656, %dma_start3A_672] : memref<1000000x64xf32, #tpu.memory_space<hbm>> -> memref<256x64xf32, #tpu.memory_space<hbm>>
      %dma_start3A_674 = arith.constant 0 : i32
      %dma_start3A_675 = arith.constant 0 : i32
      %dma_start3A_676 = tpu.memref_slice %arg6[%dma_start3A_657, %dma_start3A_674, %dma_start3A_675] : memref<2x256x64xf32, #tpu.memory_space<vmem>> -> memref<1x256x64xf32, #tpu.memory_space<vmem>>
      %dma_start3A_677 = tpu.memref_squeeze %dma_start3A_676 : memref<1x256x64xf32, #tpu.memory_space<vmem>> -> memref<256x64xf32, #tpu.memory_space<vmem>>
      tpu.enqueue_dma source(%dma_start3A_677 : memref<256x64xf32, #tpu.memory_space<vmem>>) target(%dma_start3A_673 : memref<256x64xf32, #tpu.memory_space<hbm>>) target_semaphore(%arg11 : memref<!tpu.dma_semaphore, #tpu.memory_space<semaphore_mem>>)
      %mul3A_678 = arith.constant 2 : i32
      %mul3A_679 = arith.muli %mul3A_678, %scan3A_591 : i32
      %add3A_680 = arith.constant 1 : i32
      %add3A_681 = arith.addi %mul3A_679, %add3A_680 : i32
      %dma_wait3A_682 = arith.constant 0 : i32
      %dma_wait3A_683 = arith.constant 0 : i32
      %dma_wait3A_684 = arith.constant 0 : i32
      %dma_wait3A_685 = tpu.memref_slice %arg6[%dma_wait3A_682, %dma_wait3A_683, %dma_wait3A_684] : memref<2x256x64xf32, #tpu.memory_space<vmem>> -> memref<1x256x64xf32, #tpu.memory_space<vmem>>
      %dma_wait3A_686 = tpu.memref_squeeze %dma_wait3A_685 : memref<1x256x64xf32, #tpu.memory_space<vmem>> -> memref<256x64xf32, #tpu.memory_space<vmem>>
      %dma_wait3A_687 = arith.constant 0 : i32
      %dma_wait3A_688 = arith.constant 0 : i32
      %dma_wait3A_689 = tpu.memref_slice %arg5[%arg0, %dma_wait3A_687, %dma_wait3A_688] : memref<2x1000000x64xf32, #tpu.memory_space<hbm>> -> memref<1x1000000x64xf32, #tpu.memory_space<hbm>>
      %dma_wait3A_690 = tpu.memref_squeeze %dma_wait3A_689 : memref<1x1000000x64xf32, #tpu.memory_space<hbm>> -> memref<1000000x64xf32, #tpu.memory_space<hbm>>
      %dma_wait3A_691 = arith.constant 0 : i32
      %dma_wait3A_692 = arith.constant 0 : i32
      %dma_wait3A_693 = tpu.memref_slice %dma_wait3A_690[%dma_wait3A_691, %dma_wait3A_692] : memref<1000000x64xf32, #tpu.memory_space<hbm>> -> memref<256x64xf32, #tpu.memory_space<hbm>>
      %dma_wait3A_694 = arith.constant 0 : i32
      %dma_wait3A_695 = arith.constant 0 : i32
      %dma_wait3A_696 = tpu.memref_slice %arg5[%arg0, %dma_wait3A_694, %dma_wait3A_695] : memref<2x1000000x64xf32, #tpu.memory_space<hbm>> -> memref<1x1000000x64xf32, #tpu.memory_space<hbm>>
      %dma_wait3A_697 = tpu.memref_squeeze %dma_wait3A_696 : memref<1x1000000x64xf32, #tpu.memory_space<hbm>> -> memref<1000000x64xf32, #tpu.memory_space<hbm>>
      %dma_wait3A_698 = arith.constant 0 : i32
      %dma_wait3A_699 = arith.constant 0 : i32
      %dma_wait3A_700 = tpu.memref_slice %dma_wait3A_697[%dma_wait3A_698, %dma_wait3A_699] : memref<1000000x64xf32, #tpu.memory_space<hbm>> -> memref<256x64xf32, #tpu.memory_space<hbm>>
      %dma_wait3A_701 = arith.constant 0 : i32
      %dma_wait3A_702 = arith.constant 0 : i32
      %dma_wait3A_703 = tpu.memref_slice %arg6[%dma_wait3A_682, %dma_wait3A_701, %dma_wait3A_702] : memref<2x256x64xf32, #tpu.memory_space<vmem>> -> memref<1x256x64xf32, #tpu.memory_space<vmem>>
      %dma_wait3A_704 = tpu.memref_squeeze %dma_wait3A_703 : memref<1x256x64xf32, #tpu.memory_space<vmem>> -> memref<256x64xf32, #tpu.memory_space<vmem>>
      tpu.wait_dma2 semaphore(%arg11 : memref<!tpu.dma_semaphore, #tpu.memory_space<semaphore_mem>>) src(%dma_wait3A_704 : memref<256x64xf32, #tpu.memory_space<vmem>>) dst(%dma_wait3A_700 : memref<256x64xf32, #tpu.memory_space<hbm>>)
      %add3A_705 = arith.constant 1 : i32
      %add3A_706 = arith.addi %add3A_681, %add3A_705 : i32
      %mul3A_707 = arith.constant 16 : i32
      %mul3A_708 = arith.muli %add3A_706, %mul3A_707 : i32
      %add3A_709 = arith.addi %mul3A_708, %arg1 : i32
      %mul3A_710 = arith.constant 256 : i32
      %mul3A_711 = arith.muli %add3A_709, %mul3A_710 : i32
      %dma_start3A_712 = arith.constant 0 : i32
      %dma_start3A_713 = arith.constant 0 : i32
      %dma_start3A_714 = arith.constant 0 : i32
      %dma_start3A_715 = tpu.memref_slice %arg6[%dma_start3A_712, %dma_start3A_713, %dma_start3A_714] : memref<2x256x64xf32, #tpu.memory_space<vmem>> -> memref<1x256x64xf32, #tpu.memory_space<vmem>>
      %dma_start3A_716 = tpu.memref_squeeze %dma_start3A_715 : memref<1x256x64xf32, #tpu.memory_space<vmem>> -> memref<256x64xf32, #tpu.memory_space<vmem>>
      %dma_start3A_717 = arith.constant 0 : i32
      %dma_start3A_718 = tpu.memref_slice %arg3[%mul3A_711, %dma_start3A_717] : memref<1000000x64xf32, #tpu.memory_space<hbm>> -> memref<256x64xf32, #tpu.memory_space<hbm>>
      %dma_start3A_719 = arith.constant 0 : i32
      %dma_start3A_720 = arith.constant 0 : i32
      %dma_start3A_721 = tpu.memref_slice %arg6[%dma_start3A_712, %dma_start3A_719, %dma_start3A_720] : memref<2x256x64xf32, #tpu.memory_space<vmem>> -> memref<1x256x64xf32, #tpu.memory_space<vmem>>
      %dma_start3A_722 = tpu.memref_squeeze %dma_start3A_721 : memref<1x256x64xf32, #tpu.memory_space<vmem>> -> memref<256x64xf32, #tpu.memory_space<vmem>>
      %dma_start3A_723 = arith.constant 0 : i32
      %dma_start3A_724 = tpu.memref_slice %arg3[%mul3A_711, %dma_start3A_723] : memref<1000000x64xf32, #tpu.memory_space<hbm>> -> memref<256x64xf32, #tpu.memory_space<hbm>>
      tpu.enqueue_dma source(%dma_start3A_724 : memref<256x64xf32, #tpu.memory_space<hbm>>) target(%dma_start3A_722 : memref<256x64xf32, #tpu.memory_space<vmem>>) target_semaphore(%arg9 : memref<!tpu.dma_semaphore, #tpu.memory_space<semaphore_mem>>)
      %dma_wait3A_725 = arith.constant 1 : i32
      %dma_wait3A_726 = arith.constant 0 : i32
      %dma_wait3A_727 = arith.constant 0 : i32
      %dma_wait3A_728 = tpu.memref_slice %arg6[%dma_wait3A_725, %dma_wait3A_726, %dma_wait3A_727] : memref<2x256x64xf32, #tpu.memory_space<vmem>> -> memref<1x256x64xf32, #tpu.memory_space<vmem>>
      %dma_wait3A_729 = tpu.memref_squeeze %dma_wait3A_728 : memref<1x256x64xf32, #tpu.memory_space<vmem>> -> memref<256x64xf32, #tpu.memory_space<vmem>>
      %dma_wait3A_730 = arith.constant 0 : i32
      %dma_wait3A_731 = arith.constant 0 : i32
      %dma_wait3A_732 = tpu.memref_slice %arg3[%dma_wait3A_730, %dma_wait3A_731] : memref<1000000x64xf32, #tpu.memory_space<hbm>> -> memref<256x64xf32, #tpu.memory_space<hbm>>
      %dma_wait3A_733 = arith.constant 0 : i32
      %dma_wait3A_734 = arith.constant 0 : i32
      %dma_wait3A_735 = tpu.memref_slice %arg6[%dma_wait3A_725, %dma_wait3A_733, %dma_wait3A_734] : memref<2x256x64xf32, #tpu.memory_space<vmem>> -> memref<1x256x64xf32, #tpu.memory_space<vmem>>
      %dma_wait3A_736 = tpu.memref_squeeze %dma_wait3A_735 : memref<1x256x64xf32, #tpu.memory_space<vmem>> -> memref<256x64xf32, #tpu.memory_space<vmem>>
      %dma_wait3A_737 = arith.constant 0 : i32
      %dma_wait3A_738 = arith.constant 0 : i32
      %dma_wait3A_739 = tpu.memref_slice %arg3[%dma_wait3A_737, %dma_wait3A_738] : memref<1000000x64xf32, #tpu.memory_space<hbm>> -> memref<256x64xf32, #tpu.memory_space<hbm>>
      tpu.wait_dma2 semaphore(%arg10 : memref<!tpu.dma_semaphore, #tpu.memory_space<semaphore_mem>>) src(%dma_wait3A_739 : memref<256x64xf32, #tpu.memory_space<hbm>>) dst(%dma_wait3A_736 : memref<256x64xf32, #tpu.memory_space<vmem>>)
      %mul3A_740 = arith.constant 16 : i32
      %mul3A_741 = arith.muli %add3A_681, %mul3A_740 : i32
      %add3A_742 = arith.addi %mul3A_741, %arg1 : i32
      %mul3A_743 = arith.constant 256 : i32
      %mul3A_744 = arith.muli %add3A_742, %mul3A_743 : i32
      %dma_start3A_745 = arith.constant 1 : i32
      %dma_start3A_746 = arith.constant 0 : i32
      %dma_start3A_747 = arith.constant 0 : i32
      %dma_start3A_748 = tpu.memref_slice %arg6[%dma_start3A_745, %dma_start3A_746, %dma_start3A_747] : memref<2x256x64xf32, #tpu.memory_space<vmem>> -> memref<1x256x64xf32, #tpu.memory_space<vmem>>
      %dma_start3A_749 = tpu.memref_squeeze %dma_start3A_748 : memref<1x256x64xf32, #tpu.memory_space<vmem>> -> memref<256x64xf32, #tpu.memory_space<vmem>>
      %dma_start3A_750 = arith.constant 0 : i32
      %dma_start3A_751 = arith.constant 0 : i32
      %dma_start3A_752 = tpu.memref_slice %arg5[%arg0, %dma_start3A_750, %dma_start3A_751] : memref<2x1000000x64xf32, #tpu.memory_space<hbm>> -> memref<1x1000000x64xf32, #tpu.memory_space<hbm>>
      %dma_start3A_753 = tpu.memref_squeeze %dma_start3A_752 : memref<1x1000000x64xf32, #tpu.memory_space<hbm>> -> memref<1000000x64xf32, #tpu.memory_space<hbm>>
      %dma_start3A_754 = arith.constant 0 : i32
      %dma_start3A_755 = tpu.memref_slice %dma_start3A_753[%mul3A_744, %dma_start3A_754] : memref<1000000x64xf32, #tpu.memory_space<hbm>> -> memref<256x64xf32, #tpu.memory_space<hbm>>
      %dma_start3A_756 = arith.constant 0 : i32
      %dma_start3A_757 = arith.constant 0 : i32
      %dma_start3A_758 = tpu.memref_slice %arg5[%arg0, %dma_start3A_756, %dma_start3A_757] : memref<2x1000000x64xf32, #tpu.memory_space<hbm>> -> memref<1x1000000x64xf32, #tpu.memory_space<hbm>>
      %dma_start3A_759 = tpu.memref_squeeze %dma_start3A_758 : memref<1x1000000x64xf32, #tpu.memory_space<hbm>> -> memref<1000000x64xf32, #tpu.memory_space<hbm>>
      %dma_start3A_760 = arith.constant 0 : i32
      %dma_start3A_761 = tpu.memref_slice %dma_start3A_759[%mul3A_744, %dma_start3A_760] : memref<1000000x64xf32, #tpu.memory_space<hbm>> -> memref<256x64xf32, #tpu.memory_space<hbm>>
      %dma_start3A_762 = arith.constant 0 : i32
      %dma_start3A_763 = arith.constant 0 : i32
      %dma_start3A_764 = tpu.memref_slice %arg6[%dma_start3A_745, %dma_start3A_762, %dma_start3A_763] : memref<2x256x64xf32, #tpu.memory_space<vmem>> -> memref<1x256x64xf32, #tpu.memory_space<vmem>>
      %dma_start3A_765 = tpu.memref_squeeze %dma_start3A_764 : memref<1x256x64xf32, #tpu.memory_space<vmem>> -> memref<256x64xf32, #tpu.memory_space<vmem>>
      tpu.enqueue_dma source(%dma_start3A_765 : memref<256x64xf32, #tpu.memory_space<vmem>>) target(%dma_start3A_761 : memref<256x64xf32, #tpu.memory_space<hbm>>) target_semaphore(%arg12 : memref<!tpu.dma_semaphore, #tpu.memory_space<semaphore_mem>>)
    }
    %scan3A_159 = arith.constant 120 : i32
    %dma_wait3A_160 = arith.constant 1 : i32
    %dma_wait3A_161 = arith.constant 0 : i32
    %dma_wait3A_162 = arith.constant 0 : i32
    %dma_wait3A_163 = tpu.memref_slice %arg6[%dma_wait3A_160, %dma_wait3A_161, %dma_wait3A_162] : memref<2x256x64xf32, #tpu.memory_space<vmem>> -> memref<1x256x64xf32, #tpu.memory_space<vmem>>
    %dma_wait3A_164 = tpu.memref_squeeze %dma_wait3A_163 : memref<1x256x64xf32, #tpu.memory_space<vmem>> -> memref<256x64xf32, #tpu.memory_space<vmem>>
    %dma_wait3A_165 = arith.constant 0 : i32
    %dma_wait3A_166 = arith.constant 0 : i32
    %dma_wait3A_167 = tpu.memref_slice %arg5[%arg0, %dma_wait3A_165, %dma_wait3A_166] : memref<2x1000000x64xf32, #tpu.memory_space<hbm>> -> memref<1x1000000x64xf32, #tpu.memory_space<hbm>>
    %dma_wait3A_168 = tpu.memref_squeeze %dma_wait3A_167 : memref<1x1000000x64xf32, #tpu.memory_space<hbm>> -> memref<1000000x64xf32, #tpu.memory_space<hbm>>
    %dma_wait3A_169 = arith.constant 0 : i32
    %dma_wait3A_170 = arith.constant 0 : i32
    %dma_wait3A_171 = tpu.memref_slice %dma_wait3A_168[%dma_wait3A_169, %dma_wait3A_170] : memref<1000000x64xf32, #tpu.memory_space<hbm>> -> memref<256x64xf32, #tpu.memory_space<hbm>>
    %dma_wait3A_172 = arith.constant 0 : i32
    %dma_wait3A_173 = arith.constant 0 : i32
    %dma_wait3A_174 = tpu.memref_slice %arg5[%arg0, %dma_wait3A_172, %dma_wait3A_173] : memref<2x1000000x64xf32, #tpu.memory_space<hbm>> -> memref<1x1000000x64xf32, #tpu.memory_space<hbm>>
    %dma_wait3A_175 = tpu.memref_squeeze %dma_wait3A_174 : memref<1x1000000x64xf32, #tpu.memory_space<hbm>> -> memref<1000000x64xf32, #tpu.memory_space<hbm>>
    %dma_wait3A_176 = arith.constant 0 : i32
    %dma_wait3A_177 = arith.constant 0 : i32
    %dma_wait3A_178 = tpu.memref_slice %dma_wait3A_175[%dma_wait3A_176, %dma_wait3A_177] : memref<1000000x64xf32, #tpu.memory_space<hbm>> -> memref<256x64xf32, #tpu.memory_space<hbm>>
    %dma_wait3A_179 = arith.constant 0 : i32
    %dma_wait3A_180 = arith.constant 0 : i32
    %dma_wait3A_181 = tpu.memref_slice %arg6[%dma_wait3A_160, %dma_wait3A_179, %dma_wait3A_180] : memref<2x256x64xf32, #tpu.memory_space<vmem>> -> memref<1x256x64xf32, #tpu.memory_space<vmem>>
    %dma_wait3A_182 = tpu.memref_squeeze %dma_wait3A_181 : memref<1x256x64xf32, #tpu.memory_space<vmem>> -> memref<256x64xf32, #tpu.memory_space<vmem>>
    tpu.wait_dma2 semaphore(%arg12 : memref<!tpu.dma_semaphore, #tpu.memory_space<semaphore_mem>>) src(%dma_wait3A_182 : memref<256x64xf32, #tpu.memory_space<vmem>>) dst(%dma_wait3A_178 : memref<256x64xf32, #tpu.memory_space<hbm>>)
    %add3A_183 = arith.constant 3888 : i32
    %add3A_184 = arith.addi %add3A_183, %arg1 : i32
    %mul3A_185 = arith.constant 256 : i32
    %mul3A_186 = arith.muli %add3A_184, %mul3A_185 : i32
    %dma_start3A_187 = arith.constant 1 : i32
    %dma_start3A_188 = arith.constant 0 : i32
    %dma_start3A_189 = arith.constant 0 : i32
    %dma_start3A_190 = tpu.memref_slice %arg6[%dma_start3A_187, %dma_start3A_188, %dma_start3A_189] : memref<2x256x64xf32, #tpu.memory_space<vmem>> -> memref<1x256x64xf32, #tpu.memory_space<vmem>>
    %dma_start3A_191 = tpu.memref_squeeze %dma_start3A_190 : memref<1x256x64xf32, #tpu.memory_space<vmem>> -> memref<256x64xf32, #tpu.memory_space<vmem>>
    %dma_start3A_192 = arith.constant 0 : i32
    %dma_start3A_193 = tpu.memref_slice %arg3[%mul3A_186, %dma_start3A_192] : memref<1000000x64xf32, #tpu.memory_space<hbm>> -> memref<256x64xf32, #tpu.memory_space<hbm>>
    %dma_start3A_194 = arith.constant 0 : i32
    %dma_start3A_195 = arith.constant 0 : i32
    %dma_start3A_196 = tpu.memref_slice %arg6[%dma_start3A_187, %dma_start3A_194, %dma_start3A_195] : memref<2x256x64xf32, #tpu.memory_space<vmem>> -> memref<1x256x64xf32, #tpu.memory_space<vmem>>
    %dma_start3A_197 = tpu.memref_squeeze %dma_start3A_196 : memref<1x256x64xf32, #tpu.memory_space<vmem>> -> memref<256x64xf32, #tpu.memory_space<vmem>>
    %dma_start3A_198 = arith.constant 0 : i32
    %dma_start3A_199 = tpu.memref_slice %arg3[%mul3A_186, %dma_start3A_198] : memref<1000000x64xf32, #tpu.memory_space<hbm>> -> memref<256x64xf32, #tpu.memory_space<hbm>>
    tpu.enqueue_dma source(%dma_start3A_199 : memref<256x64xf32, #tpu.memory_space<hbm>>) target(%dma_start3A_197 : memref<256x64xf32, #tpu.memory_space<vmem>>) target_semaphore(%arg10 : memref<!tpu.dma_semaphore, #tpu.memory_space<semaphore_mem>>)
    %dma_wait3A_200 = arith.constant 0 : i32
    %dma_wait3A_201 = arith.constant 0 : i32
    %dma_wait3A_202 = arith.constant 0 : i32
    %dma_wait3A_203 = tpu.memref_slice %arg6[%dma_wait3A_200, %dma_wait3A_201, %dma_wait3A_202] : memref<2x256x64xf32, #tpu.memory_space<vmem>> -> memref<1x256x64xf32, #tpu.memory_space<vmem>>
    %dma_wait3A_204 = tpu.memref_squeeze %dma_wait3A_203 : memref<1x256x64xf32, #tpu.memory_space<vmem>> -> memref<256x64xf32, #tpu.memory_space<vmem>>
    %dma_wait3A_205 = arith.constant 0 : i32
    %dma_wait3A_206 = arith.constant 0 : i32
    %dma_wait3A_207 = tpu.memref_slice %arg3[%dma_wait3A_205, %dma_wait3A_206] : memref<1000000x64xf32, #tpu.memory_space<hbm>> -> memref<256x64xf32, #tpu.memory_space<hbm>>
    %dma_wait3A_208 = arith.constant 0 : i32
    %dma_wait3A_209 = arith.constant 0 : i32
    %dma_wait3A_210 = tpu.memref_slice %arg6[%dma_wait3A_200, %dma_wait3A_208, %dma_wait3A_209] : memref<2x256x64xf32, #tpu.memory_space<vmem>> -> memref<1x256x64xf32, #tpu.memory_space<vmem>>
    %dma_wait3A_211 = tpu.memref_squeeze %dma_wait3A_210 : memref<1x256x64xf32, #tpu.memory_space<vmem>> -> memref<256x64xf32, #tpu.memory_space<vmem>>
    %dma_wait3A_212 = arith.constant 0 : i32
    %dma_wait3A_213 = arith.constant 0 : i32
    %dma_wait3A_214 = tpu.memref_slice %arg3[%dma_wait3A_212, %dma_wait3A_213] : memref<1000000x64xf32, #tpu.memory_space<hbm>> -> memref<256x64xf32, #tpu.memory_space<hbm>>
    tpu.wait_dma2 semaphore(%arg9 : memref<!tpu.dma_semaphore, #tpu.memory_space<semaphore_mem>>) src(%dma_wait3A_214 : memref<256x64xf32, #tpu.memory_space<hbm>>) dst(%dma_wait3A_211 : memref<256x64xf32, #tpu.memory_space<vmem>>)
    %add3A_215 = arith.constant 3872 : i32
    %add3A_216 = arith.addi %add3A_215, %arg1 : i32
    %mul3A_217 = arith.constant 256 : i32
    %mul3A_218 = arith.muli %add3A_216, %mul3A_217 : i32
    %dma_start3A_219 = arith.constant 0 : i32
    %dma_start3A_220 = arith.constant 0 : i32
    %dma_start3A_221 = arith.constant 0 : i32
    %dma_start3A_222 = tpu.memref_slice %arg6[%dma_start3A_219, %dma_start3A_220, %dma_start3A_221] : memref<2x256x64xf32, #tpu.memory_space<vmem>> -> memref<1x256x64xf32, #tpu.memory_space<vmem>>
    %dma_start3A_223 = tpu.memref_squeeze %dma_start3A_222 : memref<1x256x64xf32, #tpu.memory_space<vmem>> -> memref<256x64xf32, #tpu.memory_space<vmem>>
    %dma_start3A_224 = arith.constant 0 : i32
    %dma_start3A_225 = arith.constant 0 : i32
    %dma_start3A_226 = tpu.memref_slice %arg5[%arg0, %dma_start3A_224, %dma_start3A_225] : memref<2x1000000x64xf32, #tpu.memory_space<hbm>> -> memref<1x1000000x64xf32, #tpu.memory_space<hbm>>
    %dma_start3A_227 = tpu.memref_squeeze %dma_start3A_226 : memref<1x1000000x64xf32, #tpu.memory_space<hbm>> -> memref<1000000x64xf32, #tpu.memory_space<hbm>>
    %dma_start3A_228 = arith.constant 0 : i32
    %dma_start3A_229 = tpu.memref_slice %dma_start3A_227[%mul3A_218, %dma_start3A_228] : memref<1000000x64xf32, #tpu.memory_space<hbm>> -> memref<256x64xf32, #tpu.memory_space<hbm>>
    %dma_start3A_230 = arith.constant 0 : i32
    %dma_start3A_231 = arith.constant 0 : i32
    %dma_start3A_232 = tpu.memref_slice %arg5[%arg0, %dma_start3A_230, %dma_start3A_231] : memref<2x1000000x64xf32, #tpu.memory_space<hbm>> -> memref<1x1000000x64xf32, #tpu.memory_space<hbm>>
    %dma_start3A_233 = tpu.memref_squeeze %dma_start3A_232 : memref<1x1000000x64xf32, #tpu.memory_space<hbm>> -> memref<1000000x64xf32, #tpu.memory_space<hbm>>
    %dma_start3A_234 = arith.constant 0 : i32
    %dma_start3A_235 = tpu.memref_slice %dma_start3A_233[%mul3A_218, %dma_start3A_234] : memref<1000000x64xf32, #tpu.memory_space<hbm>> -> memref<256x64xf32, #tpu.memory_space<hbm>>
    %dma_start3A_236 = arith.constant 0 : i32
    %dma_start3A_237 = arith.constant 0 : i32
    %dma_start3A_238 = tpu.memref_slice %arg6[%dma_start3A_219, %dma_start3A_236, %dma_start3A_237] : memref<2x256x64xf32, #tpu.memory_space<vmem>> -> memref<1x256x64xf32, #tpu.memory_space<vmem>>
    %dma_start3A_239 = tpu.memref_squeeze %dma_start3A_238 : memref<1x256x64xf32, #tpu.memory_space<vmem>> -> memref<256x64xf32, #tpu.memory_space<vmem>>
    tpu.enqueue_dma source(%dma_start3A_239 : memref<256x64xf32, #tpu.memory_space<vmem>>) target(%dma_start3A_235 : memref<256x64xf32, #tpu.memory_space<hbm>>) target_semaphore(%arg11 : memref<!tpu.dma_semaphore, #tpu.memory_space<semaphore_mem>>)
    %dma_wait3A_240 = arith.constant 1 : i32
    %dma_wait3A_241 = arith.constant 0 : i32
    %dma_wait3A_242 = arith.constant 0 : i32
    %dma_wait3A_243 = tpu.memref_slice %arg6[%dma_wait3A_240, %dma_wait3A_241, %dma_wait3A_242] : memref<2x256x64xf32, #tpu.memory_space<vmem>> -> memref<1x256x64xf32, #tpu.memory_space<vmem>>
    %dma_wait3A_244 = tpu.memref_squeeze %dma_wait3A_243 : memref<1x256x64xf32, #tpu.memory_space<vmem>> -> memref<256x64xf32, #tpu.memory_space<vmem>>
    %dma_wait3A_245 = arith.constant 0 : i32
    %dma_wait3A_246 = arith.constant 0 : i32
    %dma_wait3A_247 = tpu.memref_slice %arg3[%dma_wait3A_245, %dma_wait3A_246] : memref<1000000x64xf32, #tpu.memory_space<hbm>> -> memref<256x64xf32, #tpu.memory_space<hbm>>
    %dma_wait3A_248 = arith.constant 0 : i32
    %dma_wait3A_249 = arith.constant 0 : i32
    %dma_wait3A_250 = tpu.memref_slice %arg6[%dma_wait3A_240, %dma_wait3A_248, %dma_wait3A_249] : memref<2x256x64xf32, #tpu.memory_space<vmem>> -> memref<1x256x64xf32, #tpu.memory_space<vmem>>
    %dma_wait3A_251 = tpu.memref_squeeze %dma_wait3A_250 : memref<1x256x64xf32, #tpu.memory_space<vmem>> -> memref<256x64xf32, #tpu.memory_space<vmem>>
    %dma_wait3A_252 = arith.constant 0 : i32
    %dma_wait3A_253 = arith.constant 0 : i32
    %dma_wait3A_254 = tpu.memref_slice %arg3[%dma_wait3A_252, %dma_wait3A_253] : memref<1000000x64xf32, #tpu.memory_space<hbm>> -> memref<256x64xf32, #tpu.memory_space<hbm>>
    tpu.wait_dma2 semaphore(%arg10 : memref<!tpu.dma_semaphore, #tpu.memory_space<semaphore_mem>>) src(%dma_wait3A_254 : memref<256x64xf32, #tpu.memory_space<hbm>>) dst(%dma_wait3A_251 : memref<256x64xf32, #tpu.memory_space<vmem>>)
    %add3A_255 = arith.constant 3888 : i32
    %add3A_256 = arith.addi %add3A_255, %arg1 : i32
    %mul3A_257 = arith.constant 256 : i32
    %mul3A_258 = arith.muli %add3A_256, %mul3A_257 : i32
    %dma_start3A_259 = arith.constant 1 : i32
    %dma_start3A_260 = arith.constant 0 : i32
    %dma_start3A_261 = arith.constant 0 : i32
    %dma_start3A_262 = tpu.memref_slice %arg6[%dma_start3A_259, %dma_start3A_260, %dma_start3A_261] : memref<2x256x64xf32, #tpu.memory_space<vmem>> -> memref<1x256x64xf32, #tpu.memory_space<vmem>>
    %dma_start3A_263 = tpu.memref_squeeze %dma_start3A_262 : memref<1x256x64xf32, #tpu.memory_space<vmem>> -> memref<256x64xf32, #tpu.memory_space<vmem>>
    %dma_start3A_264 = arith.constant 0 : i32
    %dma_start3A_265 = arith.constant 0 : i32
    %dma_start3A_266 = tpu.memref_slice %arg5[%arg0, %dma_start3A_264, %dma_start3A_265] : memref<2x1000000x64xf32, #tpu.memory_space<hbm>> -> memref<1x1000000x64xf32, #tpu.memory_space<hbm>>
    %dma_start3A_267 = tpu.memref_squeeze %dma_start3A_266 : memref<1x1000000x64xf32, #tpu.memory_space<hbm>> -> memref<1000000x64xf32, #tpu.memory_space<hbm>>
    %dma_start3A_268 = arith.constant 0 : i32
    %dma_start3A_269 = tpu.memref_slice %dma_start3A_267[%mul3A_258, %dma_start3A_268] : memref<1000000x64xf32, #tpu.memory_space<hbm>> -> memref<256x64xf32, #tpu.memory_space<hbm>>
    %dma_start3A_270 = arith.constant 0 : i32
    %dma_start3A_271 = arith.constant 0 : i32
    %dma_start3A_272 = tpu.memref_slice %arg5[%arg0, %dma_start3A_270, %dma_start3A_271] : memref<2x1000000x64xf32, #tpu.memory_space<hbm>> -> memref<1x1000000x64xf32, #tpu.memory_space<hbm>>
    %dma_start3A_273 = tpu.memref_squeeze %dma_start3A_272 : memref<1x1000000x64xf32, #tpu.memory_space<hbm>> -> memref<1000000x64xf32, #tpu.memory_space<hbm>>
    %dma_start3A_274 = arith.constant 0 : i32
    %dma_start3A_275 = tpu.memref_slice %dma_start3A_273[%mul3A_258, %dma_start3A_274] : memref<1000000x64xf32, #tpu.memory_space<hbm>> -> memref<256x64xf32, #tpu.memory_space<hbm>>
    %dma_start3A_276 = arith.constant 0 : i32
    %dma_start3A_277 = arith.constant 0 : i32
    %dma_start3A_278 = tpu.memref_slice %arg6[%dma_start3A_259, %dma_start3A_276, %dma_start3A_277] : memref<2x256x64xf32, #tpu.memory_space<vmem>> -> memref<1x256x64xf32, #tpu.memory_space<vmem>>
    %dma_start3A_279 = tpu.memref_squeeze %dma_start3A_278 : memref<1x256x64xf32, #tpu.memory_space<vmem>> -> memref<256x64xf32, #tpu.memory_space<vmem>>
    tpu.enqueue_dma source(%dma_start3A_279 : memref<256x64xf32, #tpu.memory_space<vmem>>) target(%dma_start3A_275 : memref<256x64xf32, #tpu.memory_space<hbm>>) target_semaphore(%arg12 : memref<!tpu.dma_semaphore, #tpu.memory_space<semaphore_mem>>)
    %dma_wait3A_280 = arith.constant 0 : i32
    %dma_wait3A_281 = arith.constant 0 : i32
    %dma_wait3A_282 = arith.constant 0 : i32
    %dma_wait3A_283 = tpu.memref_slice %arg6[%dma_wait3A_280, %dma_wait3A_281, %dma_wait3A_282] : memref<2x256x64xf32, #tpu.memory_space<vmem>> -> memref<1x256x64xf32, #tpu.memory_space<vmem>>
    %dma_wait3A_284 = tpu.memref_squeeze %dma_wait3A_283 : memref<1x256x64xf32, #tpu.memory_space<vmem>> -> memref<256x64xf32, #tpu.memory_space<vmem>>
    %dma_wait3A_285 = arith.constant 0 : i32
    %dma_wait3A_286 = arith.constant 0 : i32
    %dma_wait3A_287 = tpu.memref_slice %arg5[%arg0, %dma_wait3A_285, %dma_wait3A_286] : memref<2x1000000x64xf32, #tpu.memory_space<hbm>> -> memref<1x1000000x64xf32, #tpu.memory_space<hbm>>
    %dma_wait3A_288 = tpu.memref_squeeze %dma_wait3A_287 : memref<1x1000000x64xf32, #tpu.memory_space<hbm>> -> memref<1000000x64xf32, #tpu.memory_space<hbm>>
    %dma_wait3A_289 = arith.constant 0 : i32
    %dma_wait3A_290 = arith.constant 0 : i32
    %dma_wait3A_291 = tpu.memref_slice %dma_wait3A_288[%dma_wait3A_289, %dma_wait3A_290] : memref<1000000x64xf32, #tpu.memory_space<hbm>> -> memref<256x64xf32, #tpu.memory_space<hbm>>
    %dma_wait3A_292 = arith.constant 0 : i32
    %dma_wait3A_293 = arith.constant 0 : i32
    %dma_wait3A_294 = tpu.memref_slice %arg5[%arg0, %dma_wait3A_292, %dma_wait3A_293] : memref<2x1000000x64xf32, #tpu.memory_space<hbm>> -> memref<1x1000000x64xf32, #tpu.memory_space<hbm>>
    %dma_wait3A_295 = tpu.memref_squeeze %dma_wait3A_294 : memref<1x1000000x64xf32, #tpu.memory_space<hbm>> -> memref<1000000x64xf32, #tpu.memory_space<hbm>>
    %dma_wait3A_296 = arith.constant 0 : i32
    %dma_wait3A_297 = arith.constant 0 : i32
    %dma_wait3A_298 = tpu.memref_slice %dma_wait3A_295[%dma_wait3A_296, %dma_wait3A_297] : memref<1000000x64xf32, #tpu.memory_space<hbm>> -> memref<256x64xf32, #tpu.memory_space<hbm>>
    %dma_wait3A_299 = arith.constant 0 : i32
    %dma_wait3A_300 = arith.constant 0 : i32
    %dma_wait3A_301 = tpu.memref_slice %arg6[%dma_wait3A_280, %dma_wait3A_299, %dma_wait3A_300] : memref<2x256x64xf32, #tpu.memory_space<vmem>> -> memref<1x256x64xf32, #tpu.memory_space<vmem>>
    %dma_wait3A_302 = tpu.memref_squeeze %dma_wait3A_301 : memref<1x256x64xf32, #tpu.memory_space<vmem>> -> memref<256x64xf32, #tpu.memory_space<vmem>>
    tpu.wait_dma2 semaphore(%arg11 : memref<!tpu.dma_semaphore, #tpu.memory_space<semaphore_mem>>) src(%dma_wait3A_302 : memref<256x64xf32, #tpu.memory_space<vmem>>) dst(%dma_wait3A_298 : memref<256x64xf32, #tpu.memory_space<hbm>>)
    %dma_wait3A_303 = arith.constant 1 : i32
    %dma_wait3A_304 = arith.constant 0 : i32
    %dma_wait3A_305 = arith.constant 0 : i32
    %dma_wait3A_306 = tpu.memref_slice %arg6[%dma_wait3A_303, %dma_wait3A_304, %dma_wait3A_305] : memref<2x256x64xf32, #tpu.memory_space<vmem>> -> memref<1x256x64xf32, #tpu.memory_space<vmem>>
    %dma_wait3A_307 = tpu.memref_squeeze %dma_wait3A_306 : memref<1x256x64xf32, #tpu.memory_space<vmem>> -> memref<256x64xf32, #tpu.memory_space<vmem>>
    %dma_wait3A_308 = arith.constant 0 : i32
    %dma_wait3A_309 = arith.constant 0 : i32
    %dma_wait3A_310 = tpu.memref_slice %arg5[%arg0, %dma_wait3A_308, %dma_wait3A_309] : memref<2x1000000x64xf32, #tpu.memory_space<hbm>> -> memref<1x1000000x64xf32, #tpu.memory_space<hbm>>
    %dma_wait3A_311 = tpu.memref_squeeze %dma_wait3A_310 : memref<1x1000000x64xf32, #tpu.memory_space<hbm>> -> memref<1000000x64xf32, #tpu.memory_space<hbm>>
    %dma_wait3A_312 = arith.constant 0 : i32
    %dma_wait3A_313 = arith.constant 0 : i32
    %dma_wait3A_314 = tpu.memref_slice %dma_wait3A_311[%dma_wait3A_312, %dma_wait3A_313] : memref<1000000x64xf32, #tpu.memory_space<hbm>> -> memref<256x64xf32, #tpu.memory_space<hbm>>
    %dma_wait3A_315 = arith.constant 0 : i32
    %dma_wait3A_316 = arith.constant 0 : i32
    %dma_wait3A_317 = tpu.memref_slice %arg5[%arg0, %dma_wait3A_315, %dma_wait3A_316] : memref<2x1000000x64xf32, #tpu.memory_space<hbm>> -> memref<1x1000000x64xf32, #tpu.memory_space<hbm>>
    %dma_wait3A_318 = tpu.memref_squeeze %dma_wait3A_317 : memref<1x1000000x64xf32, #tpu.memory_space<hbm>> -> memref<1000000x64xf32, #tpu.memory_space<hbm>>
    %dma_wait3A_319 = arith.constant 0 : i32
    %dma_wait3A_320 = arith.constant 0 : i32
    %dma_wait3A_321 = tpu.memref_slice %dma_wait3A_318[%dma_wait3A_319, %dma_wait3A_320] : memref<1000000x64xf32, #tpu.memory_space<hbm>> -> memref<256x64xf32, #tpu.memory_space<hbm>>
    %dma_wait3A_322 = arith.constant 0 : i32
    %dma_wait3A_323 = arith.constant 0 : i32
    %dma_wait3A_324 = tpu.memref_slice %arg6[%dma_wait3A_303, %dma_wait3A_322, %dma_wait3A_323] : memref<2x256x64xf32, #tpu.memory_space<vmem>> -> memref<1x256x64xf32, #tpu.memory_space<vmem>>
    %dma_wait3A_325 = tpu.memref_squeeze %dma_wait3A_324 : memref<1x256x64xf32, #tpu.memory_space<vmem>> -> memref<256x64xf32, #tpu.memory_space<vmem>>
    tpu.wait_dma2 semaphore(%arg12 : memref<!tpu.dma_semaphore, #tpu.memory_space<semaphore_mem>>) src(%dma_wait3A_325 : memref<256x64xf32, #tpu.memory_space<vmem>>) dst(%dma_wait3A_321 : memref<256x64xf32, #tpu.memory_space<hbm>>)
    %eq3A = arith.constant 0 : i32
    %eq3A_326 = arith.cmpi eq, %arg1, %eq3A : i32
    %convert_element_type3A = arith.extui %eq3A_326 : i1 to i32
    %cond3A = arith.constant 0 : i32
    %cond3A_327 = arith.cmpi ne, %convert_element_type3A, %cond3A : i32
    scf.if %cond3A_327 {
      %run_scoped3A = arith.constant 0 : i32
      "tpu.region"() ({
        %run_scoped3A_596 = tpu.sem_alloc : memref<!tpu.dma_semaphore, #tpu.memory_space<semaphore_mem>>
        %dma_start3A_597 = arith.constant 0 : i32
        %dma_start3A_598 = arith.constant 0 : i32
        %dma_start3A_599 = tpu.memref_slice %arg6[%run_scoped3A, %dma_start3A_597, %dma_start3A_598] : memref<2x256x64xf32, #tpu.memory_space<vmem>> -> memref<1x256x64xf32, #tpu.memory_space<vmem>>
        %dma_start3A_600 = tpu.memref_squeeze %dma_start3A_599 : memref<1x256x64xf32, #tpu.memory_space<vmem>> -> memref<256x64xf32, #tpu.memory_space<vmem>>
        %dma_start3A_601 = arith.constant 0 : i32
        %dma_start3A_602 = arith.constant 0 : i32
        %dma_start3A_603 = tpu.memref_slice %dma_start3A_600[%dma_start3A_601, %dma_start3A_602] : memref<256x64xf32, #tpu.memory_space<vmem>> -> memref<256x64xf32, #tpu.memory_space<vmem>>
        %dma_start3A_604 = arith.constant 999424 : i32
        %dma_start3A_605 = arith.constant 0 : i32
        %dma_start3A_606 = tpu.memref_slice %arg3[%dma_start3A_604, %dma_start3A_605] : memref<1000000x64xf32, #tpu.memory_space<hbm>> -> memref<256x64xf32, #tpu.memory_space<hbm>>
        %dma_start3A_607 = arith.constant 0 : i32
        %dma_start3A_608 = arith.constant 0 : i32
        %dma_start3A_609 = tpu.memref_slice %arg6[%run_scoped3A, %dma_start3A_607, %dma_start3A_608] : memref<2x256x64xf32, #tpu.memory_space<vmem>> -> memref<1x256x64xf32, #tpu.memory_space<vmem>>
        %dma_start3A_610 = tpu.memref_squeeze %dma_start3A_609 : memref<1x256x64xf32, #tpu.memory_space<vmem>> -> memref<256x64xf32, #tpu.memory_space<vmem>>
        %dma_start3A_611 = arith.constant 0 : i32
        %dma_start3A_612 = arith.constant 0 : i32
        %dma_start3A_613 = tpu.memref_slice %dma_start3A_610[%dma_start3A_611, %dma_start3A_612] : memref<256x64xf32, #tpu.memory_space<vmem>> -> memref<256x64xf32, #tpu.memory_space<vmem>>
        %dma_start3A_614 = arith.constant 999424 : i32
        %dma_start3A_615 = arith.constant 0 : i32
        %dma_start3A_616 = tpu.memref_slice %arg3[%dma_start3A_614, %dma_start3A_615] : memref<1000000x64xf32, #tpu.memory_space<hbm>> -> memref<256x64xf32, #tpu.memory_space<hbm>>
        tpu.enqueue_dma source(%dma_start3A_616 : memref<256x64xf32, #tpu.memory_space<hbm>>) target(%dma_start3A_613 : memref<256x64xf32, #tpu.memory_space<vmem>>) target_semaphore(%run_scoped3A_596 : memref<!tpu.dma_semaphore, #tpu.memory_space<semaphore_mem>>)
        %dma_wait3A_617 = arith.constant 0 : i32
        %dma_wait3A_618 = arith.constant 0 : i32
        %dma_wait3A_619 = tpu.memref_slice %arg6[%run_scoped3A, %dma_wait3A_617, %dma_wait3A_618] : memref<2x256x64xf32, #tpu.memory_space<vmem>> -> memref<1x256x64xf32, #tpu.memory_space<vmem>>
        %dma_wait3A_620 = tpu.memref_squeeze %dma_wait3A_619 : memref<1x256x64xf32, #tpu.memory_space<vmem>> -> memref<256x64xf32, #tpu.memory_space<vmem>>
        %dma_wait3A_621 = arith.constant 0 : i32
        %dma_wait3A_622 = arith.constant 0 : i32
        %dma_wait3A_623 = tpu.memref_slice %dma_wait3A_620[%dma_wait3A_621, %dma_wait3A_622] : memref<256x64xf32, #tpu.memory_space<vmem>> -> memref<256x64xf32, #tpu.memory_space<vmem>>
        %dma_wait3A_624 = arith.constant 999424 : i32
        %dma_wait3A_625 = arith.constant 0 : i32
        %dma_wait3A_626 = tpu.memref_slice %arg3[%dma_wait3A_624, %dma_wait3A_625] : memref<1000000x64xf32, #tpu.memory_space<hbm>> -> memref<256x64xf32, #tpu.memory_space<hbm>>
        %dma_wait3A_627 = arith.constant 0 : i32
        %dma_wait3A_628 = arith.constant 0 : i32
        %dma_wait3A_629 = tpu.memref_slice %arg6[%run_scoped3A, %dma_wait3A_627, %dma_wait3A_628] : memref<2x256x64xf32, #tpu.memory_space<vmem>> -> memref<1x256x64xf32, #tpu.memory_space<vmem>>
        %dma_wait3A_630 = tpu.memref_squeeze %dma_wait3A_629 : memref<1x256x64xf32, #tpu.memory_space<vmem>> -> memref<256x64xf32, #tpu.memory_space<vmem>>
        %dma_wait3A_631 = arith.constant 0 : i32
        %dma_wait3A_632 = arith.constant 0 : i32
        %dma_wait3A_633 = tpu.memref_slice %dma_wait3A_630[%dma_wait3A_631, %dma_wait3A_632] : memref<256x64xf32, #tpu.memory_space<vmem>> -> memref<256x64xf32, #tpu.memory_space<vmem>>
        %dma_wait3A_634 = arith.constant 999424 : i32
        %dma_wait3A_635 = arith.constant 0 : i32
        %dma_wait3A_636 = tpu.memref_slice %arg3[%dma_wait3A_634, %dma_wait3A_635] : memref<1000000x64xf32, #tpu.memory_space<hbm>> -> memref<256x64xf32, #tpu.memory_space<hbm>>
        tpu.wait_dma2 semaphore(%run_scoped3A_596 : memref<!tpu.dma_semaphore, #tpu.memory_space<semaphore_mem>>) src(%dma_wait3A_636 : memref<256x64xf32, #tpu.memory_space<hbm>>) dst(%dma_wait3A_633 : memref<256x64xf32, #tpu.memory_space<vmem>>)
        tpu.yield
      }) : () -> ()
      %run_scoped3A_591 = arith.constant 0 : i32
      "tpu.region"() ({
        %run_scoped3A_596 = tpu.sem_alloc : memref<!tpu.dma_semaphore, #tpu.memory_space<semaphore_mem>>
        %dma_start3A_597 = arith.constant 0 : i32
        %dma_start3A_598 = arith.constant 0 : i32
        %dma_start3A_599 = tpu.memref_slice %arg6[%run_scoped3A_591, %dma_start3A_597, %dma_start3A_598] : memref<2x256x64xf32, #tpu.memory_space<vmem>> -> memref<1x256x64xf32, #tpu.memory_space<vmem>>
        %dma_start3A_600 = tpu.memref_squeeze %dma_start3A_599 : memref<1x256x64xf32, #tpu.memory_space<vmem>> -> memref<256x64xf32, #tpu.memory_space<vmem>>
        %dma_start3A_601 = arith.constant 0 : i32
        %dma_start3A_602 = arith.constant 0 : i32
        %dma_start3A_603 = tpu.memref_slice %dma_start3A_600[%dma_start3A_601, %dma_start3A_602] : memref<256x64xf32, #tpu.memory_space<vmem>> -> memref<256x64xf32, #tpu.memory_space<vmem>>
        %dma_start3A_604 = arith.constant 0 : i32
        %dma_start3A_605 = arith.constant 0 : i32
        %dma_start3A_606 = tpu.memref_slice %arg5[%arg0, %dma_start3A_604, %dma_start3A_605] : memref<2x1000000x64xf32, #tpu.memory_space<hbm>> -> memref<1x1000000x64xf32, #tpu.memory_space<hbm>>
        %dma_start3A_607 = tpu.memref_squeeze %dma_start3A_606 : memref<1x1000000x64xf32, #tpu.memory_space<hbm>> -> memref<1000000x64xf32, #tpu.memory_space<hbm>>
        %dma_start3A_608 = arith.constant 999424 : i32
        %dma_start3A_609 = arith.constant 0 : i32
        %dma_start3A_610 = tpu.memref_slice %dma_start3A_607[%dma_start3A_608, %dma_start3A_609] : memref<1000000x64xf32, #tpu.memory_space<hbm>> -> memref<256x64xf32, #tpu.memory_space<hbm>>
        %dma_start3A_611 = arith.constant 0 : i32
        %dma_start3A_612 = arith.constant 0 : i32
        %dma_start3A_613 = tpu.memref_slice %arg5[%arg0, %dma_start3A_611, %dma_start3A_612] : memref<2x1000000x64xf32, #tpu.memory_space<hbm>> -> memref<1x1000000x64xf32, #tpu.memory_space<hbm>>
        %dma_start3A_614 = tpu.memref_squeeze %dma_start3A_613 : memref<1x1000000x64xf32, #tpu.memory_space<hbm>> -> memref<1000000x64xf32, #tpu.memory_space<hbm>>
        %dma_start3A_615 = arith.constant 999424 : i32
        %dma_start3A_616 = arith.constant 0 : i32
        %dma_start3A_617 = tpu.memref_slice %dma_start3A_614[%dma_start3A_615, %dma_start3A_616] : memref<1000000x64xf32, #tpu.memory_space<hbm>> -> memref<256x64xf32, #tpu.memory_space<hbm>>
        %dma_start3A_618 = arith.constant 0 : i32
        %dma_start3A_619 = arith.constant 0 : i32
        %dma_start3A_620 = tpu.memref_slice %arg6[%run_scoped3A_591, %dma_start3A_618, %dma_start3A_619] : memref<2x256x64xf32, #tpu.memory_space<vmem>> -> memref<1x256x64xf32, #tpu.memory_space<vmem>>
        %dma_start3A_621 = tpu.memref_squeeze %dma_start3A_620 : memref<1x256x64xf32, #tpu.memory_space<vmem>> -> memref<256x64xf32, #tpu.memory_space<vmem>>
        %dma_start3A_622 = arith.constant 0 : i32
        %dma_start3A_623 = arith.constant 0 : i32
        %dma_start3A_624 = tpu.memref_slice %dma_start3A_621[%dma_start3A_622, %dma_start3A_623] : memref<256x64xf32, #tpu.memory_space<vmem>> -> memref<256x64xf32, #tpu.memory_space<vmem>>
        tpu.enqueue_dma source(%dma_start3A_624 : memref<256x64xf32, #tpu.memory_space<vmem>>) target(%dma_start3A_617 : memref<256x64xf32, #tpu.memory_space<hbm>>) target_semaphore(%run_scoped3A_596 : memref<!tpu.dma_semaphore, #tpu.memory_space<semaphore_mem>>)
        %dma_wait3A_625 = arith.constant 0 : i32
        %dma_wait3A_626 = arith.constant 0 : i32
        %dma_wait3A_627 = tpu.memref_slice %arg6[%run_scoped3A_591, %dma_wait3A_625, %dma_wait3A_626] : memref<2x256x64xf32, #tpu.memory_space<vmem>> -> memref<1x256x64xf32, #tpu.memory_space<vmem>>
        %dma_wait3A_628 = tpu.memref_squeeze %dma_wait3A_627 : memref<1x256x64xf32, #tpu.memory_space<vmem>> -> memref<256x64xf32, #tpu.memory_space<vmem>>
        %dma_wait3A_629 = arith.constant 0 : i32
        %dma_wait3A_630 = arith.constant 0 : i32
        %dma_wait3A_631 = tpu.memref_slice %dma_wait3A_628[%dma_wait3A_629, %dma_wait3A_630] : memref<256x64xf32, #tpu.memory_space<vmem>> -> memref<256x64xf32, #tpu.memory_space<vmem>>
        %dma_wait3A_632 = arith.constant 0 : i32
        %dma_wait3A_633 = arith.constant 0 : i32
        %dma_wait3A_634 = tpu.memref_slice %arg5[%arg0, %dma_wait3A_632, %dma_wait3A_633] : memref<2x1000000x64xf32, #tpu.memory_space<hbm>> -> memref<1x1000000x64xf32, #tpu.memory_space<hbm>>
        %dma_wait3A_635 = tpu.memref_squeeze %dma_wait3A_634 : memref<1x1000000x64xf32, #tpu.memory_space<hbm>> -> memref<1000000x64xf32, #tpu.memory_space<hbm>>
        %dma_wait3A_636 = arith.constant 999424 : i32
        %dma_wait3A_637 = arith.constant 0 : i32
        %dma_wait3A_638 = tpu.memref_slice %dma_wait3A_635[%dma_wait3A_636, %dma_wait3A_637] : memref<1000000x64xf32, #tpu.memory_space<hbm>> -> memref<256x64xf32, #tpu.memory_space<hbm>>
        %dma_wait3A_639 = arith.constant 0 : i32
        %dma_wait3A_640 = arith.constant 0 : i32
        %dma_wait3A_641 = tpu.memref_slice %arg5[%arg0, %dma_wait3A_639, %dma_wait3A_640] : memref<2x1000000x64xf32, #tpu.memory_space<hbm>> -> memref<1x1000000x64xf32, #tpu.memory_space<hbm>>
        %dma_wait3A_642 = tpu.memref_squeeze %dma_wait3A_641 : memref<1x1000000x64xf32, #tpu.memory_space<hbm>> -> memref<1000000x64xf32, #tpu.memory_space<hbm>>
        %dma_wait3A_643 = arith.constant 999424 : i32
        %dma_wait3A_644 = arith.constant 0 : i32
        %dma_wait3A_645 = tpu.memref_slice %dma_wait3A_642[%dma_wait3A_643, %dma_wait3A_644] : memref<1000000x64xf32, #tpu.memory_space<hbm>> -> memref<256x64xf32, #tpu.memory_space<hbm>>
        %dma_wait3A_646 = arith.constant 0 : i32
        %dma_wait3A_647 = arith.constant 0 : i32
        %dma_wait3A_648 = tpu.memref_slice %arg6[%run_scoped3A_591, %dma_wait3A_646, %dma_wait3A_647] : memref<2x256x64xf32, #tpu.memory_space<vmem>> -> memref<1x256x64xf32, #tpu.memory_space<vmem>>
        %dma_wait3A_649 = tpu.memref_squeeze %dma_wait3A_648 : memref<1x256x64xf32, #tpu.memory_space<vmem>> -> memref<256x64xf32, #tpu.memory_space<vmem>>
        %dma_wait3A_650 = arith.constant 0 : i32
        %dma_wait3A_651 = arith.constant 0 : i32
        %dma_wait3A_652 = tpu.memref_slice %dma_wait3A_649[%dma_wait3A_650, %dma_wait3A_651] : memref<256x64xf32, #tpu.memory_space<vmem>> -> memref<256x64xf32, #tpu.memory_space<vmem>>
        tpu.wait_dma2 semaphore(%run_scoped3A_596 : memref<!tpu.dma_semaphore, #tpu.memory_space<semaphore_mem>>) src(%dma_wait3A_652 : memref<256x64xf32, #tpu.memory_space<vmem>>) dst(%dma_wait3A_645 : memref<256x64xf32, #tpu.memory_space<hbm>>)
        tpu.yield
      }) : () -> ()
      %run_scoped3A_592 = arith.constant 0 : i32
      "tpu.region"() ({
        %run_scoped3A_596 = tpu.sem_alloc : memref<!tpu.dma_semaphore, #tpu.memory_space<semaphore_mem>>
        %dma_start3A_597 = arith.constant 0 : i32
        %dma_start3A_598 = arith.constant 0 : i32
        %dma_start3A_599 = tpu.memref_slice %arg6[%run_scoped3A_592, %dma_start3A_597, %dma_start3A_598] : memref<2x256x64xf32, #tpu.memory_space<vmem>> -> memref<1x256x64xf32, #tpu.memory_space<vmem>>
        %dma_start3A_600 = tpu.memref_squeeze %dma_start3A_599 : memref<1x256x64xf32, #tpu.memory_space<vmem>> -> memref<256x64xf32, #tpu.memory_space<vmem>>
        %dma_start3A_601 = arith.constant 0 : i32
        %dma_start3A_602 = arith.constant 0 : i32
        %dma_start3A_603 = tpu.memref_slice %dma_start3A_600[%dma_start3A_601, %dma_start3A_602] : memref<256x64xf32, #tpu.memory_space<vmem>> -> memref<256x64xf32, #tpu.memory_space<vmem>>
        %dma_start3A_604 = arith.constant 999680 : i32
        %dma_start3A_605 = arith.constant 0 : i32
        %dma_start3A_606 = tpu.memref_slice %arg3[%dma_start3A_604, %dma_start3A_605] : memref<1000000x64xf32, #tpu.memory_space<hbm>> -> memref<256x64xf32, #tpu.memory_space<hbm>>
        %dma_start3A_607 = arith.constant 0 : i32
        %dma_start3A_608 = arith.constant 0 : i32
        %dma_start3A_609 = tpu.memref_slice %arg6[%run_scoped3A_592, %dma_start3A_607, %dma_start3A_608] : memref<2x256x64xf32, #tpu.memory_space<vmem>> -> memref<1x256x64xf32, #tpu.memory_space<vmem>>
        %dma_start3A_610 = tpu.memref_squeeze %dma_start3A_609 : memref<1x256x64xf32, #tpu.memory_space<vmem>> -> memref<256x64xf32, #tpu.memory_space<vmem>>
        %dma_start3A_611 = arith.constant 0 : i32
        %dma_start3A_612 = arith.constant 0 : i32
        %dma_start3A_613 = tpu.memref_slice %dma_start3A_610[%dma_start3A_611, %dma_start3A_612] : memref<256x64xf32, #tpu.memory_space<vmem>> -> memref<256x64xf32, #tpu.memory_space<vmem>>
        %dma_start3A_614 = arith.constant 999680 : i32
        %dma_start3A_615 = arith.constant 0 : i32
        %dma_start3A_616 = tpu.memref_slice %arg3[%dma_start3A_614, %dma_start3A_615] : memref<1000000x64xf32, #tpu.memory_space<hbm>> -> memref<256x64xf32, #tpu.memory_space<hbm>>
        tpu.enqueue_dma source(%dma_start3A_616 : memref<256x64xf32, #tpu.memory_space<hbm>>) target(%dma_start3A_613 : memref<256x64xf32, #tpu.memory_space<vmem>>) target_semaphore(%run_scoped3A_596 : memref<!tpu.dma_semaphore, #tpu.memory_space<semaphore_mem>>)
        %dma_wait3A_617 = arith.constant 0 : i32
        %dma_wait3A_618 = arith.constant 0 : i32
        %dma_wait3A_619 = tpu.memref_slice %arg6[%run_scoped3A_592, %dma_wait3A_617, %dma_wait3A_618] : memref<2x256x64xf32, #tpu.memory_space<vmem>> -> memref<1x256x64xf32, #tpu.memory_space<vmem>>
        %dma_wait3A_620 = tpu.memref_squeeze %dma_wait3A_619 : memref<1x256x64xf32, #tpu.memory_space<vmem>> -> memref<256x64xf32, #tpu.memory_space<vmem>>
        %dma_wait3A_621 = arith.constant 0 : i32
        %dma_wait3A_622 = arith.constant 0 : i32
        %dma_wait3A_623 = tpu.memref_slice %dma_wait3A_620[%dma_wait3A_621, %dma_wait3A_622] : memref<256x64xf32, #tpu.memory_space<vmem>> -> memref<256x64xf32, #tpu.memory_space<vmem>>
        %dma_wait3A_624 = arith.constant 999680 : i32
        %dma_wait3A_625 = arith.constant 0 : i32
        %dma_wait3A_626 = tpu.memref_slice %arg3[%dma_wait3A_624, %dma_wait3A_625] : memref<1000000x64xf32, #tpu.memory_space<hbm>> -> memref<256x64xf32, #tpu.memory_space<hbm>>
        %dma_wait3A_627 = arith.constant 0 : i32
        %dma_wait3A_628 = arith.constant 0 : i32
        %dma_wait3A_629 = tpu.memref_slice %arg6[%run_scoped3A_592, %dma_wait3A_627, %dma_wait3A_628] : memref<2x256x64xf32, #tpu.memory_space<vmem>> -> memref<1x256x64xf32, #tpu.memory_space<vmem>>
        %dma_wait3A_630 = tpu.memref_squeeze %dma_wait3A_629 : memref<1x256x64xf32, #tpu.memory_space<vmem>> -> memref<256x64xf32, #tpu.memory_space<vmem>>
        %dma_wait3A_631 = arith.constant 0 : i32
        %dma_wait3A_632 = arith.constant 0 : i32
        %dma_wait3A_633 = tpu.memref_slice %dma_wait3A_630[%dma_wait3A_631, %dma_wait3A_632] : memref<256x64xf32, #tpu.memory_space<vmem>> -> memref<256x64xf32, #tpu.memory_space<vmem>>
        %dma_wait3A_634 = arith.constant 999680 : i32
        %dma_wait3A_635 = arith.constant 0 : i32
        %dma_wait3A_636 = tpu.memref_slice %arg3[%dma_wait3A_634, %dma_wait3A_635] : memref<1000000x64xf32, #tpu.memory_space<hbm>> -> memref<256x64xf32, #tpu.memory_space<hbm>>
        tpu.wait_dma2 semaphore(%run_scoped3A_596 : memref<!tpu.dma_semaphore, #tpu.memory_space<semaphore_mem>>) src(%dma_wait3A_636 : memref<256x64xf32, #tpu.memory_space<hbm>>) dst(%dma_wait3A_633 : memref<256x64xf32, #tpu.memory_space<vmem>>)
        tpu.yield
      }) : () -> ()
      %run_scoped3A_593 = arith.constant 0 : i32
      "tpu.region"() ({
        %run_scoped3A_596 = tpu.sem_alloc : memref<!tpu.dma_semaphore, #tpu.memory_space<semaphore_mem>>
        %dma_start3A_597 = arith.constant 0 : i32
        %dma_start3A_598 = arith.constant 0 : i32
        %dma_start3A_599 = tpu.memref_slice %arg6[%run_scoped3A_593, %dma_start3A_597, %dma_start3A_598] : memref<2x256x64xf32, #tpu.memory_space<vmem>> -> memref<1x256x64xf32, #tpu.memory_space<vmem>>
        %dma_start3A_600 = tpu.memref_squeeze %dma_start3A_599 : memref<1x256x64xf32, #tpu.memory_space<vmem>> -> memref<256x64xf32, #tpu.memory_space<vmem>>
        %dma_start3A_601 = arith.constant 0 : i32
        %dma_start3A_602 = arith.constant 0 : i32
        %dma_start3A_603 = tpu.memref_slice %dma_start3A_600[%dma_start3A_601, %dma_start3A_602] : memref<256x64xf32, #tpu.memory_space<vmem>> -> memref<256x64xf32, #tpu.memory_space<vmem>>
        %dma_start3A_604 = arith.constant 0 : i32
        %dma_start3A_605 = arith.constant 0 : i32
        %dma_start3A_606 = tpu.memref_slice %arg5[%arg0, %dma_start3A_604, %dma_start3A_605] : memref<2x1000000x64xf32, #tpu.memory_space<hbm>> -> memref<1x1000000x64xf32, #tpu.memory_space<hbm>>
        %dma_start3A_607 = tpu.memref_squeeze %dma_start3A_606 : memref<1x1000000x64xf32, #tpu.memory_space<hbm>> -> memref<1000000x64xf32, #tpu.memory_space<hbm>>
        %dma_start3A_608 = arith.constant 999680 : i32
        %dma_start3A_609 = arith.constant 0 : i32
        %dma_start3A_610 = tpu.memref_slice %dma_start3A_607[%dma_start3A_608, %dma_start3A_609] : memref<1000000x64xf32, #tpu.memory_space<hbm>> -> memref<256x64xf32, #tpu.memory_space<hbm>>
        %dma_start3A_611 = arith.constant 0 : i32
        %dma_start3A_612 = arith.constant 0 : i32
        %dma_start3A_613 = tpu.memref_slice %arg5[%arg0, %dma_start3A_611, %dma_start3A_612] : memref<2x1000000x64xf32, #tpu.memory_space<hbm>> -> memref<1x1000000x64xf32, #tpu.memory_space<hbm>>
        %dma_start3A_614 = tpu.memref_squeeze %dma_start3A_613 : memref<1x1000000x64xf32, #tpu.memory_space<hbm>> -> memref<1000000x64xf32, #tpu.memory_space<hbm>>
        %dma_start3A_615 = arith.constant 999680 : i32
        %dma_start3A_616 = arith.constant 0 : i32
        %dma_start3A_617 = tpu.memref_slice %dma_start3A_614[%dma_start3A_615, %dma_start3A_616] : memref<1000000x64xf32, #tpu.memory_space<hbm>> -> memref<256x64xf32, #tpu.memory_space<hbm>>
        %dma_start3A_618 = arith.constant 0 : i32
        %dma_start3A_619 = arith.constant 0 : i32
        %dma_start3A_620 = tpu.memref_slice %arg6[%run_scoped3A_593, %dma_start3A_618, %dma_start3A_619] : memref<2x256x64xf32, #tpu.memory_space<vmem>> -> memref<1x256x64xf32, #tpu.memory_space<vmem>>
        %dma_start3A_621 = tpu.memref_squeeze %dma_start3A_620 : memref<1x256x64xf32, #tpu.memory_space<vmem>> -> memref<256x64xf32, #tpu.memory_space<vmem>>
        %dma_start3A_622 = arith.constant 0 : i32
        %dma_start3A_623 = arith.constant 0 : i32
        %dma_start3A_624 = tpu.memref_slice %dma_start3A_621[%dma_start3A_622, %dma_start3A_623] : memref<256x64xf32, #tpu.memory_space<vmem>> -> memref<256x64xf32, #tpu.memory_space<vmem>>
        tpu.enqueue_dma source(%dma_start3A_624 : memref<256x64xf32, #tpu.memory_space<vmem>>) target(%dma_start3A_617 : memref<256x64xf32, #tpu.memory_space<hbm>>) target_semaphore(%run_scoped3A_596 : memref<!tpu.dma_semaphore, #tpu.memory_space<semaphore_mem>>)
        %dma_wait3A_625 = arith.constant 0 : i32
        %dma_wait3A_626 = arith.constant 0 : i32
        %dma_wait3A_627 = tpu.memref_slice %arg6[%run_scoped3A_593, %dma_wait3A_625, %dma_wait3A_626] : memref<2x256x64xf32, #tpu.memory_space<vmem>> -> memref<1x256x64xf32, #tpu.memory_space<vmem>>
        %dma_wait3A_628 = tpu.memref_squeeze %dma_wait3A_627 : memref<1x256x64xf32, #tpu.memory_space<vmem>> -> memref<256x64xf32, #tpu.memory_space<vmem>>
        %dma_wait3A_629 = arith.constant 0 : i32
        %dma_wait3A_630 = arith.constant 0 : i32
        %dma_wait3A_631 = tpu.memref_slice %dma_wait3A_628[%dma_wait3A_629, %dma_wait3A_630] : memref<256x64xf32, #tpu.memory_space<vmem>> -> memref<256x64xf32, #tpu.memory_space<vmem>>
        %dma_wait3A_632 = arith.constant 0 : i32
        %dma_wait3A_633 = arith.constant 0 : i32
        %dma_wait3A_634 = tpu.memref_slice %arg5[%arg0, %dma_wait3A_632, %dma_wait3A_633] : memref<2x1000000x64xf32, #tpu.memory_space<hbm>> -> memref<1x1000000x64xf32, #tpu.memory_space<hbm>>
        %dma_wait3A_635 = tpu.memref_squeeze %dma_wait3A_634 : memref<1x1000000x64xf32, #tpu.memory_space<hbm>> -> memref<1000000x64xf32, #tpu.memory_space<hbm>>
        %dma_wait3A_636 = arith.constant 999680 : i32
        %dma_wait3A_637 = arith.constant 0 : i32
        %dma_wait3A_638 = tpu.memref_slice %dma_wait3A_635[%dma_wait3A_636, %dma_wait3A_637] : memref<1000000x64xf32, #tpu.memory_space<hbm>> -> memref<256x64xf32, #tpu.memory_space<hbm>>
        %dma_wait3A_639 = arith.constant 0 : i32
        %dma_wait3A_640 = arith.constant 0 : i32
        %dma_wait3A_641 = tpu.memref_slice %arg5[%arg0, %dma_wait3A_639, %dma_wait3A_640] : memref<2x1000000x64xf32, #tpu.memory_space<hbm>> -> memref<1x1000000x64xf32, #tpu.memory_space<hbm>>
        %dma_wait3A_642 = tpu.memref_squeeze %dma_wait3A_641 : memref<1x1000000x64xf32, #tpu.memory_space<hbm>> -> memref<1000000x64xf32, #tpu.memory_space<hbm>>
        %dma_wait3A_643 = arith.constant 999680 : i32
        %dma_wait3A_644 = arith.constant 0 : i32
        %dma_wait3A_645 = tpu.memref_slice %dma_wait3A_642[%dma_wait3A_643, %dma_wait3A_644] : memref<1000000x64xf32, #tpu.memory_space<hbm>> -> memref<256x64xf32, #tpu.memory_space<hbm>>
        %dma_wait3A_646 = arith.constant 0 : i32
        %dma_wait3A_647 = arith.constant 0 : i32
        %dma_wait3A_648 = tpu.memref_slice %arg6[%run_scoped3A_593, %dma_wait3A_646, %dma_wait3A_647] : memref<2x256x64xf32, #tpu.memory_space<vmem>> -> memref<1x256x64xf32, #tpu.memory_space<vmem>>
        %dma_wait3A_649 = tpu.memref_squeeze %dma_wait3A_648 : memref<1x256x64xf32, #tpu.memory_space<vmem>> -> memref<256x64xf32, #tpu.memory_space<vmem>>
        %dma_wait3A_650 = arith.constant 0 : i32
        %dma_wait3A_651 = arith.constant 0 : i32
        %dma_wait3A_652 = tpu.memref_slice %dma_wait3A_649[%dma_wait3A_650, %dma_wait3A_651] : memref<256x64xf32, #tpu.memory_space<vmem>> -> memref<256x64xf32, #tpu.memory_space<vmem>>
        tpu.wait_dma2 semaphore(%run_scoped3A_596 : memref<!tpu.dma_semaphore, #tpu.memory_space<semaphore_mem>>) src(%dma_wait3A_652 : memref<256x64xf32, #tpu.memory_space<vmem>>) dst(%dma_wait3A_645 : memref<256x64xf32, #tpu.memory_space<hbm>>)
        tpu.yield
      }) : () -> ()
      %run_scoped3A_594 = arith.constant 0 : i32
      "tpu.region"() ({
        %run_scoped3A_596 = tpu.sem_alloc : memref<!tpu.dma_semaphore, #tpu.memory_space<semaphore_mem>>
        %dma_start3A_597 = arith.constant 0 : i32
        %dma_start3A_598 = arith.constant 0 : i32
        %dma_start3A_599 = tpu.memref_slice %arg6[%run_scoped3A_594, %dma_start3A_597, %dma_start3A_598] : memref<2x256x64xf32, #tpu.memory_space<vmem>> -> memref<1x256x64xf32, #tpu.memory_space<vmem>>
        %dma_start3A_600 = tpu.memref_squeeze %dma_start3A_599 : memref<1x256x64xf32, #tpu.memory_space<vmem>> -> memref<256x64xf32, #tpu.memory_space<vmem>>
        %dma_start3A_601 = arith.constant 0 : i32
        %dma_start3A_602 = arith.constant 0 : i32
        %dma_start3A_603 = tpu.memref_slice %dma_start3A_600[%dma_start3A_601, %dma_start3A_602] : memref<256x64xf32, #tpu.memory_space<vmem>> -> memref<64x64xf32, #tpu.memory_space<vmem>>
        %dma_start3A_604 = arith.constant 999936 : i32
        %dma_start3A_605 = arith.constant 0 : i32
        %dma_start3A_606 = tpu.memref_slice %arg3[%dma_start3A_604, %dma_start3A_605] : memref<1000000x64xf32, #tpu.memory_space<hbm>> -> memref<64x64xf32, #tpu.memory_space<hbm>>
        %dma_start3A_607 = arith.constant 0 : i32
        %dma_start3A_608 = arith.constant 0 : i32
        %dma_start3A_609 = tpu.memref_slice %arg6[%run_scoped3A_594, %dma_start3A_607, %dma_start3A_608] : memref<2x256x64xf32, #tpu.memory_space<vmem>> -> memref<1x256x64xf32, #tpu.memory_space<vmem>>
        %dma_start3A_610 = tpu.memref_squeeze %dma_start3A_609 : memref<1x256x64xf32, #tpu.memory_space<vmem>> -> memref<256x64xf32, #tpu.memory_space<vmem>>
        %dma_start3A_611 = arith.constant 0 : i32
        %dma_start3A_612 = arith.constant 0 : i32
        %dma_start3A_613 = tpu.memref_slice %dma_start3A_610[%dma_start3A_611, %dma_start3A_612] : memref<256x64xf32, #tpu.memory_space<vmem>> -> memref<64x64xf32, #tpu.memory_space<vmem>>
        %dma_start3A_614 = arith.constant 999936 : i32
        %dma_start3A_615 = arith.constant 0 : i32
        %dma_start3A_616 = tpu.memref_slice %arg3[%dma_start3A_614, %dma_start3A_615] : memref<1000000x64xf32, #tpu.memory_space<hbm>> -> memref<64x64xf32, #tpu.memory_space<hbm>>
        tpu.enqueue_dma source(%dma_start3A_616 : memref<64x64xf32, #tpu.memory_space<hbm>>) target(%dma_start3A_613 : memref<64x64xf32, #tpu.memory_space<vmem>>) target_semaphore(%run_scoped3A_596 : memref<!tpu.dma_semaphore, #tpu.memory_space<semaphore_mem>>)
        %dma_wait3A_617 = arith.constant 0 : i32
        %dma_wait3A_618 = arith.constant 0 : i32
        %dma_wait3A_619 = tpu.memref_slice %arg6[%run_scoped3A_594, %dma_wait3A_617, %dma_wait3A_618] : memref<2x256x64xf32, #tpu.memory_space<vmem>> -> memref<1x256x64xf32, #tpu.memory_space<vmem>>
        %dma_wait3A_620 = tpu.memref_squeeze %dma_wait3A_619 : memref<1x256x64xf32, #tpu.memory_space<vmem>> -> memref<256x64xf32, #tpu.memory_space<vmem>>
        %dma_wait3A_621 = arith.constant 0 : i32
        %dma_wait3A_622 = arith.constant 0 : i32
        %dma_wait3A_623 = tpu.memref_slice %dma_wait3A_620[%dma_wait3A_621, %dma_wait3A_622] : memref<256x64xf32, #tpu.memory_space<vmem>> -> memref<64x64xf32, #tpu.memory_space<vmem>>
        %dma_wait3A_624 = arith.constant 999936 : i32
        %dma_wait3A_625 = arith.constant 0 : i32
        %dma_wait3A_626 = tpu.memref_slice %arg3[%dma_wait3A_624, %dma_wait3A_625] : memref<1000000x64xf32, #tpu.memory_space<hbm>> -> memref<64x64xf32, #tpu.memory_space<hbm>>
        %dma_wait3A_627 = arith.constant 0 : i32
        %dma_wait3A_628 = arith.constant 0 : i32
        %dma_wait3A_629 = tpu.memref_slice %arg6[%run_scoped3A_594, %dma_wait3A_627, %dma_wait3A_628] : memref<2x256x64xf32, #tpu.memory_space<vmem>> -> memref<1x256x64xf32, #tpu.memory_space<vmem>>
        %dma_wait3A_630 = tpu.memref_squeeze %dma_wait3A_629 : memref<1x256x64xf32, #tpu.memory_space<vmem>> -> memref<256x64xf32, #tpu.memory_space<vmem>>
        %dma_wait3A_631 = arith.constant 0 : i32
        %dma_wait3A_632 = arith.constant 0 : i32
        %dma_wait3A_633 = tpu.memref_slice %dma_wait3A_630[%dma_wait3A_631, %dma_wait3A_632] : memref<256x64xf32, #tpu.memory_space<vmem>> -> memref<64x64xf32, #tpu.memory_space<vmem>>
        %dma_wait3A_634 = arith.constant 999936 : i32
        %dma_wait3A_635 = arith.constant 0 : i32
        %dma_wait3A_636 = tpu.memref_slice %arg3[%dma_wait3A_634, %dma_wait3A_635] : memref<1000000x64xf32, #tpu.memory_space<hbm>> -> memref<64x64xf32, #tpu.memory_space<hbm>>
        tpu.wait_dma2 semaphore(%run_scoped3A_596 : memref<!tpu.dma_semaphore, #tpu.memory_space<semaphore_mem>>) src(%dma_wait3A_636 : memref<64x64xf32, #tpu.memory_space<hbm>>) dst(%dma_wait3A_633 : memref<64x64xf32, #tpu.memory_space<vmem>>)
        tpu.yield
      }) : () -> ()
      %run_scoped3A_595 = arith.constant 0 : i32
      "tpu.region"() ({
        %run_scoped3A_596 = tpu.sem_alloc : memref<!tpu.dma_semaphore, #tpu.memory_space<semaphore_mem>>
        %dma_start3A_597 = arith.constant 0 : i32
        %dma_start3A_598 = arith.constant 0 : i32
        %dma_start3A_599 = tpu.memref_slice %arg6[%run_scoped3A_595, %dma_start3A_597, %dma_start3A_598] : memref<2x256x64xf32, #tpu.memory_space<vmem>> -> memref<1x256x64xf32, #tpu.memory_space<vmem>>
        %dma_start3A_600 = tpu.memref_squeeze %dma_start3A_599 : memref<1x256x64xf32, #tpu.memory_space<vmem>> -> memref<256x64xf32, #tpu.memory_space<vmem>>
        %dma_start3A_601 = arith.constant 0 : i32
        %dma_start3A_602 = arith.constant 0 : i32
        %dma_start3A_603 = tpu.memref_slice %dma_start3A_600[%dma_start3A_601, %dma_start3A_602] : memref<256x64xf32, #tpu.memory_space<vmem>> -> memref<64x64xf32, #tpu.memory_space<vmem>>
        %dma_start3A_604 = arith.constant 0 : i32
        %dma_start3A_605 = arith.constant 0 : i32
        %dma_start3A_606 = tpu.memref_slice %arg5[%arg0, %dma_start3A_604, %dma_start3A_605] : memref<2x1000000x64xf32, #tpu.memory_space<hbm>> -> memref<1x1000000x64xf32, #tpu.memory_space<hbm>>
        %dma_start3A_607 = tpu.memref_squeeze %dma_start3A_606 : memref<1x1000000x64xf32, #tpu.memory_space<hbm>> -> memref<1000000x64xf32, #tpu.memory_space<hbm>>
        %dma_start3A_608 = arith.constant 999936 : i32
        %dma_start3A_609 = arith.constant 0 : i32
        %dma_start3A_610 = tpu.memref_slice %dma_start3A_607[%dma_start3A_608, %dma_start3A_609] : memref<1000000x64xf32, #tpu.memory_space<hbm>> -> memref<64x64xf32, #tpu.memory_space<hbm>>
        %dma_start3A_611 = arith.constant 0 : i32
        %dma_start3A_612 = arith.constant 0 : i32
        %dma_start3A_613 = tpu.memref_slice %arg5[%arg0, %dma_start3A_611, %dma_start3A_612] : memref<2x1000000x64xf32, #tpu.memory_space<hbm>> -> memref<1x1000000x64xf32, #tpu.memory_space<hbm>>
        %dma_start3A_614 = tpu.memref_squeeze %dma_start3A_613 : memref<1x1000000x64xf32, #tpu.memory_space<hbm>> -> memref<1000000x64xf32, #tpu.memory_space<hbm>>
        %dma_start3A_615 = arith.constant 999936 : i32
        %dma_start3A_616 = arith.constant 0 : i32
        %dma_start3A_617 = tpu.memref_slice %dma_start3A_614[%dma_start3A_615, %dma_start3A_616] : memref<1000000x64xf32, #tpu.memory_space<hbm>> -> memref<64x64xf32, #tpu.memory_space<hbm>>
        %dma_start3A_618 = arith.constant 0 : i32
        %dma_start3A_619 = arith.constant 0 : i32
        %dma_start3A_620 = tpu.memref_slice %arg6[%run_scoped3A_595, %dma_start3A_618, %dma_start3A_619] : memref<2x256x64xf32, #tpu.memory_space<vmem>> -> memref<1x256x64xf32, #tpu.memory_space<vmem>>
        %dma_start3A_621 = tpu.memref_squeeze %dma_start3A_620 : memref<1x256x64xf32, #tpu.memory_space<vmem>> -> memref<256x64xf32, #tpu.memory_space<vmem>>
        %dma_start3A_622 = arith.constant 0 : i32
        %dma_start3A_623 = arith.constant 0 : i32
        %dma_start3A_624 = tpu.memref_slice %dma_start3A_621[%dma_start3A_622, %dma_start3A_623] : memref<256x64xf32, #tpu.memory_space<vmem>> -> memref<64x64xf32, #tpu.memory_space<vmem>>
        tpu.enqueue_dma source(%dma_start3A_624 : memref<64x64xf32, #tpu.memory_space<vmem>>) target(%dma_start3A_617 : memref<64x64xf32, #tpu.memory_space<hbm>>) target_semaphore(%run_scoped3A_596 : memref<!tpu.dma_semaphore, #tpu.memory_space<semaphore_mem>>)
        %dma_wait3A_625 = arith.constant 0 : i32
        %dma_wait3A_626 = arith.constant 0 : i32
        %dma_wait3A_627 = tpu.memref_slice %arg6[%run_scoped3A_595, %dma_wait3A_625, %dma_wait3A_626] : memref<2x256x64xf32, #tpu.memory_space<vmem>> -> memref<1x256x64xf32, #tpu.memory_space<vmem>>
        %dma_wait3A_628 = tpu.memref_squeeze %dma_wait3A_627 : memref<1x256x64xf32, #tpu.memory_space<vmem>> -> memref<256x64xf32, #tpu.memory_space<vmem>>
        %dma_wait3A_629 = arith.constant 0 : i32
        %dma_wait3A_630 = arith.constant 0 : i32
        %dma_wait3A_631 = tpu.memref_slice %dma_wait3A_628[%dma_wait3A_629, %dma_wait3A_630] : memref<256x64xf32, #tpu.memory_space<vmem>> -> memref<64x64xf32, #tpu.memory_space<vmem>>
        %dma_wait3A_632 = arith.constant 0 : i32
        %dma_wait3A_633 = arith.constant 0 : i32
        %dma_wait3A_634 = tpu.memref_slice %arg5[%arg0, %dma_wait3A_632, %dma_wait3A_633] : memref<2x1000000x64xf32, #tpu.memory_space<hbm>> -> memref<1x1000000x64xf32, #tpu.memory_space<hbm>>
        %dma_wait3A_635 = tpu.memref_squeeze %dma_wait3A_634 : memref<1x1000000x64xf32, #tpu.memory_space<hbm>> -> memref<1000000x64xf32, #tpu.memory_space<hbm>>
        %dma_wait3A_636 = arith.constant 999936 : i32
        %dma_wait3A_637 = arith.constant 0 : i32
        %dma_wait3A_638 = tpu.memref_slice %dma_wait3A_635[%dma_wait3A_636, %dma_wait3A_637] : memref<1000000x64xf32, #tpu.memory_space<hbm>> -> memref<64x64xf32, #tpu.memory_space<hbm>>
        %dma_wait3A_639 = arith.constant 0 : i32
        %dma_wait3A_640 = arith.constant 0 : i32
        %dma_wait3A_641 = tpu.memref_slice %arg5[%arg0, %dma_wait3A_639, %dma_wait3A_640] : memref<2x1000000x64xf32, #tpu.memory_space<hbm>> -> memref<1x1000000x64xf32, #tpu.memory_space<hbm>>
        %dma_wait3A_642 = tpu.memref_squeeze %dma_wait3A_641 : memref<1x1000000x64xf32, #tpu.memory_space<hbm>> -> memref<1000000x64xf32, #tpu.memory_space<hbm>>
        %dma_wait3A_643 = arith.constant 999936 : i32
        %dma_wait3A_644 = arith.constant 0 : i32
        %dma_wait3A_645 = tpu.memref_slice %dma_wait3A_642[%dma_wait3A_643, %dma_wait3A_644] : memref<1000000x64xf32, #tpu.memory_space<hbm>> -> memref<64x64xf32, #tpu.memory_space<hbm>>
        %dma_wait3A_646 = arith.constant 0 : i32
        %dma_wait3A_647 = arith.constant 0 : i32
        %dma_wait3A_648 = tpu.memref_slice %arg6[%run_scoped3A_595, %dma_wait3A_646, %dma_wait3A_647] : memref<2x256x64xf32, #tpu.memory_space<vmem>> -> memref<1x256x64xf32, #tpu.memory_space<vmem>>
        %dma_wait3A_649 = tpu.memref_squeeze %dma_wait3A_648 : memref<1x256x64xf32, #tpu.memory_space<vmem>> -> memref<256x64xf32, #tpu.memory_space<vmem>>
        %dma_wait3A_650 = arith.constant 0 : i32
        %dma_wait3A_651 = arith.constant 0 : i32
        %dma_wait3A_652 = tpu.memref_slice %dma_wait3A_649[%dma_wait3A_650, %dma_wait3A_651] : memref<256x64xf32, #tpu.memory_space<vmem>> -> memref<64x64xf32, #tpu.memory_space<vmem>>
        tpu.wait_dma2 semaphore(%run_scoped3A_596 : memref<!tpu.dma_semaphore, #tpu.memory_space<semaphore_mem>>) src(%dma_wait3A_652 : memref<64x64xf32, #tpu.memory_space<vmem>>) dst(%dma_wait3A_645 : memref<64x64xf32, #tpu.memory_space<hbm>>)
        tpu.yield
      }) : () -> ()
    } else {
    }
    %barrier3A = arith.constant 0 : index
    tpu.barrier barrier_id(%barrier3A)
    %add3A_328 = arith.constant 0 : i32
    %add3A_329 = arith.addi %mul3A_2, %add3A_328 : i32
    "tpu.region"() ({
      %run_scoped3A = tpu.sem_alloc : memref<!tpu.dma_semaphore, #tpu.memory_space<semaphore_mem>>
      %dma_start3A_591 = arith.constant 0 : i32
      %dma_start3A_592 = tpu.memref_slice %arg2[%add3A_329, %dma_start3A_591] : memref<4096x200xi32, #tpu.memory_space<hbm>> -> memref<32x200xi32, #tpu.memory_space<hbm>>
      %dma_start3A_593 = arith.constant 0 : i32
      %dma_start3A_594 = tpu.memref_slice %arg2[%add3A_329, %dma_start3A_593] : memref<4096x200xi32, #tpu.memory_space<hbm>> -> memref<32x200xi32, #tpu.memory_space<hbm>>
      tpu.enqueue_dma source(%dma_start3A_594 : memref<32x200xi32, #tpu.memory_space<hbm>>) target(%arg7 : memref<32x200xi32, #tpu.memory_space<vmem>>) target_semaphore(%run_scoped3A : memref<!tpu.dma_semaphore, #tpu.memory_space<semaphore_mem>>)
      %dma_wait3A_595 = arith.constant 0 : i32
      %dma_wait3A_596 = tpu.memref_slice %arg2[%add3A_329, %dma_wait3A_595] : memref<4096x200xi32, #tpu.memory_space<hbm>> -> memref<32x200xi32, #tpu.memory_space<hbm>>
      %dma_wait3A_597 = arith.constant 0 : i32
      %dma_wait3A_598 = tpu.memref_slice %arg2[%add3A_329, %dma_wait3A_597] : memref<4096x200xi32, #tpu.memory_space<hbm>> -> memref<32x200xi32, #tpu.memory_space<hbm>>
      tpu.wait_dma2 semaphore(%run_scoped3A : memref<!tpu.dma_semaphore, #tpu.memory_space<semaphore_mem>>) src(%dma_wait3A_598 : memref<32x200xi32, #tpu.memory_space<hbm>>) dst(%arg7 : memref<32x200xi32, #tpu.memory_space<vmem>>)
      tpu.yield
    }) : () -> ()
    %add3A_330 = arith.constant 0 : i32
    %add3A_331 = arith.addi %mul3A_2, %add3A_330 : i32
    %dma_start3A_332 = arith.constant 0 : i32
    %dma_start3A_333 = arith.constant 0 : i32
    %dma_start3A_334 = arith.constant 0 : i32
    %dma_start3A_335 = arith.constant 0 : i32
    %dma_start3A_336 = tpu.memref_slice %arg8[%dma_start3A_333, %dma_start3A_334, %dma_start3A_335] : memref<2x200x64xf32, #tpu.memory_space<vmem>> -> memref<1x200x64xf32, #tpu.memory_space<vmem>>
    %dma_start3A_337 = tpu.memref_squeeze %dma_start3A_336 : memref<1x200x64xf32, #tpu.memory_space<vmem>> -> memref<200x64xf32, #tpu.memory_space<vmem>>
    %dma_start3A_338 = arith.constant 0 : i32
    %dma_start3A_339 = arith.constant 0 : i32
    %dma_start3A_340 = tpu.memref_slice %dma_start3A_337[%dma_start3A_338, %dma_start3A_339] : memref<200x64xf32, #tpu.memory_space<vmem>> -> memref<128x64xf32, #tpu.memory_space<vmem>>
    %dma_start3A_341 = arith.constant 0 : i32
    %dma_start3A_342 = tpu.memref_slice %arg7[%dma_start3A_332, %dma_start3A_341] : memref<32x200xi32, #tpu.memory_space<vmem>> -> memref<1x128xi32, #tpu.memory_space<vmem>>
    %dma_start3A_343 = tpu.memref_squeeze %dma_start3A_342 : memref<1x128xi32, #tpu.memory_space<vmem>> -> memref<128xi32, #tpu.memory_space<vmem>>
    %dma_start3A_344 = arith.constant 0 : i32
    %dma_start3A_345 = arith.constant 0 : i32
    %dma_start3A_346 = tpu.memref_slice %arg5[%arg0, %dma_start3A_344, %dma_start3A_345] : memref<2x1000000x64xf32, #tpu.memory_space<hbm>> -> memref<1x1000000x64xf32, #tpu.memory_space<hbm>>
    %dma_start3A_347 = tpu.memref_squeeze %dma_start3A_346 : memref<1x1000000x64xf32, #tpu.memory_space<hbm>> -> memref<1000000x64xf32, #tpu.memory_space<hbm>>
    %dma_start3A_348 = arith.constant 0 : i32
    %dma_start3A_349 = arith.constant 0 : i32
    %dma_start3A_350 = tpu.memref_slice %dma_start3A_347[%dma_start3A_348, %dma_start3A_349] : memref<1000000x64xf32, #tpu.memory_space<hbm>> -> memref<1000000x64xf32, #tpu.memory_space<hbm>>
    tpu.enqueue_indirect_dma source(%dma_start3A_350 : memref<1000000x64xf32, #tpu.memory_space<hbm>>) target(%dma_start3A_340 : memref<128x64xf32, #tpu.memory_space<vmem>>) offsets(%dma_start3A_343 : memref<128xi32, #tpu.memory_space<vmem>>) semaphore(%arg13 : memref<!tpu.dma_semaphore, #tpu.memory_space<semaphore_mem>>)
    %dma_start3A_351 = arith.constant 0 : i32
    %dma_start3A_352 = arith.constant 0 : i32
    %dma_start3A_353 = arith.constant 0 : i32
    %dma_start3A_354 = arith.constant 0 : i32
    %dma_start3A_355 = tpu.memref_slice %arg8[%dma_start3A_352, %dma_start3A_353, %dma_start3A_354] : memref<2x200x64xf32, #tpu.memory_space<vmem>> -> memref<1x200x64xf32, #tpu.memory_space<vmem>>
    %dma_start3A_356 = tpu.memref_squeeze %dma_start3A_355 : memref<1x200x64xf32, #tpu.memory_space<vmem>> -> memref<200x64xf32, #tpu.memory_space<vmem>>
    %dma_start3A_357 = arith.constant 128 : i32
    %dma_start3A_358 = arith.constant 0 : i32
    %dma_start3A_359 = tpu.memref_slice %dma_start3A_356[%dma_start3A_357, %dma_start3A_358] : memref<200x64xf32, #tpu.memory_space<vmem>> -> memref<72x64xf32, #tpu.memory_space<vmem>>
    %dma_start3A_360 = arith.constant 128 : i32
    %dma_start3A_361 = tpu.memref_slice %arg7[%dma_start3A_351, %dma_start3A_360] : memref<32x200xi32, #tpu.memory_space<vmem>> -> memref<1x72xi32, #tpu.memory_space<vmem>>
    %dma_start3A_362 = tpu.memref_squeeze %dma_start3A_361 : memref<1x72xi32, #tpu.memory_space<vmem>> -> memref<72xi32, #tpu.memory_space<vmem>>
    %dma_start3A_363 = arith.constant 0 : i32
    %dma_start3A_364 = arith.constant 0 : i32
    %dma_start3A_365 = tpu.memref_slice %arg5[%arg0, %dma_start3A_363, %dma_start3A_364] : memref<2x1000000x64xf32, #tpu.memory_space<hbm>> -> memref<1x1000000x64xf32, #tpu.memory_space<hbm>>
    %dma_start3A_366 = tpu.memref_squeeze %dma_start3A_365 : memref<1x1000000x64xf32, #tpu.memory_space<hbm>> -> memref<1000000x64xf32, #tpu.memory_space<hbm>>
    %dma_start3A_367 = arith.constant 0 : i32
    %dma_start3A_368 = arith.constant 0 : i32
    %dma_start3A_369 = tpu.memref_slice %dma_start3A_366[%dma_start3A_367, %dma_start3A_368] : memref<1000000x64xf32, #tpu.memory_space<hbm>> -> memref<1000000x64xf32, #tpu.memory_space<hbm>>
    tpu.enqueue_indirect_dma source(%dma_start3A_369 : memref<1000000x64xf32, #tpu.memory_space<hbm>>) target(%dma_start3A_359 : memref<72x64xf32, #tpu.memory_space<vmem>>) offsets(%dma_start3A_362 : memref<72xi32, #tpu.memory_space<vmem>>) semaphore(%arg13 : memref<!tpu.dma_semaphore, #tpu.memory_space<semaphore_mem>>)
    %dma_wait3A_370 = arith.constant 0 : i32
    %dma_wait3A_371 = arith.constant 0 : i32
    %dma_wait3A_372 = arith.constant 0 : i32
    %dma_wait3A_373 = arith.constant 0 : i32
    %dma_wait3A_374 = tpu.memref_slice %arg8[%dma_wait3A_371, %dma_wait3A_372, %dma_wait3A_373] : memref<2x200x64xf32, #tpu.memory_space<vmem>> -> memref<1x200x64xf32, #tpu.memory_space<vmem>>
    %dma_wait3A_375 = tpu.memref_squeeze %dma_wait3A_374 : memref<1x200x64xf32, #tpu.memory_space<vmem>> -> memref<200x64xf32, #tpu.memory_space<vmem>>
    %dma_wait3A_376 = arith.constant 0 : i32
    %dma_wait3A_377 = arith.constant 0 : i32
    %dma_wait3A_378 = tpu.memref_slice %dma_wait3A_375[%dma_wait3A_376, %dma_wait3A_377] : memref<200x64xf32, #tpu.memory_space<vmem>> -> memref<128x64xf32, #tpu.memory_space<vmem>>
    %dma_wait3A_379 = arith.constant 0 : i32
    %dma_wait3A_380 = tpu.memref_slice %arg7[%dma_wait3A_370, %dma_wait3A_379] : memref<32x200xi32, #tpu.memory_space<vmem>> -> memref<1x128xi32, #tpu.memory_space<vmem>>
    %dma_wait3A_381 = tpu.memref_squeeze %dma_wait3A_380 : memref<1x128xi32, #tpu.memory_space<vmem>> -> memref<128xi32, #tpu.memory_space<vmem>>
    %dma_wait3A_382 = arith.constant 0 : i32
    %dma_wait3A_383 = arith.constant 0 : i32
    %dma_wait3A_384 = tpu.memref_slice %arg5[%arg0, %dma_wait3A_382, %dma_wait3A_383] : memref<2x1000000x64xf32, #tpu.memory_space<hbm>> -> memref<1x1000000x64xf32, #tpu.memory_space<hbm>>
    %dma_wait3A_385 = tpu.memref_squeeze %dma_wait3A_384 : memref<1x1000000x64xf32, #tpu.memory_space<hbm>> -> memref<1000000x64xf32, #tpu.memory_space<hbm>>
    %dma_wait3A_386 = arith.constant 0 : i32
    %dma_wait3A_387 = arith.constant 0 : i32
    %dma_wait3A_388 = tpu.memref_slice %dma_wait3A_385[%dma_wait3A_386, %dma_wait3A_387] : memref<1000000x64xf32, #tpu.memory_space<hbm>> -> memref<1000000x64xf32, #tpu.memory_space<hbm>>
    tpu.wait_indirect_dma semaphore(%arg13 : memref<!tpu.dma_semaphore, #tpu.memory_space<semaphore_mem>>) src(%dma_wait3A_388 : memref<1000000x64xf32, #tpu.memory_space<hbm>>) dst(%dma_wait3A_378 : memref<128x64xf32, #tpu.memory_space<vmem>>)
    %dma_wait3A_389 = arith.constant 0 : i32
    %dma_wait3A_390 = arith.constant 0 : i32
    %dma_wait3A_391 = arith.constant 0 : i32
    %dma_wait3A_392 = arith.constant 0 : i32
    %dma_wait3A_393 = tpu.memref_slice %arg8[%dma_wait3A_390, %dma_wait3A_391, %dma_wait3A_392] : memref<2x200x64xf32, #tpu.memory_space<vmem>> -> memref<1x200x64xf32, #tpu.memory_space<vmem>>
    %dma_wait3A_394 = tpu.memref_squeeze %dma_wait3A_393 : memref<1x200x64xf32, #tpu.memory_space<vmem>> -> memref<200x64xf32, #tpu.memory_space<vmem>>
    %dma_wait3A_395 = arith.constant 128 : i32
    %dma_wait3A_396 = arith.constant 0 : i32
    %dma_wait3A_397 = tpu.memref_slice %dma_wait3A_394[%dma_wait3A_395, %dma_wait3A_396] : memref<200x64xf32, #tpu.memory_space<vmem>> -> memref<72x64xf32, #tpu.memory_space<vmem>>
    %dma_wait3A_398 = arith.constant 128 : i32
    %dma_wait3A_399 = tpu.memref_slice %arg7[%dma_wait3A_389, %dma_wait3A_398] : memref<32x200xi32, #tpu.memory_space<vmem>> -> memref<1x72xi32, #tpu.memory_space<vmem>>
    %dma_wait3A_400 = tpu.memref_squeeze %dma_wait3A_399 : memref<1x72xi32, #tpu.memory_space<vmem>> -> memref<72xi32, #tpu.memory_space<vmem>>
    %dma_wait3A_401 = arith.constant 0 : i32
    %dma_wait3A_402 = arith.constant 0 : i32
    %dma_wait3A_403 = tpu.memref_slice %arg5[%arg0, %dma_wait3A_401, %dma_wait3A_402] : memref<2x1000000x64xf32, #tpu.memory_space<hbm>> -> memref<1x1000000x64xf32, #tpu.memory_space<hbm>>
    %dma_wait3A_404 = tpu.memref_squeeze %dma_wait3A_403 : memref<1x1000000x64xf32, #tpu.memory_space<hbm>> -> memref<1000000x64xf32, #tpu.memory_space<hbm>>
    %dma_wait3A_405 = arith.constant 0 : i32
    %dma_wait3A_406 = arith.constant 0 : i32
    %dma_wait3A_407 = tpu.memref_slice %dma_wait3A_404[%dma_wait3A_405, %dma_wait3A_406] : memref<1000000x64xf32, #tpu.memory_space<hbm>> -> memref<1000000x64xf32, #tpu.memory_space<hbm>>
    tpu.wait_indirect_dma semaphore(%arg13 : memref<!tpu.dma_semaphore, #tpu.memory_space<semaphore_mem>>) src(%dma_wait3A_407 : memref<1000000x64xf32, #tpu.memory_space<hbm>>) dst(%dma_wait3A_397 : memref<72x64xf32, #tpu.memory_space<vmem>>)
    %dma_start3A_408 = arith.constant 0 : i32
    %dma_start3A_409 = arith.constant 0 : i32
    %dma_start3A_410 = arith.constant 0 : i32
    %dma_start3A_411 = tpu.memref_slice %arg8[%dma_start3A_408, %dma_start3A_409, %dma_start3A_410] : memref<2x200x64xf32, #tpu.memory_space<vmem>> -> memref<1x200x64xf32, #tpu.memory_space<vmem>>
    %dma_start3A_412 = tpu.memref_squeeze %dma_start3A_411 : memref<1x200x64xf32, #tpu.memory_space<vmem>> -> memref<200x64xf32, #tpu.memory_space<vmem>>
    %dma_start3A_413 = arith.constant 0 : i32
    %dma_start3A_414 = arith.constant 0 : i32
    %dma_start3A_415 = tpu.memref_slice %arg4[%add3A_331, %dma_start3A_413, %dma_start3A_414] : memref<4096x200x64xf32, #tpu.memory_space<hbm>> -> memref<1x200x64xf32, #tpu.memory_space<hbm>>
    %dma_start3A_416 = tpu.memref_squeeze %dma_start3A_415 : memref<1x200x64xf32, #tpu.memory_space<hbm>> -> memref<200x64xf32, #tpu.memory_space<hbm>>
    %dma_start3A_417 = arith.constant 0 : i32
    %dma_start3A_418 = arith.constant 0 : i32
    %dma_start3A_419 = tpu.memref_slice %arg4[%add3A_331, %dma_start3A_417, %dma_start3A_418] : memref<4096x200x64xf32, #tpu.memory_space<hbm>> -> memref<1x200x64xf32, #tpu.memory_space<hbm>>
    %dma_start3A_420 = tpu.memref_squeeze %dma_start3A_419 : memref<1x200x64xf32, #tpu.memory_space<hbm>> -> memref<200x64xf32, #tpu.memory_space<hbm>>
    %dma_start3A_421 = arith.constant 0 : i32
    %dma_start3A_422 = arith.constant 0 : i32
    %dma_start3A_423 = tpu.memref_slice %arg8[%dma_start3A_408, %dma_start3A_421, %dma_start3A_422] : memref<2x200x64xf32, #tpu.memory_space<vmem>> -> memref<1x200x64xf32, #tpu.memory_space<vmem>>
    %dma_start3A_424 = tpu.memref_squeeze %dma_start3A_423 : memref<1x200x64xf32, #tpu.memory_space<vmem>> -> memref<200x64xf32, #tpu.memory_space<vmem>>
    tpu.enqueue_dma source(%dma_start3A_424 : memref<200x64xf32, #tpu.memory_space<vmem>>) target(%dma_start3A_420 : memref<200x64xf32, #tpu.memory_space<hbm>>) target_semaphore(%arg14 : memref<!tpu.dma_semaphore, #tpu.memory_space<semaphore_mem>>)
    %add3A_425 = arith.constant 1 : i32
    %add3A_426 = arith.addi %mul3A_2, %add3A_425 : i32
    %dma_start3A_427 = arith.constant 1 : i32
    %dma_start3A_428 = arith.constant 1 : i32
    %dma_start3A_429 = arith.constant 0 : i32
    %dma_start3A_430 = arith.constant 0 : i32
    %dma_start3A_431 = tpu.memref_slice %arg8[%dma_start3A_428, %dma_start3A_429, %dma_start3A_430] : memref<2x200x64xf32, #tpu.memory_space<vmem>> -> memref<1x200x64xf32, #tpu.memory_space<vmem>>
    %dma_start3A_432 = tpu.memref_squeeze %dma_start3A_431 : memref<1x200x64xf32, #tpu.memory_space<vmem>> -> memref<200x64xf32, #tpu.memory_space<vmem>>
    %dma_start3A_433 = arith.constant 0 : i32
    %dma_start3A_434 = arith.constant 0 : i32
    %dma_start3A_435 = tpu.memref_slice %dma_start3A_432[%dma_start3A_433, %dma_start3A_434] : memref<200x64xf32, #tpu.memory_space<vmem>> -> memref<128x64xf32, #tpu.memory_space<vmem>>
    %dma_start3A_436 = arith.constant 0 : i32
    %dma_start3A_437 = tpu.memref_slice %arg7[%dma_start3A_427, %dma_start3A_436] : memref<32x200xi32, #tpu.memory_space<vmem>> -> memref<1x128xi32, #tpu.memory_space<vmem>>
    %dma_start3A_438 = tpu.memref_squeeze %dma_start3A_437 : memref<1x128xi32, #tpu.memory_space<vmem>> -> memref<128xi32, #tpu.memory_space<vmem>>
    %dma_start3A_439 = arith.constant 0 : i32
    %dma_start3A_440 = arith.constant 0 : i32
    %dma_start3A_441 = tpu.memref_slice %arg5[%arg0, %dma_start3A_439, %dma_start3A_440] : memref<2x1000000x64xf32, #tpu.memory_space<hbm>> -> memref<1x1000000x64xf32, #tpu.memory_space<hbm>>
    %dma_start3A_442 = tpu.memref_squeeze %dma_start3A_441 : memref<1x1000000x64xf32, #tpu.memory_space<hbm>> -> memref<1000000x64xf32, #tpu.memory_space<hbm>>
    %dma_start3A_443 = arith.constant 0 : i32
    %dma_start3A_444 = arith.constant 0 : i32
    %dma_start3A_445 = tpu.memref_slice %dma_start3A_442[%dma_start3A_443, %dma_start3A_444] : memref<1000000x64xf32, #tpu.memory_space<hbm>> -> memref<1000000x64xf32, #tpu.memory_space<hbm>>
    tpu.enqueue_indirect_dma source(%dma_start3A_445 : memref<1000000x64xf32, #tpu.memory_space<hbm>>) target(%dma_start3A_435 : memref<128x64xf32, #tpu.memory_space<vmem>>) offsets(%dma_start3A_438 : memref<128xi32, #tpu.memory_space<vmem>>) semaphore(%arg13 : memref<!tpu.dma_semaphore, #tpu.memory_space<semaphore_mem>>)
    %dma_start3A_446 = arith.constant 1 : i32
    %dma_start3A_447 = arith.constant 1 : i32
    %dma_start3A_448 = arith.constant 0 : i32
    %dma_start3A_449 = arith.constant 0 : i32
    %dma_start3A_450 = tpu.memref_slice %arg8[%dma_start3A_447, %dma_start3A_448, %dma_start3A_449] : memref<2x200x64xf32, #tpu.memory_space<vmem>> -> memref<1x200x64xf32, #tpu.memory_space<vmem>>
    %dma_start3A_451 = tpu.memref_squeeze %dma_start3A_450 : memref<1x200x64xf32, #tpu.memory_space<vmem>> -> memref<200x64xf32, #tpu.memory_space<vmem>>
    %dma_start3A_452 = arith.constant 128 : i32
    %dma_start3A_453 = arith.constant 0 : i32
    %dma_start3A_454 = tpu.memref_slice %dma_start3A_451[%dma_start3A_452, %dma_start3A_453] : memref<200x64xf32, #tpu.memory_space<vmem>> -> memref<72x64xf32, #tpu.memory_space<vmem>>
    %dma_start3A_455 = arith.constant 128 : i32
    %dma_start3A_456 = tpu.memref_slice %arg7[%dma_start3A_446, %dma_start3A_455] : memref<32x200xi32, #tpu.memory_space<vmem>> -> memref<1x72xi32, #tpu.memory_space<vmem>>
    %dma_start3A_457 = tpu.memref_squeeze %dma_start3A_456 : memref<1x72xi32, #tpu.memory_space<vmem>> -> memref<72xi32, #tpu.memory_space<vmem>>
    %dma_start3A_458 = arith.constant 0 : i32
    %dma_start3A_459 = arith.constant 0 : i32
    %dma_start3A_460 = tpu.memref_slice %arg5[%arg0, %dma_start3A_458, %dma_start3A_459] : memref<2x1000000x64xf32, #tpu.memory_space<hbm>> -> memref<1x1000000x64xf32, #tpu.memory_space<hbm>>
    %dma_start3A_461 = tpu.memref_squeeze %dma_start3A_460 : memref<1x1000000x64xf32, #tpu.memory_space<hbm>> -> memref<1000000x64xf32, #tpu.memory_space<hbm>>
    %dma_start3A_462 = arith.constant 0 : i32
    %dma_start3A_463 = arith.constant 0 : i32
    %dma_start3A_464 = tpu.memref_slice %dma_start3A_461[%dma_start3A_462, %dma_start3A_463] : memref<1000000x64xf32, #tpu.memory_space<hbm>> -> memref<1000000x64xf32, #tpu.memory_space<hbm>>
    tpu.enqueue_indirect_dma source(%dma_start3A_464 : memref<1000000x64xf32, #tpu.memory_space<hbm>>) target(%dma_start3A_454 : memref<72x64xf32, #tpu.memory_space<vmem>>) offsets(%dma_start3A_457 : memref<72xi32, #tpu.memory_space<vmem>>) semaphore(%arg13 : memref<!tpu.dma_semaphore, #tpu.memory_space<semaphore_mem>>)
    %dma_wait3A_465 = arith.constant 1 : i32
    %dma_wait3A_466 = arith.constant 1 : i32
    %dma_wait3A_467 = arith.constant 0 : i32
    %dma_wait3A_468 = arith.constant 0 : i32
    %dma_wait3A_469 = tpu.memref_slice %arg8[%dma_wait3A_466, %dma_wait3A_467, %dma_wait3A_468] : memref<2x200x64xf32, #tpu.memory_space<vmem>> -> memref<1x200x64xf32, #tpu.memory_space<vmem>>
    %dma_wait3A_470 = tpu.memref_squeeze %dma_wait3A_469 : memref<1x200x64xf32, #tpu.memory_space<vmem>> -> memref<200x64xf32, #tpu.memory_space<vmem>>
    %dma_wait3A_471 = arith.constant 0 : i32
    %dma_wait3A_472 = arith.constant 0 : i32
    %dma_wait3A_473 = tpu.memref_slice %dma_wait3A_470[%dma_wait3A_471, %dma_wait3A_472] : memref<200x64xf32, #tpu.memory_space<vmem>> -> memref<128x64xf32, #tpu.memory_space<vmem>>
    %dma_wait3A_474 = arith.constant 0 : i32
    %dma_wait3A_475 = tpu.memref_slice %arg7[%dma_wait3A_465, %dma_wait3A_474] : memref<32x200xi32, #tpu.memory_space<vmem>> -> memref<1x128xi32, #tpu.memory_space<vmem>>
    %dma_wait3A_476 = tpu.memref_squeeze %dma_wait3A_475 : memref<1x128xi32, #tpu.memory_space<vmem>> -> memref<128xi32, #tpu.memory_space<vmem>>
    %dma_wait3A_477 = arith.constant 0 : i32
    %dma_wait3A_478 = arith.constant 0 : i32
    %dma_wait3A_479 = tpu.memref_slice %arg5[%arg0, %dma_wait3A_477, %dma_wait3A_478] : memref<2x1000000x64xf32, #tpu.memory_space<hbm>> -> memref<1x1000000x64xf32, #tpu.memory_space<hbm>>
    %dma_wait3A_480 = tpu.memref_squeeze %dma_wait3A_479 : memref<1x1000000x64xf32, #tpu.memory_space<hbm>> -> memref<1000000x64xf32, #tpu.memory_space<hbm>>
    %dma_wait3A_481 = arith.constant 0 : i32
    %dma_wait3A_482 = arith.constant 0 : i32
    %dma_wait3A_483 = tpu.memref_slice %dma_wait3A_480[%dma_wait3A_481, %dma_wait3A_482] : memref<1000000x64xf32, #tpu.memory_space<hbm>> -> memref<1000000x64xf32, #tpu.memory_space<hbm>>
    tpu.wait_indirect_dma semaphore(%arg13 : memref<!tpu.dma_semaphore, #tpu.memory_space<semaphore_mem>>) src(%dma_wait3A_483 : memref<1000000x64xf32, #tpu.memory_space<hbm>>) dst(%dma_wait3A_473 : memref<128x64xf32, #tpu.memory_space<vmem>>)
    %dma_wait3A_484 = arith.constant 1 : i32
    %dma_wait3A_485 = arith.constant 1 : i32
    %dma_wait3A_486 = arith.constant 0 : i32
    %dma_wait3A_487 = arith.constant 0 : i32
    %dma_wait3A_488 = tpu.memref_slice %arg8[%dma_wait3A_485, %dma_wait3A_486, %dma_wait3A_487] : memref<2x200x64xf32, #tpu.memory_space<vmem>> -> memref<1x200x64xf32, #tpu.memory_space<vmem>>
    %dma_wait3A_489 = tpu.memref_squeeze %dma_wait3A_488 : memref<1x200x64xf32, #tpu.memory_space<vmem>> -> memref<200x64xf32, #tpu.memory_space<vmem>>
    %dma_wait3A_490 = arith.constant 128 : i32
    %dma_wait3A_491 = arith.constant 0 : i32
    %dma_wait3A_492 = tpu.memref_slice %dma_wait3A_489[%dma_wait3A_490, %dma_wait3A_491] : memref<200x64xf32, #tpu.memory_space<vmem>> -> memref<72x64xf32, #tpu.memory_space<vmem>>
    %dma_wait3A_493 = arith.constant 128 : i32
    %dma_wait3A_494 = tpu.memref_slice %arg7[%dma_wait3A_484, %dma_wait3A_493] : memref<32x200xi32, #tpu.memory_space<vmem>> -> memref<1x72xi32, #tpu.memory_space<vmem>>
    %dma_wait3A_495 = tpu.memref_squeeze %dma_wait3A_494 : memref<1x72xi32, #tpu.memory_space<vmem>> -> memref<72xi32, #tpu.memory_space<vmem>>
    %dma_wait3A_496 = arith.constant 0 : i32
    %dma_wait3A_497 = arith.constant 0 : i32
    %dma_wait3A_498 = tpu.memref_slice %arg5[%arg0, %dma_wait3A_496, %dma_wait3A_497] : memref<2x1000000x64xf32, #tpu.memory_space<hbm>> -> memref<1x1000000x64xf32, #tpu.memory_space<hbm>>
    %dma_wait3A_499 = tpu.memref_squeeze %dma_wait3A_498 : memref<1x1000000x64xf32, #tpu.memory_space<hbm>> -> memref<1000000x64xf32, #tpu.memory_space<hbm>>
    %dma_wait3A_500 = arith.constant 0 : i32
    %dma_wait3A_501 = arith.constant 0 : i32
    %dma_wait3A_502 = tpu.memref_slice %dma_wait3A_499[%dma_wait3A_500, %dma_wait3A_501] : memref<1000000x64xf32, #tpu.memory_space<hbm>> -> memref<1000000x64xf32, #tpu.memory_space<hbm>>
    tpu.wait_indirect_dma semaphore(%arg13 : memref<!tpu.dma_semaphore, #tpu.memory_space<semaphore_mem>>) src(%dma_wait3A_502 : memref<1000000x64xf32, #tpu.memory_space<hbm>>) dst(%dma_wait3A_492 : memref<72x64xf32, #tpu.memory_space<vmem>>)
    %dma_start3A_503 = arith.constant 1 : i32
    %dma_start3A_504 = arith.constant 0 : i32
    %dma_start3A_505 = arith.constant 0 : i32
    %dma_start3A_506 = tpu.memref_slice %arg8[%dma_start3A_503, %dma_start3A_504, %dma_start3A_505] : memref<2x200x64xf32, #tpu.memory_space<vmem>> -> memref<1x200x64xf32, #tpu.memory_space<vmem>>
    %dma_start3A_507 = tpu.memref_squeeze %dma_start3A_506 : memref<1x200x64xf32, #tpu.memory_space<vmem>> -> memref<200x64xf32, #tpu.memory_space<vmem>>
    %dma_start3A_508 = arith.constant 0 : i32
    %dma_start3A_509 = arith.constant 0 : i32
    %dma_start3A_510 = tpu.memref_slice %arg4[%add3A_426, %dma_start3A_508, %dma_start3A_509] : memref<4096x200x64xf32, #tpu.memory_space<hbm>> -> memref<1x200x64xf32, #tpu.memory_space<hbm>>
    %dma_start3A_511 = tpu.memref_squeeze %dma_start3A_510 : memref<1x200x64xf32, #tpu.memory_space<hbm>> -> memref<200x64xf32, #tpu.memory_space<hbm>>
    %dma_start3A_512 = arith.constant 0 : i32
    %dma_start3A_513 = arith.constant 0 : i32
    %dma_start3A_514 = tpu.memref_slice %arg4[%add3A_426, %dma_start3A_512, %dma_start3A_513] : memref<4096x200x64xf32, #tpu.memory_space<hbm>> -> memref<1x200x64xf32, #tpu.memory_space<hbm>>
    %dma_start3A_515 = tpu.memref_squeeze %dma_start3A_514 : memref<1x200x64xf32, #tpu.memory_space<hbm>> -> memref<200x64xf32, #tpu.memory_space<hbm>>
    %dma_start3A_516 = arith.constant 0 : i32
    %dma_start3A_517 = arith.constant 0 : i32
    %dma_start3A_518 = tpu.memref_slice %arg8[%dma_start3A_503, %dma_start3A_516, %dma_start3A_517] : memref<2x200x64xf32, #tpu.memory_space<vmem>> -> memref<1x200x64xf32, #tpu.memory_space<vmem>>
    %dma_start3A_519 = tpu.memref_squeeze %dma_start3A_518 : memref<1x200x64xf32, #tpu.memory_space<vmem>> -> memref<200x64xf32, #tpu.memory_space<vmem>>
    tpu.enqueue_dma source(%dma_start3A_519 : memref<200x64xf32, #tpu.memory_space<vmem>>) target(%dma_start3A_515 : memref<200x64xf32, #tpu.memory_space<hbm>>) target_semaphore(%arg15 : memref<!tpu.dma_semaphore, #tpu.memory_space<semaphore_mem>>)
    %scan3A_520 = arith.constant 0 : i32
    %scan3A_521 = arith.constant 1 : i32
    %scan3A_522 = arith.constant 15 : i32
    %scan3A_523 = arith.addi %scan3A_521, %scan3A_522 : i32
    %scan3A_524 = arith.constant 1 : i32
    scf.for %scan3A_591 = %scan3A_521 to %scan3A_523 step %scan3A_524  : i32 {
      %mul3A_592 = arith.constant 2 : i32
      %mul3A_593 = arith.muli %mul3A_592, %scan3A_591 : i32
      %mul3A_594 = arith.constant 2 : i32
      %mul3A_595 = arith.muli %mul3A_594, %scan3A_591 : i32
      %add3A_596 = arith.addi %mul3A_2, %mul3A_595 : i32
      %dma_wait3A_597 = arith.constant 0 : i32
      %dma_wait3A_598 = arith.constant 0 : i32
      %dma_wait3A_599 = arith.constant 0 : i32
      %dma_wait3A_600 = tpu.memref_slice %arg8[%dma_wait3A_597, %dma_wait3A_598, %dma_wait3A_599] : memref<2x200x64xf32, #tpu.memory_space<vmem>> -> memref<1x200x64xf32, #tpu.memory_space<vmem>>
      %dma_wait3A_601 = tpu.memref_squeeze %dma_wait3A_600 : memref<1x200x64xf32, #tpu.memory_space<vmem>> -> memref<200x64xf32, #tpu.memory_space<vmem>>
      %dma_wait3A_602 = arith.constant 0 : i32
      %dma_wait3A_603 = arith.constant 0 : i32
      %dma_wait3A_604 = tpu.memref_slice %arg4[%add3A_596, %dma_wait3A_602, %dma_wait3A_603] : memref<4096x200x64xf32, #tpu.memory_space<hbm>> -> memref<1x200x64xf32, #tpu.memory_space<hbm>>
      %dma_wait3A_605 = tpu.memref_squeeze %dma_wait3A_604 : memref<1x200x64xf32, #tpu.memory_space<hbm>> -> memref<200x64xf32, #tpu.memory_space<hbm>>
      %dma_wait3A_606 = arith.constant 0 : i32
      %dma_wait3A_607 = arith.constant 0 : i32
      %dma_wait3A_608 = tpu.memref_slice %arg4[%add3A_596, %dma_wait3A_606, %dma_wait3A_607] : memref<4096x200x64xf32, #tpu.memory_space<hbm>> -> memref<1x200x64xf32, #tpu.memory_space<hbm>>
      %dma_wait3A_609 = tpu.memref_squeeze %dma_wait3A_608 : memref<1x200x64xf32, #tpu.memory_space<hbm>> -> memref<200x64xf32, #tpu.memory_space<hbm>>
      %dma_wait3A_610 = arith.constant 0 : i32
      %dma_wait3A_611 = arith.constant 0 : i32
      %dma_wait3A_612 = tpu.memref_slice %arg8[%dma_wait3A_597, %dma_wait3A_610, %dma_wait3A_611] : memref<2x200x64xf32, #tpu.memory_space<vmem>> -> memref<1x200x64xf32, #tpu.memory_space<vmem>>
      %dma_wait3A_613 = tpu.memref_squeeze %dma_wait3A_612 : memref<1x200x64xf32, #tpu.memory_space<vmem>> -> memref<200x64xf32, #tpu.memory_space<vmem>>
      tpu.wait_dma2 semaphore(%arg14 : memref<!tpu.dma_semaphore, #tpu.memory_space<semaphore_mem>>) src(%dma_wait3A_613 : memref<200x64xf32, #tpu.memory_space<vmem>>) dst(%dma_wait3A_609 : memref<200x64xf32, #tpu.memory_space<hbm>>)
      %dma_start3A_614 = arith.constant 0 : i32
      %dma_start3A_615 = arith.constant 0 : i32
      %dma_start3A_616 = arith.constant 0 : i32
      %dma_start3A_617 = tpu.memref_slice %arg8[%dma_start3A_614, %dma_start3A_615, %dma_start3A_616] : memref<2x200x64xf32, #tpu.memory_space<vmem>> -> memref<1x200x64xf32, #tpu.memory_space<vmem>>
      %dma_start3A_618 = tpu.memref_squeeze %dma_start3A_617 : memref<1x200x64xf32, #tpu.memory_space<vmem>> -> memref<200x64xf32, #tpu.memory_space<vmem>>
      %dma_start3A_619 = arith.constant 0 : i32
      %dma_start3A_620 = arith.constant 0 : i32
      %dma_start3A_621 = tpu.memref_slice %dma_start3A_618[%dma_start3A_619, %dma_start3A_620] : memref<200x64xf32, #tpu.memory_space<vmem>> -> memref<128x64xf32, #tpu.memory_space<vmem>>
      %dma_start3A_622 = arith.constant 0 : i32
      %dma_start3A_623 = tpu.memref_slice %arg7[%mul3A_593, %dma_start3A_622] : memref<32x200xi32, #tpu.memory_space<vmem>> -> memref<1x128xi32, #tpu.memory_space<vmem>>
      %dma_start3A_624 = tpu.memref_squeeze %dma_start3A_623 : memref<1x128xi32, #tpu.memory_space<vmem>> -> memref<128xi32, #tpu.memory_space<vmem>>
      %dma_start3A_625 = arith.constant 0 : i32
      %dma_start3A_626 = arith.constant 0 : i32
      %dma_start3A_627 = tpu.memref_slice %arg5[%arg0, %dma_start3A_625, %dma_start3A_626] : memref<2x1000000x64xf32, #tpu.memory_space<hbm>> -> memref<1x1000000x64xf32, #tpu.memory_space<hbm>>
      %dma_start3A_628 = tpu.memref_squeeze %dma_start3A_627 : memref<1x1000000x64xf32, #tpu.memory_space<hbm>> -> memref<1000000x64xf32, #tpu.memory_space<hbm>>
      %dma_start3A_629 = arith.constant 0 : i32
      %dma_start3A_630 = arith.constant 0 : i32
      %dma_start3A_631 = tpu.memref_slice %dma_start3A_628[%dma_start3A_629, %dma_start3A_630] : memref<1000000x64xf32, #tpu.memory_space<hbm>> -> memref<1000000x64xf32, #tpu.memory_space<hbm>>
      tpu.enqueue_indirect_dma source(%dma_start3A_631 : memref<1000000x64xf32, #tpu.memory_space<hbm>>) target(%dma_start3A_621 : memref<128x64xf32, #tpu.memory_space<vmem>>) offsets(%dma_start3A_624 : memref<128xi32, #tpu.memory_space<vmem>>) semaphore(%arg13 : memref<!tpu.dma_semaphore, #tpu.memory_space<semaphore_mem>>)
      %dma_start3A_632 = arith.constant 0 : i32
      %dma_start3A_633 = arith.constant 0 : i32
      %dma_start3A_634 = arith.constant 0 : i32
      %dma_start3A_635 = tpu.memref_slice %arg8[%dma_start3A_632, %dma_start3A_633, %dma_start3A_634] : memref<2x200x64xf32, #tpu.memory_space<vmem>> -> memref<1x200x64xf32, #tpu.memory_space<vmem>>
      %dma_start3A_636 = tpu.memref_squeeze %dma_start3A_635 : memref<1x200x64xf32, #tpu.memory_space<vmem>> -> memref<200x64xf32, #tpu.memory_space<vmem>>
      %dma_start3A_637 = arith.constant 128 : i32
      %dma_start3A_638 = arith.constant 0 : i32
      %dma_start3A_639 = tpu.memref_slice %dma_start3A_636[%dma_start3A_637, %dma_start3A_638] : memref<200x64xf32, #tpu.memory_space<vmem>> -> memref<72x64xf32, #tpu.memory_space<vmem>>
      %dma_start3A_640 = arith.constant 128 : i32
      %dma_start3A_641 = tpu.memref_slice %arg7[%mul3A_593, %dma_start3A_640] : memref<32x200xi32, #tpu.memory_space<vmem>> -> memref<1x72xi32, #tpu.memory_space<vmem>>
      %dma_start3A_642 = tpu.memref_squeeze %dma_start3A_641 : memref<1x72xi32, #tpu.memory_space<vmem>> -> memref<72xi32, #tpu.memory_space<vmem>>
      %dma_start3A_643 = arith.constant 0 : i32
      %dma_start3A_644 = arith.constant 0 : i32
      %dma_start3A_645 = tpu.memref_slice %arg5[%arg0, %dma_start3A_643, %dma_start3A_644] : memref<2x1000000x64xf32, #tpu.memory_space<hbm>> -> memref<1x1000000x64xf32, #tpu.memory_space<hbm>>
      %dma_start3A_646 = tpu.memref_squeeze %dma_start3A_645 : memref<1x1000000x64xf32, #tpu.memory_space<hbm>> -> memref<1000000x64xf32, #tpu.memory_space<hbm>>
      %dma_start3A_647 = arith.constant 0 : i32
      %dma_start3A_648 = arith.constant 0 : i32
      %dma_start3A_649 = tpu.memref_slice %dma_start3A_646[%dma_start3A_647, %dma_start3A_648] : memref<1000000x64xf32, #tpu.memory_space<hbm>> -> memref<1000000x64xf32, #tpu.memory_space<hbm>>
      tpu.enqueue_indirect_dma source(%dma_start3A_649 : memref<1000000x64xf32, #tpu.memory_space<hbm>>) target(%dma_start3A_639 : memref<72x64xf32, #tpu.memory_space<vmem>>) offsets(%dma_start3A_642 : memref<72xi32, #tpu.memory_space<vmem>>) semaphore(%arg13 : memref<!tpu.dma_semaphore, #tpu.memory_space<semaphore_mem>>)
      %dma_wait3A_650 = arith.constant 0 : i32
      %dma_wait3A_651 = arith.constant 0 : i32
      %dma_wait3A_652 = arith.constant 0 : i32
      %dma_wait3A_653 = tpu.memref_slice %arg8[%dma_wait3A_650, %dma_wait3A_651, %dma_wait3A_652] : memref<2x200x64xf32, #tpu.memory_space<vmem>> -> memref<1x200x64xf32, #tpu.memory_space<vmem>>
      %dma_wait3A_654 = tpu.memref_squeeze %dma_wait3A_653 : memref<1x200x64xf32, #tpu.memory_space<vmem>> -> memref<200x64xf32, #tpu.memory_space<vmem>>
      %dma_wait3A_655 = arith.constant 0 : i32
      %dma_wait3A_656 = arith.constant 0 : i32
      %dma_wait3A_657 = tpu.memref_slice %dma_wait3A_654[%dma_wait3A_655, %dma_wait3A_656] : memref<200x64xf32, #tpu.memory_space<vmem>> -> memref<128x64xf32, #tpu.memory_space<vmem>>
      %dma_wait3A_658 = arith.constant 0 : i32
      %dma_wait3A_659 = tpu.memref_slice %arg7[%mul3A_593, %dma_wait3A_658] : memref<32x200xi32, #tpu.memory_space<vmem>> -> memref<1x128xi32, #tpu.memory_space<vmem>>
      %dma_wait3A_660 = tpu.memref_squeeze %dma_wait3A_659 : memref<1x128xi32, #tpu.memory_space<vmem>> -> memref<128xi32, #tpu.memory_space<vmem>>
      %dma_wait3A_661 = arith.constant 0 : i32
      %dma_wait3A_662 = arith.constant 0 : i32
      %dma_wait3A_663 = tpu.memref_slice %arg5[%arg0, %dma_wait3A_661, %dma_wait3A_662] : memref<2x1000000x64xf32, #tpu.memory_space<hbm>> -> memref<1x1000000x64xf32, #tpu.memory_space<hbm>>
      %dma_wait3A_664 = tpu.memref_squeeze %dma_wait3A_663 : memref<1x1000000x64xf32, #tpu.memory_space<hbm>> -> memref<1000000x64xf32, #tpu.memory_space<hbm>>
      %dma_wait3A_665 = arith.constant 0 : i32
      %dma_wait3A_666 = arith.constant 0 : i32
      %dma_wait3A_667 = tpu.memref_slice %dma_wait3A_664[%dma_wait3A_665, %dma_wait3A_666] : memref<1000000x64xf32, #tpu.memory_space<hbm>> -> memref<1000000x64xf32, #tpu.memory_space<hbm>>
      tpu.wait_indirect_dma semaphore(%arg13 : memref<!tpu.dma_semaphore, #tpu.memory_space<semaphore_mem>>) src(%dma_wait3A_667 : memref<1000000x64xf32, #tpu.memory_space<hbm>>) dst(%dma_wait3A_657 : memref<128x64xf32, #tpu.memory_space<vmem>>)
      %dma_wait3A_668 = arith.constant 0 : i32
      %dma_wait3A_669 = arith.constant 0 : i32
      %dma_wait3A_670 = arith.constant 0 : i32
      %dma_wait3A_671 = tpu.memref_slice %arg8[%dma_wait3A_668, %dma_wait3A_669, %dma_wait3A_670] : memref<2x200x64xf32, #tpu.memory_space<vmem>> -> memref<1x200x64xf32, #tpu.memory_space<vmem>>
      %dma_wait3A_672 = tpu.memref_squeeze %dma_wait3A_671 : memref<1x200x64xf32, #tpu.memory_space<vmem>> -> memref<200x64xf32, #tpu.memory_space<vmem>>
      %dma_wait3A_673 = arith.constant 128 : i32
      %dma_wait3A_674 = arith.constant 0 : i32
      %dma_wait3A_675 = tpu.memref_slice %dma_wait3A_672[%dma_wait3A_673, %dma_wait3A_674] : memref<200x64xf32, #tpu.memory_space<vmem>> -> memref<72x64xf32, #tpu.memory_space<vmem>>
      %dma_wait3A_676 = arith.constant 128 : i32
      %dma_wait3A_677 = tpu.memref_slice %arg7[%mul3A_593, %dma_wait3A_676] : memref<32x200xi32, #tpu.memory_space<vmem>> -> memref<1x72xi32, #tpu.memory_space<vmem>>
      %dma_wait3A_678 = tpu.memref_squeeze %dma_wait3A_677 : memref<1x72xi32, #tpu.memory_space<vmem>> -> memref<72xi32, #tpu.memory_space<vmem>>
      %dma_wait3A_679 = arith.constant 0 : i32
      %dma_wait3A_680 = arith.constant 0 : i32
      %dma_wait3A_681 = tpu.memref_slice %arg5[%arg0, %dma_wait3A_679, %dma_wait3A_680] : memref<2x1000000x64xf32, #tpu.memory_space<hbm>> -> memref<1x1000000x64xf32, #tpu.memory_space<hbm>>
      %dma_wait3A_682 = tpu.memref_squeeze %dma_wait3A_681 : memref<1x1000000x64xf32, #tpu.memory_space<hbm>> -> memref<1000000x64xf32, #tpu.memory_space<hbm>>
      %dma_wait3A_683 = arith.constant 0 : i32
      %dma_wait3A_684 = arith.constant 0 : i32
      %dma_wait3A_685 = tpu.memref_slice %dma_wait3A_682[%dma_wait3A_683, %dma_wait3A_684] : memref<1000000x64xf32, #tpu.memory_space<hbm>> -> memref<1000000x64xf32, #tpu.memory_space<hbm>>
      tpu.wait_indirect_dma semaphore(%arg13 : memref<!tpu.dma_semaphore, #tpu.memory_space<semaphore_mem>>) src(%dma_wait3A_685 : memref<1000000x64xf32, #tpu.memory_space<hbm>>) dst(%dma_wait3A_675 : memref<72x64xf32, #tpu.memory_space<vmem>>)
      %dma_start3A_686 = arith.constant 0 : i32
      %dma_start3A_687 = arith.constant 0 : i32
      %dma_start3A_688 = arith.constant 0 : i32
      %dma_start3A_689 = tpu.memref_slice %arg8[%dma_start3A_686, %dma_start3A_687, %dma_start3A_688] : memref<2x200x64xf32, #tpu.memory_space<vmem>> -> memref<1x200x64xf32, #tpu.memory_space<vmem>>
      %dma_start3A_690 = tpu.memref_squeeze %dma_start3A_689 : memref<1x200x64xf32, #tpu.memory_space<vmem>> -> memref<200x64xf32, #tpu.memory_space<vmem>>
      %dma_start3A_691 = arith.constant 0 : i32
      %dma_start3A_692 = arith.constant 0 : i32
      %dma_start3A_693 = tpu.memref_slice %arg4[%add3A_596, %dma_start3A_691, %dma_start3A_692] : memref<4096x200x64xf32, #tpu.memory_space<hbm>> -> memref<1x200x64xf32, #tpu.memory_space<hbm>>
      %dma_start3A_694 = tpu.memref_squeeze %dma_start3A_693 : memref<1x200x64xf32, #tpu.memory_space<hbm>> -> memref<200x64xf32, #tpu.memory_space<hbm>>
      %dma_start3A_695 = arith.constant 0 : i32
      %dma_start3A_696 = arith.constant 0 : i32
      %dma_start3A_697 = tpu.memref_slice %arg4[%add3A_596, %dma_start3A_695, %dma_start3A_696] : memref<4096x200x64xf32, #tpu.memory_space<hbm>> -> memref<1x200x64xf32, #tpu.memory_space<hbm>>
      %dma_start3A_698 = tpu.memref_squeeze %dma_start3A_697 : memref<1x200x64xf32, #tpu.memory_space<hbm>> -> memref<200x64xf32, #tpu.memory_space<hbm>>
      %dma_start3A_699 = arith.constant 0 : i32
      %dma_start3A_700 = arith.constant 0 : i32
      %dma_start3A_701 = tpu.memref_slice %arg8[%dma_start3A_686, %dma_start3A_699, %dma_start3A_700] : memref<2x200x64xf32, #tpu.memory_space<vmem>> -> memref<1x200x64xf32, #tpu.memory_space<vmem>>
      %dma_start3A_702 = tpu.memref_squeeze %dma_start3A_701 : memref<1x200x64xf32, #tpu.memory_space<vmem>> -> memref<200x64xf32, #tpu.memory_space<vmem>>
      tpu.enqueue_dma source(%dma_start3A_702 : memref<200x64xf32, #tpu.memory_space<vmem>>) target(%dma_start3A_698 : memref<200x64xf32, #tpu.memory_space<hbm>>) target_semaphore(%arg14 : memref<!tpu.dma_semaphore, #tpu.memory_space<semaphore_mem>>)
      %mul3A_703 = arith.constant 2 : i32
      %mul3A_704 = arith.muli %mul3A_703, %scan3A_591 : i32
      %add3A_705 = arith.constant 1 : i32
      %add3A_706 = arith.addi %mul3A_704, %add3A_705 : i32
      %mul3A_707 = arith.constant 2 : i32
      %mul3A_708 = arith.muli %mul3A_707, %scan3A_591 : i32
      %add3A_709 = arith.constant 1 : i32
      %add3A_710 = arith.addi %mul3A_708, %add3A_709 : i32
      %add3A_711 = arith.addi %mul3A_2, %add3A_710 : i32
      %dma_wait3A_712 = arith.constant 1 : i32
      %dma_wait3A_713 = arith.constant 0 : i32
      %dma_wait3A_714 = arith.constant 0 : i32
      %dma_wait3A_715 = tpu.memref_slice %arg8[%dma_wait3A_712, %dma_wait3A_713, %dma_wait3A_714] : memref<2x200x64xf32, #tpu.memory_space<vmem>> -> memref<1x200x64xf32, #tpu.memory_space<vmem>>
      %dma_wait3A_716 = tpu.memref_squeeze %dma_wait3A_715 : memref<1x200x64xf32, #tpu.memory_space<vmem>> -> memref<200x64xf32, #tpu.memory_space<vmem>>
      %dma_wait3A_717 = arith.constant 0 : i32
      %dma_wait3A_718 = arith.constant 0 : i32
      %dma_wait3A_719 = tpu.memref_slice %arg4[%add3A_711, %dma_wait3A_717, %dma_wait3A_718] : memref<4096x200x64xf32, #tpu.memory_space<hbm>> -> memref<1x200x64xf32, #tpu.memory_space<hbm>>
      %dma_wait3A_720 = tpu.memref_squeeze %dma_wait3A_719 : memref<1x200x64xf32, #tpu.memory_space<hbm>> -> memref<200x64xf32, #tpu.memory_space<hbm>>
      %dma_wait3A_721 = arith.constant 0 : i32
      %dma_wait3A_722 = arith.constant 0 : i32
      %dma_wait3A_723 = tpu.memref_slice %arg4[%add3A_711, %dma_wait3A_721, %dma_wait3A_722] : memref<4096x200x64xf32, #tpu.memory_space<hbm>> -> memref<1x200x64xf32, #tpu.memory_space<hbm>>
      %dma_wait3A_724 = tpu.memref_squeeze %dma_wait3A_723 : memref<1x200x64xf32, #tpu.memory_space<hbm>> -> memref<200x64xf32, #tpu.memory_space<hbm>>
      %dma_wait3A_725 = arith.constant 0 : i32
      %dma_wait3A_726 = arith.constant 0 : i32
      %dma_wait3A_727 = tpu.memref_slice %arg8[%dma_wait3A_712, %dma_wait3A_725, %dma_wait3A_726] : memref<2x200x64xf32, #tpu.memory_space<vmem>> -> memref<1x200x64xf32, #tpu.memory_space<vmem>>
      %dma_wait3A_728 = tpu.memref_squeeze %dma_wait3A_727 : memref<1x200x64xf32, #tpu.memory_space<vmem>> -> memref<200x64xf32, #tpu.memory_space<vmem>>
      tpu.wait_dma2 semaphore(%arg15 : memref<!tpu.dma_semaphore, #tpu.memory_space<semaphore_mem>>) src(%dma_wait3A_728 : memref<200x64xf32, #tpu.memory_space<vmem>>) dst(%dma_wait3A_724 : memref<200x64xf32, #tpu.memory_space<hbm>>)
      %dma_start3A_729 = arith.constant 1 : i32
      %dma_start3A_730 = arith.constant 0 : i32
      %dma_start3A_731 = arith.constant 0 : i32
      %dma_start3A_732 = tpu.memref_slice %arg8[%dma_start3A_729, %dma_start3A_730, %dma_start3A_731] : memref<2x200x64xf32, #tpu.memory_space<vmem>> -> memref<1x200x64xf32, #tpu.memory_space<vmem>>
      %dma_start3A_733 = tpu.memref_squeeze %dma_start3A_732 : memref<1x200x64xf32, #tpu.memory_space<vmem>> -> memref<200x64xf32, #tpu.memory_space<vmem>>
      %dma_start3A_734 = arith.constant 0 : i32
      %dma_start3A_735 = arith.constant 0 : i32
      %dma_start3A_736 = tpu.memref_slice %dma_start3A_733[%dma_start3A_734, %dma_start3A_735] : memref<200x64xf32, #tpu.memory_space<vmem>> -> memref<128x64xf32, #tpu.memory_space<vmem>>
      %dma_start3A_737 = arith.constant 0 : i32
      %dma_start3A_738 = tpu.memref_slice %arg7[%add3A_706, %dma_start3A_737] : memref<32x200xi32, #tpu.memory_space<vmem>> -> memref<1x128xi32, #tpu.memory_space<vmem>>
      %dma_start3A_739 = tpu.memref_squeeze %dma_start3A_738 : memref<1x128xi32, #tpu.memory_space<vmem>> -> memref<128xi32, #tpu.memory_space<vmem>>
      %dma_start3A_740 = arith.constant 0 : i32
      %dma_start3A_741 = arith.constant 0 : i32
      %dma_start3A_742 = tpu.memref_slice %arg5[%arg0, %dma_start3A_740, %dma_start3A_741] : memref<2x1000000x64xf32, #tpu.memory_space<hbm>> -> memref<1x1000000x64xf32, #tpu.memory_space<hbm>>
      %dma_start3A_743 = tpu.memref_squeeze %dma_start3A_742 : memref<1x1000000x64xf32, #tpu.memory_space<hbm>> -> memref<1000000x64xf32, #tpu.memory_space<hbm>>
      %dma_start3A_744 = arith.constant 0 : i32
      %dma_start3A_745 = arith.constant 0 : i32
      %dma_start3A_746 = tpu.memref_slice %dma_start3A_743[%dma_start3A_744, %dma_start3A_745] : memref<1000000x64xf32, #tpu.memory_space<hbm>> -> memref<1000000x64xf32, #tpu.memory_space<hbm>>
      tpu.enqueue_indirect_dma source(%dma_start3A_746 : memref<1000000x64xf32, #tpu.memory_space<hbm>>) target(%dma_start3A_736 : memref<128x64xf32, #tpu.memory_space<vmem>>) offsets(%dma_start3A_739 : memref<128xi32, #tpu.memory_space<vmem>>) semaphore(%arg13 : memref<!tpu.dma_semaphore, #tpu.memory_space<semaphore_mem>>)
      %dma_start3A_747 = arith.constant 1 : i32
      %dma_start3A_748 = arith.constant 0 : i32
      %dma_start3A_749 = arith.constant 0 : i32
      %dma_start3A_750 = tpu.memref_slice %arg8[%dma_start3A_747, %dma_start3A_748, %dma_start3A_749] : memref<2x200x64xf32, #tpu.memory_space<vmem>> -> memref<1x200x64xf32, #tpu.memory_space<vmem>>
      %dma_start3A_751 = tpu.memref_squeeze %dma_start3A_750 : memref<1x200x64xf32, #tpu.memory_space<vmem>> -> memref<200x64xf32, #tpu.memory_space<vmem>>
      %dma_start3A_752 = arith.constant 128 : i32
      %dma_start3A_753 = arith.constant 0 : i32
      %dma_start3A_754 = tpu.memref_slice %dma_start3A_751[%dma_start3A_752, %dma_start3A_753] : memref<200x64xf32, #tpu.memory_space<vmem>> -> memref<72x64xf32, #tpu.memory_space<vmem>>
      %dma_start3A_755 = arith.constant 128 : i32
      %dma_start3A_756 = tpu.memref_slice %arg7[%add3A_706, %dma_start3A_755] : memref<32x200xi32, #tpu.memory_space<vmem>> -> memref<1x72xi32, #tpu.memory_space<vmem>>
      %dma_start3A_757 = tpu.memref_squeeze %dma_start3A_756 : memref<1x72xi32, #tpu.memory_space<vmem>> -> memref<72xi32, #tpu.memory_space<vmem>>
      %dma_start3A_758 = arith.constant 0 : i32
      %dma_start3A_759 = arith.constant 0 : i32
      %dma_start3A_760 = tpu.memref_slice %arg5[%arg0, %dma_start3A_758, %dma_start3A_759] : memref<2x1000000x64xf32, #tpu.memory_space<hbm>> -> memref<1x1000000x64xf32, #tpu.memory_space<hbm>>
      %dma_start3A_761 = tpu.memref_squeeze %dma_start3A_760 : memref<1x1000000x64xf32, #tpu.memory_space<hbm>> -> memref<1000000x64xf32, #tpu.memory_space<hbm>>
      %dma_start3A_762 = arith.constant 0 : i32
      %dma_start3A_763 = arith.constant 0 : i32
      %dma_start3A_764 = tpu.memref_slice %dma_start3A_761[%dma_start3A_762, %dma_start3A_763] : memref<1000000x64xf32, #tpu.memory_space<hbm>> -> memref<1000000x64xf32, #tpu.memory_space<hbm>>
      tpu.enqueue_indirect_dma source(%dma_start3A_764 : memref<1000000x64xf32, #tpu.memory_space<hbm>>) target(%dma_start3A_754 : memref<72x64xf32, #tpu.memory_space<vmem>>) offsets(%dma_start3A_757 : memref<72xi32, #tpu.memory_space<vmem>>) semaphore(%arg13 : memref<!tpu.dma_semaphore, #tpu.memory_space<semaphore_mem>>)
      %dma_wait3A_765 = arith.constant 1 : i32
      %dma_wait3A_766 = arith.constant 0 : i32
      %dma_wait3A_767 = arith.constant 0 : i32
      %dma_wait3A_768 = tpu.memref_slice %arg8[%dma_wait3A_765, %dma_wait3A_766, %dma_wait3A_767] : memref<2x200x64xf32, #tpu.memory_space<vmem>> -> memref<1x200x64xf32, #tpu.memory_space<vmem>>
      %dma_wait3A_769 = tpu.memref_squeeze %dma_wait3A_768 : memref<1x200x64xf32, #tpu.memory_space<vmem>> -> memref<200x64xf32, #tpu.memory_space<vmem>>
      %dma_wait3A_770 = arith.constant 0 : i32
      %dma_wait3A_771 = arith.constant 0 : i32
      %dma_wait3A_772 = tpu.memref_slice %dma_wait3A_769[%dma_wait3A_770, %dma_wait3A_771] : memref<200x64xf32, #tpu.memory_space<vmem>> -> memref<128x64xf32, #tpu.memory_space<vmem>>
      %dma_wait3A_773 = arith.constant 0 : i32
      %dma_wait3A_774 = tpu.memref_slice %arg7[%add3A_706, %dma_wait3A_773] : memref<32x200xi32, #tpu.memory_space<vmem>> -> memref<1x128xi32, #tpu.memory_space<vmem>>
      %dma_wait3A_775 = tpu.memref_squeeze %dma_wait3A_774 : memref<1x128xi32, #tpu.memory_space<vmem>> -> memref<128xi32, #tpu.memory_space<vmem>>
      %dma_wait3A_776 = arith.constant 0 : i32
      %dma_wait3A_777 = arith.constant 0 : i32
      %dma_wait3A_778 = tpu.memref_slice %arg5[%arg0, %dma_wait3A_776, %dma_wait3A_777] : memref<2x1000000x64xf32, #tpu.memory_space<hbm>> -> memref<1x1000000x64xf32, #tpu.memory_space<hbm>>
      %dma_wait3A_779 = tpu.memref_squeeze %dma_wait3A_778 : memref<1x1000000x64xf32, #tpu.memory_space<hbm>> -> memref<1000000x64xf32, #tpu.memory_space<hbm>>
      %dma_wait3A_780 = arith.constant 0 : i32
      %dma_wait3A_781 = arith.constant 0 : i32
      %dma_wait3A_782 = tpu.memref_slice %dma_wait3A_779[%dma_wait3A_780, %dma_wait3A_781] : memref<1000000x64xf32, #tpu.memory_space<hbm>> -> memref<1000000x64xf32, #tpu.memory_space<hbm>>
      tpu.wait_indirect_dma semaphore(%arg13 : memref<!tpu.dma_semaphore, #tpu.memory_space<semaphore_mem>>) src(%dma_wait3A_782 : memref<1000000x64xf32, #tpu.memory_space<hbm>>) dst(%dma_wait3A_772 : memref<128x64xf32, #tpu.memory_space<vmem>>)
      %dma_wait3A_783 = arith.constant 1 : i32
      %dma_wait3A_784 = arith.constant 0 : i32
      %dma_wait3A_785 = arith.constant 0 : i32
      %dma_wait3A_786 = tpu.memref_slice %arg8[%dma_wait3A_783, %dma_wait3A_784, %dma_wait3A_785] : memref<2x200x64xf32, #tpu.memory_space<vmem>> -> memref<1x200x64xf32, #tpu.memory_space<vmem>>
      %dma_wait3A_787 = tpu.memref_squeeze %dma_wait3A_786 : memref<1x200x64xf32, #tpu.memory_space<vmem>> -> memref<200x64xf32, #tpu.memory_space<vmem>>
      %dma_wait3A_788 = arith.constant 128 : i32
      %dma_wait3A_789 = arith.constant 0 : i32
      %dma_wait3A_790 = tpu.memref_slice %dma_wait3A_787[%dma_wait3A_788, %dma_wait3A_789] : memref<200x64xf32, #tpu.memory_space<vmem>> -> memref<72x64xf32, #tpu.memory_space<vmem>>
      %dma_wait3A_791 = arith.constant 128 : i32
      %dma_wait3A_792 = tpu.memref_slice %arg7[%add3A_706, %dma_wait3A_791] : memref<32x200xi32, #tpu.memory_space<vmem>> -> memref<1x72xi32, #tpu.memory_space<vmem>>
      %dma_wait3A_793 = tpu.memref_squeeze %dma_wait3A_792 : memref<1x72xi32, #tpu.memory_space<vmem>> -> memref<72xi32, #tpu.memory_space<vmem>>
      %dma_wait3A_794 = arith.constant 0 : i32
      %dma_wait3A_795 = arith.constant 0 : i32
      %dma_wait3A_796 = tpu.memref_slice %arg5[%arg0, %dma_wait3A_794, %dma_wait3A_795] : memref<2x1000000x64xf32, #tpu.memory_space<hbm>> -> memref<1x1000000x64xf32, #tpu.memory_space<hbm>>
      %dma_wait3A_797 = tpu.memref_squeeze %dma_wait3A_796 : memref<1x1000000x64xf32, #tpu.memory_space<hbm>> -> memref<1000000x64xf32, #tpu.memory_space<hbm>>
      %dma_wait3A_798 = arith.constant 0 : i32
      %dma_wait3A_799 = arith.constant 0 : i32
      %dma_wait3A_800 = tpu.memref_slice %dma_wait3A_797[%dma_wait3A_798, %dma_wait3A_799] : memref<1000000x64xf32, #tpu.memory_space<hbm>> -> memref<1000000x64xf32, #tpu.memory_space<hbm>>
      tpu.wait_indirect_dma semaphore(%arg13 : memref<!tpu.dma_semaphore, #tpu.memory_space<semaphore_mem>>) src(%dma_wait3A_800 : memref<1000000x64xf32, #tpu.memory_space<hbm>>) dst(%dma_wait3A_790 : memref<72x64xf32, #tpu.memory_space<vmem>>)
      %dma_start3A_801 = arith.constant 1 : i32
      %dma_start3A_802 = arith.constant 0 : i32
      %dma_start3A_803 = arith.constant 0 : i32
      %dma_start3A_804 = tpu.memref_slice %arg8[%dma_start3A_801, %dma_start3A_802, %dma_start3A_803] : memref<2x200x64xf32, #tpu.memory_space<vmem>> -> memref<1x200x64xf32, #tpu.memory_space<vmem>>
      %dma_start3A_805 = tpu.memref_squeeze %dma_start3A_804 : memref<1x200x64xf32, #tpu.memory_space<vmem>> -> memref<200x64xf32, #tpu.memory_space<vmem>>
      %dma_start3A_806 = arith.constant 0 : i32
      %dma_start3A_807 = arith.constant 0 : i32
      %dma_start3A_808 = tpu.memref_slice %arg4[%add3A_711, %dma_start3A_806, %dma_start3A_807] : memref<4096x200x64xf32, #tpu.memory_space<hbm>> -> memref<1x200x64xf32, #tpu.memory_space<hbm>>
      %dma_start3A_809 = tpu.memref_squeeze %dma_start3A_808 : memref<1x200x64xf32, #tpu.memory_space<hbm>> -> memref<200x64xf32, #tpu.memory_space<hbm>>
      %dma_start3A_810 = arith.constant 0 : i32
      %dma_start3A_811 = arith.constant 0 : i32
      %dma_start3A_812 = tpu.memref_slice %arg4[%add3A_711, %dma_start3A_810, %dma_start3A_811] : memref<4096x200x64xf32, #tpu.memory_space<hbm>> -> memref<1x200x64xf32, #tpu.memory_space<hbm>>
      %dma_start3A_813 = tpu.memref_squeeze %dma_start3A_812 : memref<1x200x64xf32, #tpu.memory_space<hbm>> -> memref<200x64xf32, #tpu.memory_space<hbm>>
      %dma_start3A_814 = arith.constant 0 : i32
      %dma_start3A_815 = arith.constant 0 : i32
      %dma_start3A_816 = tpu.memref_slice %arg8[%dma_start3A_801, %dma_start3A_814, %dma_start3A_815] : memref<2x200x64xf32, #tpu.memory_space<vmem>> -> memref<1x200x64xf32, #tpu.memory_space<vmem>>
      %dma_start3A_817 = tpu.memref_squeeze %dma_start3A_816 : memref<1x200x64xf32, #tpu.memory_space<vmem>> -> memref<200x64xf32, #tpu.memory_space<vmem>>
      tpu.enqueue_dma source(%dma_start3A_817 : memref<200x64xf32, #tpu.memory_space<vmem>>) target(%dma_start3A_813 : memref<200x64xf32, #tpu.memory_space<hbm>>) target_semaphore(%arg15 : memref<!tpu.dma_semaphore, #tpu.memory_space<semaphore_mem>>)
    }
    %scan3A_525 = arith.constant 15 : i32
    %add3A_526 = arith.constant 32 : i32
    %add3A_527 = arith.addi %mul3A_2, %add3A_526 : i32
    "tpu.region"() ({
      %run_scoped3A = tpu.sem_alloc : memref<!tpu.dma_semaphore, #tpu.memory_space<semaphore_mem>>
      %dma_start3A_591 = arith.constant 0 : i32
      %dma_start3A_592 = tpu.memref_slice %arg2[%add3A_527, %dma_start3A_591] : memref<4096x200xi32, #tpu.memory_space<hbm>> -> memref<32x200xi32, #tpu.memory_space<hbm>>
      %dma_start3A_593 = arith.constant 0 : i32
      %dma_start3A_594 = tpu.memref_slice %arg2[%add3A_527, %dma_start3A_593] : memref<4096x200xi32, #tpu.memory_space<hbm>> -> memref<32x200xi32, #tpu.memory_space<hbm>>
      tpu.enqueue_dma source(%dma_start3A_594 : memref<32x200xi32, #tpu.memory_space<hbm>>) target(%arg7 : memref<32x200xi32, #tpu.memory_space<vmem>>) target_semaphore(%run_scoped3A : memref<!tpu.dma_semaphore, #tpu.memory_space<semaphore_mem>>)
      %dma_wait3A_595 = arith.constant 0 : i32
      %dma_wait3A_596 = tpu.memref_slice %arg2[%add3A_527, %dma_wait3A_595] : memref<4096x200xi32, #tpu.memory_space<hbm>> -> memref<32x200xi32, #tpu.memory_space<hbm>>
      %dma_wait3A_597 = arith.constant 0 : i32
      %dma_wait3A_598 = tpu.memref_slice %arg2[%add3A_527, %dma_wait3A_597] : memref<4096x200xi32, #tpu.memory_space<hbm>> -> memref<32x200xi32, #tpu.memory_space<hbm>>
      tpu.wait_dma2 semaphore(%run_scoped3A : memref<!tpu.dma_semaphore, #tpu.memory_space<semaphore_mem>>) src(%dma_wait3A_598 : memref<32x200xi32, #tpu.memory_space<hbm>>) dst(%arg7 : memref<32x200xi32, #tpu.memory_space<vmem>>)
      tpu.yield
    }) : () -> ()
    %scan3A_528 = arith.constant 0 : i32
    %scan3A_529 = arith.constant 0 : i32
    %scan3A_530 = arith.constant 16 : i32
    %scan3A_531 = arith.addi %scan3A_529, %scan3A_530 : i32
    %scan3A_532 = arith.constant 1 : i32
    scf.for %scan3A_591 = %scan3A_529 to %scan3A_531 step %scan3A_532  : i32 {
      %mul3A_592 = arith.constant 2 : i32
      %mul3A_593 = arith.muli %mul3A_592, %scan3A_591 : i32
      %mul3A_594 = arith.constant 2 : i32
      %mul3A_595 = arith.muli %mul3A_594, %scan3A_591 : i32
      %add3A_596 = arith.constant 32 : i32
      %add3A_597 = arith.addi %add3A_596, %mul3A_595 : i32
      %add3A_598 = arith.addi %mul3A_2, %add3A_597 : i32
      %dma_wait3A_599 = arith.constant 0 : i32
      %dma_wait3A_600 = arith.constant 0 : i32
      %dma_wait3A_601 = arith.constant 0 : i32
      %dma_wait3A_602 = tpu.memref_slice %arg8[%dma_wait3A_599, %dma_wait3A_600, %dma_wait3A_601] : memref<2x200x64xf32, #tpu.memory_space<vmem>> -> memref<1x200x64xf32, #tpu.memory_space<vmem>>
      %dma_wait3A_603 = tpu.memref_squeeze %dma_wait3A_602 : memref<1x200x64xf32, #tpu.memory_space<vmem>> -> memref<200x64xf32, #tpu.memory_space<vmem>>
      %dma_wait3A_604 = arith.constant 0 : i32
      %dma_wait3A_605 = arith.constant 0 : i32
      %dma_wait3A_606 = tpu.memref_slice %arg4[%add3A_598, %dma_wait3A_604, %dma_wait3A_605] : memref<4096x200x64xf32, #tpu.memory_space<hbm>> -> memref<1x200x64xf32, #tpu.memory_space<hbm>>
      %dma_wait3A_607 = tpu.memref_squeeze %dma_wait3A_606 : memref<1x200x64xf32, #tpu.memory_space<hbm>> -> memref<200x64xf32, #tpu.memory_space<hbm>>
      %dma_wait3A_608 = arith.constant 0 : i32
      %dma_wait3A_609 = arith.constant 0 : i32
      %dma_wait3A_610 = tpu.memref_slice %arg4[%add3A_598, %dma_wait3A_608, %dma_wait3A_609] : memref<4096x200x64xf32, #tpu.memory_space<hbm>> -> memref<1x200x64xf32, #tpu.memory_space<hbm>>
      %dma_wait3A_611 = tpu.memref_squeeze %dma_wait3A_610 : memref<1x200x64xf32, #tpu.memory_space<hbm>> -> memref<200x64xf32, #tpu.memory_space<hbm>>
      %dma_wait3A_612 = arith.constant 0 : i32
      %dma_wait3A_613 = arith.constant 0 : i32
      %dma_wait3A_614 = tpu.memref_slice %arg8[%dma_wait3A_599, %dma_wait3A_612, %dma_wait3A_613] : memref<2x200x64xf32, #tpu.memory_space<vmem>> -> memref<1x200x64xf32, #tpu.memory_space<vmem>>
      %dma_wait3A_615 = tpu.memref_squeeze %dma_wait3A_614 : memref<1x200x64xf32, #tpu.memory_space<vmem>> -> memref<200x64xf32, #tpu.memory_space<vmem>>
      tpu.wait_dma2 semaphore(%arg14 : memref<!tpu.dma_semaphore, #tpu.memory_space<semaphore_mem>>) src(%dma_wait3A_615 : memref<200x64xf32, #tpu.memory_space<vmem>>) dst(%dma_wait3A_611 : memref<200x64xf32, #tpu.memory_space<hbm>>)
      %dma_start3A_616 = arith.constant 0 : i32
      %dma_start3A_617 = arith.constant 0 : i32
      %dma_start3A_618 = arith.constant 0 : i32
      %dma_start3A_619 = tpu.memref_slice %arg8[%dma_start3A_616, %dma_start3A_617, %dma_start3A_618] : memref<2x200x64xf32, #tpu.memory_space<vmem>> -> memref<1x200x64xf32, #tpu.memory_space<vmem>>
      %dma_start3A_620 = tpu.memref_squeeze %dma_start3A_619 : memref<1x200x64xf32, #tpu.memory_space<vmem>> -> memref<200x64xf32, #tpu.memory_space<vmem>>
      %dma_start3A_621 = arith.constant 0 : i32
      %dma_start3A_622 = arith.constant 0 : i32
      %dma_start3A_623 = tpu.memref_slice %dma_start3A_620[%dma_start3A_621, %dma_start3A_622] : memref<200x64xf32, #tpu.memory_space<vmem>> -> memref<128x64xf32, #tpu.memory_space<vmem>>
      %dma_start3A_624 = arith.constant 0 : i32
      %dma_start3A_625 = tpu.memref_slice %arg7[%mul3A_593, %dma_start3A_624] : memref<32x200xi32, #tpu.memory_space<vmem>> -> memref<1x128xi32, #tpu.memory_space<vmem>>
      %dma_start3A_626 = tpu.memref_squeeze %dma_start3A_625 : memref<1x128xi32, #tpu.memory_space<vmem>> -> memref<128xi32, #tpu.memory_space<vmem>>
      %dma_start3A_627 = arith.constant 0 : i32
      %dma_start3A_628 = arith.constant 0 : i32
      %dma_start3A_629 = tpu.memref_slice %arg5[%arg0, %dma_start3A_627, %dma_start3A_628] : memref<2x1000000x64xf32, #tpu.memory_space<hbm>> -> memref<1x1000000x64xf32, #tpu.memory_space<hbm>>
      %dma_start3A_630 = tpu.memref_squeeze %dma_start3A_629 : memref<1x1000000x64xf32, #tpu.memory_space<hbm>> -> memref<1000000x64xf32, #tpu.memory_space<hbm>>
      %dma_start3A_631 = arith.constant 0 : i32
      %dma_start3A_632 = arith.constant 0 : i32
      %dma_start3A_633 = tpu.memref_slice %dma_start3A_630[%dma_start3A_631, %dma_start3A_632] : memref<1000000x64xf32, #tpu.memory_space<hbm>> -> memref<1000000x64xf32, #tpu.memory_space<hbm>>
      tpu.enqueue_indirect_dma source(%dma_start3A_633 : memref<1000000x64xf32, #tpu.memory_space<hbm>>) target(%dma_start3A_623 : memref<128x64xf32, #tpu.memory_space<vmem>>) offsets(%dma_start3A_626 : memref<128xi32, #tpu.memory_space<vmem>>) semaphore(%arg13 : memref<!tpu.dma_semaphore, #tpu.memory_space<semaphore_mem>>)
      %dma_start3A_634 = arith.constant 0 : i32
      %dma_start3A_635 = arith.constant 0 : i32
      %dma_start3A_636 = arith.constant 0 : i32
      %dma_start3A_637 = tpu.memref_slice %arg8[%dma_start3A_634, %dma_start3A_635, %dma_start3A_636] : memref<2x200x64xf32, #tpu.memory_space<vmem>> -> memref<1x200x64xf32, #tpu.memory_space<vmem>>
      %dma_start3A_638 = tpu.memref_squeeze %dma_start3A_637 : memref<1x200x64xf32, #tpu.memory_space<vmem>> -> memref<200x64xf32, #tpu.memory_space<vmem>>
      %dma_start3A_639 = arith.constant 128 : i32
      %dma_start3A_640 = arith.constant 0 : i32
      %dma_start3A_641 = tpu.memref_slice %dma_start3A_638[%dma_start3A_639, %dma_start3A_640] : memref<200x64xf32, #tpu.memory_space<vmem>> -> memref<72x64xf32, #tpu.memory_space<vmem>>
      %dma_start3A_642 = arith.constant 128 : i32
      %dma_start3A_643 = tpu.memref_slice %arg7[%mul3A_593, %dma_start3A_642] : memref<32x200xi32, #tpu.memory_space<vmem>> -> memref<1x72xi32, #tpu.memory_space<vmem>>
      %dma_start3A_644 = tpu.memref_squeeze %dma_start3A_643 : memref<1x72xi32, #tpu.memory_space<vmem>> -> memref<72xi32, #tpu.memory_space<vmem>>
      %dma_start3A_645 = arith.constant 0 : i32
      %dma_start3A_646 = arith.constant 0 : i32
      %dma_start3A_647 = tpu.memref_slice %arg5[%arg0, %dma_start3A_645, %dma_start3A_646] : memref<2x1000000x64xf32, #tpu.memory_space<hbm>> -> memref<1x1000000x64xf32, #tpu.memory_space<hbm>>
      %dma_start3A_648 = tpu.memref_squeeze %dma_start3A_647 : memref<1x1000000x64xf32, #tpu.memory_space<hbm>> -> memref<1000000x64xf32, #tpu.memory_space<hbm>>
      %dma_start3A_649 = arith.constant 0 : i32
      %dma_start3A_650 = arith.constant 0 : i32
      %dma_start3A_651 = tpu.memref_slice %dma_start3A_648[%dma_start3A_649, %dma_start3A_650] : memref<1000000x64xf32, #tpu.memory_space<hbm>> -> memref<1000000x64xf32, #tpu.memory_space<hbm>>
      tpu.enqueue_indirect_dma source(%dma_start3A_651 : memref<1000000x64xf32, #tpu.memory_space<hbm>>) target(%dma_start3A_641 : memref<72x64xf32, #tpu.memory_space<vmem>>) offsets(%dma_start3A_644 : memref<72xi32, #tpu.memory_space<vmem>>) semaphore(%arg13 : memref<!tpu.dma_semaphore, #tpu.memory_space<semaphore_mem>>)
      %dma_wait3A_652 = arith.constant 0 : i32
      %dma_wait3A_653 = arith.constant 0 : i32
      %dma_wait3A_654 = arith.constant 0 : i32
      %dma_wait3A_655 = tpu.memref_slice %arg8[%dma_wait3A_652, %dma_wait3A_653, %dma_wait3A_654] : memref<2x200x64xf32, #tpu.memory_space<vmem>> -> memref<1x200x64xf32, #tpu.memory_space<vmem>>
      %dma_wait3A_656 = tpu.memref_squeeze %dma_wait3A_655 : memref<1x200x64xf32, #tpu.memory_space<vmem>> -> memref<200x64xf32, #tpu.memory_space<vmem>>
      %dma_wait3A_657 = arith.constant 0 : i32
      %dma_wait3A_658 = arith.constant 0 : i32
      %dma_wait3A_659 = tpu.memref_slice %dma_wait3A_656[%dma_wait3A_657, %dma_wait3A_658] : memref<200x64xf32, #tpu.memory_space<vmem>> -> memref<128x64xf32, #tpu.memory_space<vmem>>
      %dma_wait3A_660 = arith.constant 0 : i32
      %dma_wait3A_661 = tpu.memref_slice %arg7[%mul3A_593, %dma_wait3A_660] : memref<32x200xi32, #tpu.memory_space<vmem>> -> memref<1x128xi32, #tpu.memory_space<vmem>>
      %dma_wait3A_662 = tpu.memref_squeeze %dma_wait3A_661 : memref<1x128xi32, #tpu.memory_space<vmem>> -> memref<128xi32, #tpu.memory_space<vmem>>
      %dma_wait3A_663 = arith.constant 0 : i32
      %dma_wait3A_664 = arith.constant 0 : i32
      %dma_wait3A_665 = tpu.memref_slice %arg5[%arg0, %dma_wait3A_663, %dma_wait3A_664] : memref<2x1000000x64xf32, #tpu.memory_space<hbm>> -> memref<1x1000000x64xf32, #tpu.memory_space<hbm>>
      %dma_wait3A_666 = tpu.memref_squeeze %dma_wait3A_665 : memref<1x1000000x64xf32, #tpu.memory_space<hbm>> -> memref<1000000x64xf32, #tpu.memory_space<hbm>>
      %dma_wait3A_667 = arith.constant 0 : i32
      %dma_wait3A_668 = arith.constant 0 : i32
      %dma_wait3A_669 = tpu.memref_slice %dma_wait3A_666[%dma_wait3A_667, %dma_wait3A_668] : memref<1000000x64xf32, #tpu.memory_space<hbm>> -> memref<1000000x64xf32, #tpu.memory_space<hbm>>
      tpu.wait_indirect_dma semaphore(%arg13 : memref<!tpu.dma_semaphore, #tpu.memory_space<semaphore_mem>>) src(%dma_wait3A_669 : memref<1000000x64xf32, #tpu.memory_space<hbm>>) dst(%dma_wait3A_659 : memref<128x64xf32, #tpu.memory_space<vmem>>)
      %dma_wait3A_670 = arith.constant 0 : i32
      %dma_wait3A_671 = arith.constant 0 : i32
      %dma_wait3A_672 = arith.constant 0 : i32
      %dma_wait3A_673 = tpu.memref_slice %arg8[%dma_wait3A_670, %dma_wait3A_671, %dma_wait3A_672] : memref<2x200x64xf32, #tpu.memory_space<vmem>> -> memref<1x200x64xf32, #tpu.memory_space<vmem>>
      %dma_wait3A_674 = tpu.memref_squeeze %dma_wait3A_673 : memref<1x200x64xf32, #tpu.memory_space<vmem>> -> memref<200x64xf32, #tpu.memory_space<vmem>>
      %dma_wait3A_675 = arith.constant 128 : i32
      %dma_wait3A_676 = arith.constant 0 : i32
      %dma_wait3A_677 = tpu.memref_slice %dma_wait3A_674[%dma_wait3A_675, %dma_wait3A_676] : memref<200x64xf32, #tpu.memory_space<vmem>> -> memref<72x64xf32, #tpu.memory_space<vmem>>
      %dma_wait3A_678 = arith.constant 128 : i32
      %dma_wait3A_679 = tpu.memref_slice %arg7[%mul3A_593, %dma_wait3A_678] : memref<32x200xi32, #tpu.memory_space<vmem>> -> memref<1x72xi32, #tpu.memory_space<vmem>>
      %dma_wait3A_680 = tpu.memref_squeeze %dma_wait3A_679 : memref<1x72xi32, #tpu.memory_space<vmem>> -> memref<72xi32, #tpu.memory_space<vmem>>
      %dma_wait3A_681 = arith.constant 0 : i32
      %dma_wait3A_682 = arith.constant 0 : i32
      %dma_wait3A_683 = tpu.memref_slice %arg5[%arg0, %dma_wait3A_681, %dma_wait3A_682] : memref<2x1000000x64xf32, #tpu.memory_space<hbm>> -> memref<1x1000000x64xf32, #tpu.memory_space<hbm>>
      %dma_wait3A_684 = tpu.memref_squeeze %dma_wait3A_683 : memref<1x1000000x64xf32, #tpu.memory_space<hbm>> -> memref<1000000x64xf32, #tpu.memory_space<hbm>>
      %dma_wait3A_685 = arith.constant 0 : i32
      %dma_wait3A_686 = arith.constant 0 : i32
      %dma_wait3A_687 = tpu.memref_slice %dma_wait3A_684[%dma_wait3A_685, %dma_wait3A_686] : memref<1000000x64xf32, #tpu.memory_space<hbm>> -> memref<1000000x64xf32, #tpu.memory_space<hbm>>
      tpu.wait_indirect_dma semaphore(%arg13 : memref<!tpu.dma_semaphore, #tpu.memory_space<semaphore_mem>>) src(%dma_wait3A_687 : memref<1000000x64xf32, #tpu.memory_space<hbm>>) dst(%dma_wait3A_677 : memref<72x64xf32, #tpu.memory_space<vmem>>)
      %dma_start3A_688 = arith.constant 0 : i32
      %dma_start3A_689 = arith.constant 0 : i32
      %dma_start3A_690 = arith.constant 0 : i32
      %dma_start3A_691 = tpu.memref_slice %arg8[%dma_start3A_688, %dma_start3A_689, %dma_start3A_690] : memref<2x200x64xf32, #tpu.memory_space<vmem>> -> memref<1x200x64xf32, #tpu.memory_space<vmem>>
      %dma_start3A_692 = tpu.memref_squeeze %dma_start3A_691 : memref<1x200x64xf32, #tpu.memory_space<vmem>> -> memref<200x64xf32, #tpu.memory_space<vmem>>
      %dma_start3A_693 = arith.constant 0 : i32
      %dma_start3A_694 = arith.constant 0 : i32
      %dma_start3A_695 = tpu.memref_slice %arg4[%add3A_598, %dma_start3A_693, %dma_start3A_694] : memref<4096x200x64xf32, #tpu.memory_space<hbm>> -> memref<1x200x64xf32, #tpu.memory_space<hbm>>
      %dma_start3A_696 = tpu.memref_squeeze %dma_start3A_695 : memref<1x200x64xf32, #tpu.memory_space<hbm>> -> memref<200x64xf32, #tpu.memory_space<hbm>>
      %dma_start3A_697 = arith.constant 0 : i32
      %dma_start3A_698 = arith.constant 0 : i32
      %dma_start3A_699 = tpu.memref_slice %arg4[%add3A_598, %dma_start3A_697, %dma_start3A_698] : memref<4096x200x64xf32, #tpu.memory_space<hbm>> -> memref<1x200x64xf32, #tpu.memory_space<hbm>>
      %dma_start3A_700 = tpu.memref_squeeze %dma_start3A_699 : memref<1x200x64xf32, #tpu.memory_space<hbm>> -> memref<200x64xf32, #tpu.memory_space<hbm>>
      %dma_start3A_701 = arith.constant 0 : i32
      %dma_start3A_702 = arith.constant 0 : i32
      %dma_start3A_703 = tpu.memref_slice %arg8[%dma_start3A_688, %dma_start3A_701, %dma_start3A_702] : memref<2x200x64xf32, #tpu.memory_space<vmem>> -> memref<1x200x64xf32, #tpu.memory_space<vmem>>
      %dma_start3A_704 = tpu.memref_squeeze %dma_start3A_703 : memref<1x200x64xf32, #tpu.memory_space<vmem>> -> memref<200x64xf32, #tpu.memory_space<vmem>>
      tpu.enqueue_dma source(%dma_start3A_704 : memref<200x64xf32, #tpu.memory_space<vmem>>) target(%dma_start3A_700 : memref<200x64xf32, #tpu.memory_space<hbm>>) target_semaphore(%arg14 : memref<!tpu.dma_semaphore, #tpu.memory_space<semaphore_mem>>)
      %mul3A_705 = arith.constant 2 : i32
      %mul3A_706 = arith.muli %mul3A_705, %scan3A_591 : i32
      %add3A_707 = arith.constant 1 : i32
      %add3A_708 = arith.addi %mul3A_706, %add3A_707 : i32
      %mul3A_709 = arith.constant 2 : i32
      %mul3A_710 = arith.muli %mul3A_709, %scan3A_591 : i32
      %add3A_711 = arith.constant 32 : i32
      %add3A_712 = arith.addi %add3A_711, %mul3A_710 : i32
      %add3A_713 = arith.constant 1 : i32
      %add3A_714 = arith.addi %add3A_712, %add3A_713 : i32
      %add3A_715 = arith.addi %mul3A_2, %add3A_714 : i32
      %dma_wait3A_716 = arith.constant 1 : i32
      %dma_wait3A_717 = arith.constant 0 : i32
      %dma_wait3A_718 = arith.constant 0 : i32
      %dma_wait3A_719 = tpu.memref_slice %arg8[%dma_wait3A_716, %dma_wait3A_717, %dma_wait3A_718] : memref<2x200x64xf32, #tpu.memory_space<vmem>> -> memref<1x200x64xf32, #tpu.memory_space<vmem>>
      %dma_wait3A_720 = tpu.memref_squeeze %dma_wait3A_719 : memref<1x200x64xf32, #tpu.memory_space<vmem>> -> memref<200x64xf32, #tpu.memory_space<vmem>>
      %dma_wait3A_721 = arith.constant 0 : i32
      %dma_wait3A_722 = arith.constant 0 : i32
      %dma_wait3A_723 = tpu.memref_slice %arg4[%add3A_715, %dma_wait3A_721, %dma_wait3A_722] : memref<4096x200x64xf32, #tpu.memory_space<hbm>> -> memref<1x200x64xf32, #tpu.memory_space<hbm>>
      %dma_wait3A_724 = tpu.memref_squeeze %dma_wait3A_723 : memref<1x200x64xf32, #tpu.memory_space<hbm>> -> memref<200x64xf32, #tpu.memory_space<hbm>>
      %dma_wait3A_725 = arith.constant 0 : i32
      %dma_wait3A_726 = arith.constant 0 : i32
      %dma_wait3A_727 = tpu.memref_slice %arg4[%add3A_715, %dma_wait3A_725, %dma_wait3A_726] : memref<4096x200x64xf32, #tpu.memory_space<hbm>> -> memref<1x200x64xf32, #tpu.memory_space<hbm>>
      %dma_wait3A_728 = tpu.memref_squeeze %dma_wait3A_727 : memref<1x200x64xf32, #tpu.memory_space<hbm>> -> memref<200x64xf32, #tpu.memory_space<hbm>>
      %dma_wait3A_729 = arith.constant 0 : i32
      %dma_wait3A_730 = arith.constant 0 : i32
      %dma_wait3A_731 = tpu.memref_slice %arg8[%dma_wait3A_716, %dma_wait3A_729, %dma_wait3A_730] : memref<2x200x64xf32, #tpu.memory_space<vmem>> -> memref<1x200x64xf32, #tpu.memory_space<vmem>>
      %dma_wait3A_732 = tpu.memref_squeeze %dma_wait3A_731 : memref<1x200x64xf32, #tpu.memory_space<vmem>> -> memref<200x64xf32, #tpu.memory_space<vmem>>
      tpu.wait_dma2 semaphore(%arg15 : memref<!tpu.dma_semaphore, #tpu.memory_space<semaphore_mem>>) src(%dma_wait3A_732 : memref<200x64xf32, #tpu.memory_space<vmem>>) dst(%dma_wait3A_728 : memref<200x64xf32, #tpu.memory_space<hbm>>)
      %dma_start3A_733 = arith.constant 1 : i32
      %dma_start3A_734 = arith.constant 0 : i32
      %dma_start3A_735 = arith.constant 0 : i32
      %dma_start3A_736 = tpu.memref_slice %arg8[%dma_start3A_733, %dma_start3A_734, %dma_start3A_735] : memref<2x200x64xf32, #tpu.memory_space<vmem>> -> memref<1x200x64xf32, #tpu.memory_space<vmem>>
      %dma_start3A_737 = tpu.memref_squeeze %dma_start3A_736 : memref<1x200x64xf32, #tpu.memory_space<vmem>> -> memref<200x64xf32, #tpu.memory_space<vmem>>
      %dma_start3A_738 = arith.constant 0 : i32
      %dma_start3A_739 = arith.constant 0 : i32
      %dma_start3A_740 = tpu.memref_slice %dma_start3A_737[%dma_start3A_738, %dma_start3A_739] : memref<200x64xf32, #tpu.memory_space<vmem>> -> memref<128x64xf32, #tpu.memory_space<vmem>>
      %dma_start3A_741 = arith.constant 0 : i32
      %dma_start3A_742 = tpu.memref_slice %arg7[%add3A_708, %dma_start3A_741] : memref<32x200xi32, #tpu.memory_space<vmem>> -> memref<1x128xi32, #tpu.memory_space<vmem>>
      %dma_start3A_743 = tpu.memref_squeeze %dma_start3A_742 : memref<1x128xi32, #tpu.memory_space<vmem>> -> memref<128xi32, #tpu.memory_space<vmem>>
      %dma_start3A_744 = arith.constant 0 : i32
      %dma_start3A_745 = arith.constant 0 : i32
      %dma_start3A_746 = tpu.memref_slice %arg5[%arg0, %dma_start3A_744, %dma_start3A_745] : memref<2x1000000x64xf32, #tpu.memory_space<hbm>> -> memref<1x1000000x64xf32, #tpu.memory_space<hbm>>
      %dma_start3A_747 = tpu.memref_squeeze %dma_start3A_746 : memref<1x1000000x64xf32, #tpu.memory_space<hbm>> -> memref<1000000x64xf32, #tpu.memory_space<hbm>>
      %dma_start3A_748 = arith.constant 0 : i32
      %dma_start3A_749 = arith.constant 0 : i32
      %dma_start3A_750 = tpu.memref_slice %dma_start3A_747[%dma_start3A_748, %dma_start3A_749] : memref<1000000x64xf32, #tpu.memory_space<hbm>> -> memref<1000000x64xf32, #tpu.memory_space<hbm>>
      tpu.enqueue_indirect_dma source(%dma_start3A_750 : memref<1000000x64xf32, #tpu.memory_space<hbm>>) target(%dma_start3A_740 : memref<128x64xf32, #tpu.memory_space<vmem>>) offsets(%dma_start3A_743 : memref<128xi32, #tpu.memory_space<vmem>>) semaphore(%arg13 : memref<!tpu.dma_semaphore, #tpu.memory_space<semaphore_mem>>)
      %dma_start3A_751 = arith.constant 1 : i32
      %dma_start3A_752 = arith.constant 0 : i32
      %dma_start3A_753 = arith.constant 0 : i32
      %dma_start3A_754 = tpu.memref_slice %arg8[%dma_start3A_751, %dma_start3A_752, %dma_start3A_753] : memref<2x200x64xf32, #tpu.memory_space<vmem>> -> memref<1x200x64xf32, #tpu.memory_space<vmem>>
      %dma_start3A_755 = tpu.memref_squeeze %dma_start3A_754 : memref<1x200x64xf32, #tpu.memory_space<vmem>> -> memref<200x64xf32, #tpu.memory_space<vmem>>
      %dma_start3A_756 = arith.constant 128 : i32
      %dma_start3A_757 = arith.constant 0 : i32
      %dma_start3A_758 = tpu.memref_slice %dma_start3A_755[%dma_start3A_756, %dma_start3A_757] : memref<200x64xf32, #tpu.memory_space<vmem>> -> memref<72x64xf32, #tpu.memory_space<vmem>>
      %dma_start3A_759 = arith.constant 128 : i32
      %dma_start3A_760 = tpu.memref_slice %arg7[%add3A_708, %dma_start3A_759] : memref<32x200xi32, #tpu.memory_space<vmem>> -> memref<1x72xi32, #tpu.memory_space<vmem>>
      %dma_start3A_761 = tpu.memref_squeeze %dma_start3A_760 : memref<1x72xi32, #tpu.memory_space<vmem>> -> memref<72xi32, #tpu.memory_space<vmem>>
      %dma_start3A_762 = arith.constant 0 : i32
      %dma_start3A_763 = arith.constant 0 : i32
      %dma_start3A_764 = tpu.memref_slice %arg5[%arg0, %dma_start3A_762, %dma_start3A_763] : memref<2x1000000x64xf32, #tpu.memory_space<hbm>> -> memref<1x1000000x64xf32, #tpu.memory_space<hbm>>
      %dma_start3A_765 = tpu.memref_squeeze %dma_start3A_764 : memref<1x1000000x64xf32, #tpu.memory_space<hbm>> -> memref<1000000x64xf32, #tpu.memory_space<hbm>>
      %dma_start3A_766 = arith.constant 0 : i32
      %dma_start3A_767 = arith.constant 0 : i32
      %dma_start3A_768 = tpu.memref_slice %dma_start3A_765[%dma_start3A_766, %dma_start3A_767] : memref<1000000x64xf32, #tpu.memory_space<hbm>> -> memref<1000000x64xf32, #tpu.memory_space<hbm>>
      tpu.enqueue_indirect_dma source(%dma_start3A_768 : memref<1000000x64xf32, #tpu.memory_space<hbm>>) target(%dma_start3A_758 : memref<72x64xf32, #tpu.memory_space<vmem>>) offsets(%dma_start3A_761 : memref<72xi32, #tpu.memory_space<vmem>>) semaphore(%arg13 : memref<!tpu.dma_semaphore, #tpu.memory_space<semaphore_mem>>)
      %dma_wait3A_769 = arith.constant 1 : i32
      %dma_wait3A_770 = arith.constant 0 : i32
      %dma_wait3A_771 = arith.constant 0 : i32
      %dma_wait3A_772 = tpu.memref_slice %arg8[%dma_wait3A_769, %dma_wait3A_770, %dma_wait3A_771] : memref<2x200x64xf32, #tpu.memory_space<vmem>> -> memref<1x200x64xf32, #tpu.memory_space<vmem>>
      %dma_wait3A_773 = tpu.memref_squeeze %dma_wait3A_772 : memref<1x200x64xf32, #tpu.memory_space<vmem>> -> memref<200x64xf32, #tpu.memory_space<vmem>>
      %dma_wait3A_774 = arith.constant 0 : i32
      %dma_wait3A_775 = arith.constant 0 : i32
      %dma_wait3A_776 = tpu.memref_slice %dma_wait3A_773[%dma_wait3A_774, %dma_wait3A_775] : memref<200x64xf32, #tpu.memory_space<vmem>> -> memref<128x64xf32, #tpu.memory_space<vmem>>
      %dma_wait3A_777 = arith.constant 0 : i32
      %dma_wait3A_778 = tpu.memref_slice %arg7[%add3A_708, %dma_wait3A_777] : memref<32x200xi32, #tpu.memory_space<vmem>> -> memref<1x128xi32, #tpu.memory_space<vmem>>
      %dma_wait3A_779 = tpu.memref_squeeze %dma_wait3A_778 : memref<1x128xi32, #tpu.memory_space<vmem>> -> memref<128xi32, #tpu.memory_space<vmem>>
      %dma_wait3A_780 = arith.constant 0 : i32
      %dma_wait3A_781 = arith.constant 0 : i32
      %dma_wait3A_782 = tpu.memref_slice %arg5[%arg0, %dma_wait3A_780, %dma_wait3A_781] : memref<2x1000000x64xf32, #tpu.memory_space<hbm>> -> memref<1x1000000x64xf32, #tpu.memory_space<hbm>>
      %dma_wait3A_783 = tpu.memref_squeeze %dma_wait3A_782 : memref<1x1000000x64xf32, #tpu.memory_space<hbm>> -> memref<1000000x64xf32, #tpu.memory_space<hbm>>
      %dma_wait3A_784 = arith.constant 0 : i32
      %dma_wait3A_785 = arith.constant 0 : i32
      %dma_wait3A_786 = tpu.memref_slice %dma_wait3A_783[%dma_wait3A_784, %dma_wait3A_785] : memref<1000000x64xf32, #tpu.memory_space<hbm>> -> memref<1000000x64xf32, #tpu.memory_space<hbm>>
      tpu.wait_indirect_dma semaphore(%arg13 : memref<!tpu.dma_semaphore, #tpu.memory_space<semaphore_mem>>) src(%dma_wait3A_786 : memref<1000000x64xf32, #tpu.memory_space<hbm>>) dst(%dma_wait3A_776 : memref<128x64xf32, #tpu.memory_space<vmem>>)
      %dma_wait3A_787 = arith.constant 1 : i32
      %dma_wait3A_788 = arith.constant 0 : i32
      %dma_wait3A_789 = arith.constant 0 : i32
      %dma_wait3A_790 = tpu.memref_slice %arg8[%dma_wait3A_787, %dma_wait3A_788, %dma_wait3A_789] : memref<2x200x64xf32, #tpu.memory_space<vmem>> -> memref<1x200x64xf32, #tpu.memory_space<vmem>>
      %dma_wait3A_791 = tpu.memref_squeeze %dma_wait3A_790 : memref<1x200x64xf32, #tpu.memory_space<vmem>> -> memref<200x64xf32, #tpu.memory_space<vmem>>
      %dma_wait3A_792 = arith.constant 128 : i32
      %dma_wait3A_793 = arith.constant 0 : i32
      %dma_wait3A_794 = tpu.memref_slice %dma_wait3A_791[%dma_wait3A_792, %dma_wait3A_793] : memref<200x64xf32, #tpu.memory_space<vmem>> -> memref<72x64xf32, #tpu.memory_space<vmem>>
      %dma_wait3A_795 = arith.constant 128 : i32
      %dma_wait3A_796 = tpu.memref_slice %arg7[%add3A_708, %dma_wait3A_795] : memref<32x200xi32, #tpu.memory_space<vmem>> -> memref<1x72xi32, #tpu.memory_space<vmem>>
      %dma_wait3A_797 = tpu.memref_squeeze %dma_wait3A_796 : memref<1x72xi32, #tpu.memory_space<vmem>> -> memref<72xi32, #tpu.memory_space<vmem>>
      %dma_wait3A_798 = arith.constant 0 : i32
      %dma_wait3A_799 = arith.constant 0 : i32
      %dma_wait3A_800 = tpu.memref_slice %arg5[%arg0, %dma_wait3A_798, %dma_wait3A_799] : memref<2x1000000x64xf32, #tpu.memory_space<hbm>> -> memref<1x1000000x64xf32, #tpu.memory_space<hbm>>
      %dma_wait3A_801 = tpu.memref_squeeze %dma_wait3A_800 : memref<1x1000000x64xf32, #tpu.memory_space<hbm>> -> memref<1000000x64xf32, #tpu.memory_space<hbm>>
      %dma_wait3A_802 = arith.constant 0 : i32
      %dma_wait3A_803 = arith.constant 0 : i32
      %dma_wait3A_804 = tpu.memref_slice %dma_wait3A_801[%dma_wait3A_802, %dma_wait3A_803] : memref<1000000x64xf32, #tpu.memory_space<hbm>> -> memref<1000000x64xf32, #tpu.memory_space<hbm>>
      tpu.wait_indirect_dma semaphore(%arg13 : memref<!tpu.dma_semaphore, #tpu.memory_space<semaphore_mem>>) src(%dma_wait3A_804 : memref<1000000x64xf32, #tpu.memory_space<hbm>>) dst(%dma_wait3A_794 : memref<72x64xf32, #tpu.memory_space<vmem>>)
      %dma_start3A_805 = arith.constant 1 : i32
      %dma_start3A_806 = arith.constant 0 : i32
      %dma_start3A_807 = arith.constant 0 : i32
      %dma_start3A_808 = tpu.memref_slice %arg8[%dma_start3A_805, %dma_start3A_806, %dma_start3A_807] : memref<2x200x64xf32, #tpu.memory_space<vmem>> -> memref<1x200x64xf32, #tpu.memory_space<vmem>>
      %dma_start3A_809 = tpu.memref_squeeze %dma_start3A_808 : memref<1x200x64xf32, #tpu.memory_space<vmem>> -> memref<200x64xf32, #tpu.memory_space<vmem>>
      %dma_start3A_810 = arith.constant 0 : i32
      %dma_start3A_811 = arith.constant 0 : i32
      %dma_start3A_812 = tpu.memref_slice %arg4[%add3A_715, %dma_start3A_810, %dma_start3A_811] : memref<4096x200x64xf32, #tpu.memory_space<hbm>> -> memref<1x200x64xf32, #tpu.memory_space<hbm>>
      %dma_start3A_813 = tpu.memref_squeeze %dma_start3A_812 : memref<1x200x64xf32, #tpu.memory_space<hbm>> -> memref<200x64xf32, #tpu.memory_space<hbm>>
      %dma_start3A_814 = arith.constant 0 : i32
      %dma_start3A_815 = arith.constant 0 : i32
      %dma_start3A_816 = tpu.memref_slice %arg4[%add3A_715, %dma_start3A_814, %dma_start3A_815] : memref<4096x200x64xf32, #tpu.memory_space<hbm>> -> memref<1x200x64xf32, #tpu.memory_space<hbm>>
      %dma_start3A_817 = tpu.memref_squeeze %dma_start3A_816 : memref<1x200x64xf32, #tpu.memory_space<hbm>> -> memref<200x64xf32, #tpu.memory_space<hbm>>
      %dma_start3A_818 = arith.constant 0 : i32
      %dma_start3A_819 = arith.constant 0 : i32
      %dma_start3A_820 = tpu.memref_slice %arg8[%dma_start3A_805, %dma_start3A_818, %dma_start3A_819] : memref<2x200x64xf32, #tpu.memory_space<vmem>> -> memref<1x200x64xf32, #tpu.memory_space<vmem>>
      %dma_start3A_821 = tpu.memref_squeeze %dma_start3A_820 : memref<1x200x64xf32, #tpu.memory_space<vmem>> -> memref<200x64xf32, #tpu.memory_space<vmem>>
      tpu.enqueue_dma source(%dma_start3A_821 : memref<200x64xf32, #tpu.memory_space<vmem>>) target(%dma_start3A_817 : memref<200x64xf32, #tpu.memory_space<hbm>>) target_semaphore(%arg15 : memref<!tpu.dma_semaphore, #tpu.memory_space<semaphore_mem>>)
    }
    %scan3A_533 = arith.constant 16 : i32
    %add3A_534 = arith.constant 64 : i32
    %add3A_535 = arith.addi %mul3A_2, %add3A_534 : i32
    "tpu.region"() ({
      %run_scoped3A = tpu.sem_alloc : memref<!tpu.dma_semaphore, #tpu.memory_space<semaphore_mem>>
      %dma_start3A_591 = arith.constant 0 : i32
      %dma_start3A_592 = tpu.memref_slice %arg2[%add3A_535, %dma_start3A_591] : memref<4096x200xi32, #tpu.memory_space<hbm>> -> memref<32x200xi32, #tpu.memory_space<hbm>>
      %dma_start3A_593 = arith.constant 0 : i32
      %dma_start3A_594 = tpu.memref_slice %arg2[%add3A_535, %dma_start3A_593] : memref<4096x200xi32, #tpu.memory_space<hbm>> -> memref<32x200xi32, #tpu.memory_space<hbm>>
      tpu.enqueue_dma source(%dma_start3A_594 : memref<32x200xi32, #tpu.memory_space<hbm>>) target(%arg7 : memref<32x200xi32, #tpu.memory_space<vmem>>) target_semaphore(%run_scoped3A : memref<!tpu.dma_semaphore, #tpu.memory_space<semaphore_mem>>)
      %dma_wait3A_595 = arith.constant 0 : i32
      %dma_wait3A_596 = tpu.memref_slice %arg2[%add3A_535, %dma_wait3A_595] : memref<4096x200xi32, #tpu.memory_space<hbm>> -> memref<32x200xi32, #tpu.memory_space<hbm>>
      %dma_wait3A_597 = arith.constant 0 : i32
      %dma_wait3A_598 = tpu.memref_slice %arg2[%add3A_535, %dma_wait3A_597] : memref<4096x200xi32, #tpu.memory_space<hbm>> -> memref<32x200xi32, #tpu.memory_space<hbm>>
      tpu.wait_dma2 semaphore(%run_scoped3A : memref<!tpu.dma_semaphore, #tpu.memory_space<semaphore_mem>>) src(%dma_wait3A_598 : memref<32x200xi32, #tpu.memory_space<hbm>>) dst(%arg7 : memref<32x200xi32, #tpu.memory_space<vmem>>)
      tpu.yield
    }) : () -> ()
    %scan3A_536 = arith.constant 0 : i32
    %scan3A_537 = arith.constant 0 : i32
    %scan3A_538 = arith.constant 16 : i32
    %scan3A_539 = arith.addi %scan3A_537, %scan3A_538 : i32
    %scan3A_540 = arith.constant 1 : i32
    scf.for %scan3A_591 = %scan3A_537 to %scan3A_539 step %scan3A_540  : i32 {
      %mul3A_592 = arith.constant 2 : i32
      %mul3A_593 = arith.muli %mul3A_592, %scan3A_591 : i32
      %mul3A_594 = arith.constant 2 : i32
      %mul3A_595 = arith.muli %mul3A_594, %scan3A_591 : i32
      %add3A_596 = arith.constant 64 : i32
      %add3A_597 = arith.addi %add3A_596, %mul3A_595 : i32
      %add3A_598 = arith.addi %mul3A_2, %add3A_597 : i32
      %dma_wait3A_599 = arith.constant 0 : i32
      %dma_wait3A_600 = arith.constant 0 : i32
      %dma_wait3A_601 = arith.constant 0 : i32
      %dma_wait3A_602 = tpu.memref_slice %arg8[%dma_wait3A_599, %dma_wait3A_600, %dma_wait3A_601] : memref<2x200x64xf32, #tpu.memory_space<vmem>> -> memref<1x200x64xf32, #tpu.memory_space<vmem>>
      %dma_wait3A_603 = tpu.memref_squeeze %dma_wait3A_602 : memref<1x200x64xf32, #tpu.memory_space<vmem>> -> memref<200x64xf32, #tpu.memory_space<vmem>>
      %dma_wait3A_604 = arith.constant 0 : i32
      %dma_wait3A_605 = arith.constant 0 : i32
      %dma_wait3A_606 = tpu.memref_slice %arg4[%add3A_598, %dma_wait3A_604, %dma_wait3A_605] : memref<4096x200x64xf32, #tpu.memory_space<hbm>> -> memref<1x200x64xf32, #tpu.memory_space<hbm>>
      %dma_wait3A_607 = tpu.memref_squeeze %dma_wait3A_606 : memref<1x200x64xf32, #tpu.memory_space<hbm>> -> memref<200x64xf32, #tpu.memory_space<hbm>>
      %dma_wait3A_608 = arith.constant 0 : i32
      %dma_wait3A_609 = arith.constant 0 : i32
      %dma_wait3A_610 = tpu.memref_slice %arg4[%add3A_598, %dma_wait3A_608, %dma_wait3A_609] : memref<4096x200x64xf32, #tpu.memory_space<hbm>> -> memref<1x200x64xf32, #tpu.memory_space<hbm>>
      %dma_wait3A_611 = tpu.memref_squeeze %dma_wait3A_610 : memref<1x200x64xf32, #tpu.memory_space<hbm>> -> memref<200x64xf32, #tpu.memory_space<hbm>>
      %dma_wait3A_612 = arith.constant 0 : i32
      %dma_wait3A_613 = arith.constant 0 : i32
      %dma_wait3A_614 = tpu.memref_slice %arg8[%dma_wait3A_599, %dma_wait3A_612, %dma_wait3A_613] : memref<2x200x64xf32, #tpu.memory_space<vmem>> -> memref<1x200x64xf32, #tpu.memory_space<vmem>>
      %dma_wait3A_615 = tpu.memref_squeeze %dma_wait3A_614 : memref<1x200x64xf32, #tpu.memory_space<vmem>> -> memref<200x64xf32, #tpu.memory_space<vmem>>
      tpu.wait_dma2 semaphore(%arg14 : memref<!tpu.dma_semaphore, #tpu.memory_space<semaphore_mem>>) src(%dma_wait3A_615 : memref<200x64xf32, #tpu.memory_space<vmem>>) dst(%dma_wait3A_611 : memref<200x64xf32, #tpu.memory_space<hbm>>)
      %dma_start3A_616 = arith.constant 0 : i32
      %dma_start3A_617 = arith.constant 0 : i32
      %dma_start3A_618 = arith.constant 0 : i32
      %dma_start3A_619 = tpu.memref_slice %arg8[%dma_start3A_616, %dma_start3A_617, %dma_start3A_618] : memref<2x200x64xf32, #tpu.memory_space<vmem>> -> memref<1x200x64xf32, #tpu.memory_space<vmem>>
      %dma_start3A_620 = tpu.memref_squeeze %dma_start3A_619 : memref<1x200x64xf32, #tpu.memory_space<vmem>> -> memref<200x64xf32, #tpu.memory_space<vmem>>
      %dma_start3A_621 = arith.constant 0 : i32
      %dma_start3A_622 = arith.constant 0 : i32
      %dma_start3A_623 = tpu.memref_slice %dma_start3A_620[%dma_start3A_621, %dma_start3A_622] : memref<200x64xf32, #tpu.memory_space<vmem>> -> memref<128x64xf32, #tpu.memory_space<vmem>>
      %dma_start3A_624 = arith.constant 0 : i32
      %dma_start3A_625 = tpu.memref_slice %arg7[%mul3A_593, %dma_start3A_624] : memref<32x200xi32, #tpu.memory_space<vmem>> -> memref<1x128xi32, #tpu.memory_space<vmem>>
      %dma_start3A_626 = tpu.memref_squeeze %dma_start3A_625 : memref<1x128xi32, #tpu.memory_space<vmem>> -> memref<128xi32, #tpu.memory_space<vmem>>
      %dma_start3A_627 = arith.constant 0 : i32
      %dma_start3A_628 = arith.constant 0 : i32
      %dma_start3A_629 = tpu.memref_slice %arg5[%arg0, %dma_start3A_627, %dma_start3A_628] : memref<2x1000000x64xf32, #tpu.memory_space<hbm>> -> memref<1x1000000x64xf32, #tpu.memory_space<hbm>>
      %dma_start3A_630 = tpu.memref_squeeze %dma_start3A_629 : memref<1x1000000x64xf32, #tpu.memory_space<hbm>> -> memref<1000000x64xf32, #tpu.memory_space<hbm>>
      %dma_start3A_631 = arith.constant 0 : i32
      %dma_start3A_632 = arith.constant 0 : i32
      %dma_start3A_633 = tpu.memref_slice %dma_start3A_630[%dma_start3A_631, %dma_start3A_632] : memref<1000000x64xf32, #tpu.memory_space<hbm>> -> memref<1000000x64xf32, #tpu.memory_space<hbm>>
      tpu.enqueue_indirect_dma source(%dma_start3A_633 : memref<1000000x64xf32, #tpu.memory_space<hbm>>) target(%dma_start3A_623 : memref<128x64xf32, #tpu.memory_space<vmem>>) offsets(%dma_start3A_626 : memref<128xi32, #tpu.memory_space<vmem>>) semaphore(%arg13 : memref<!tpu.dma_semaphore, #tpu.memory_space<semaphore_mem>>)
      %dma_start3A_634 = arith.constant 0 : i32
      %dma_start3A_635 = arith.constant 0 : i32
      %dma_start3A_636 = arith.constant 0 : i32
      %dma_start3A_637 = tpu.memref_slice %arg8[%dma_start3A_634, %dma_start3A_635, %dma_start3A_636] : memref<2x200x64xf32, #tpu.memory_space<vmem>> -> memref<1x200x64xf32, #tpu.memory_space<vmem>>
      %dma_start3A_638 = tpu.memref_squeeze %dma_start3A_637 : memref<1x200x64xf32, #tpu.memory_space<vmem>> -> memref<200x64xf32, #tpu.memory_space<vmem>>
      %dma_start3A_639 = arith.constant 128 : i32
      %dma_start3A_640 = arith.constant 0 : i32
      %dma_start3A_641 = tpu.memref_slice %dma_start3A_638[%dma_start3A_639, %dma_start3A_640] : memref<200x64xf32, #tpu.memory_space<vmem>> -> memref<72x64xf32, #tpu.memory_space<vmem>>
      %dma_start3A_642 = arith.constant 128 : i32
      %dma_start3A_643 = tpu.memref_slice %arg7[%mul3A_593, %dma_start3A_642] : memref<32x200xi32, #tpu.memory_space<vmem>> -> memref<1x72xi32, #tpu.memory_space<vmem>>
      %dma_start3A_644 = tpu.memref_squeeze %dma_start3A_643 : memref<1x72xi32, #tpu.memory_space<vmem>> -> memref<72xi32, #tpu.memory_space<vmem>>
      %dma_start3A_645 = arith.constant 0 : i32
      %dma_start3A_646 = arith.constant 0 : i32
      %dma_start3A_647 = tpu.memref_slice %arg5[%arg0, %dma_start3A_645, %dma_start3A_646] : memref<2x1000000x64xf32, #tpu.memory_space<hbm>> -> memref<1x1000000x64xf32, #tpu.memory_space<hbm>>
      %dma_start3A_648 = tpu.memref_squeeze %dma_start3A_647 : memref<1x1000000x64xf32, #tpu.memory_space<hbm>> -> memref<1000000x64xf32, #tpu.memory_space<hbm>>
      %dma_start3A_649 = arith.constant 0 : i32
      %dma_start3A_650 = arith.constant 0 : i32
      %dma_start3A_651 = tpu.memref_slice %dma_start3A_648[%dma_start3A_649, %dma_start3A_650] : memref<1000000x64xf32, #tpu.memory_space<hbm>> -> memref<1000000x64xf32, #tpu.memory_space<hbm>>
      tpu.enqueue_indirect_dma source(%dma_start3A_651 : memref<1000000x64xf32, #tpu.memory_space<hbm>>) target(%dma_start3A_641 : memref<72x64xf32, #tpu.memory_space<vmem>>) offsets(%dma_start3A_644 : memref<72xi32, #tpu.memory_space<vmem>>) semaphore(%arg13 : memref<!tpu.dma_semaphore, #tpu.memory_space<semaphore_mem>>)
      %dma_wait3A_652 = arith.constant 0 : i32
      %dma_wait3A_653 = arith.constant 0 : i32
      %dma_wait3A_654 = arith.constant 0 : i32
      %dma_wait3A_655 = tpu.memref_slice %arg8[%dma_wait3A_652, %dma_wait3A_653, %dma_wait3A_654] : memref<2x200x64xf32, #tpu.memory_space<vmem>> -> memref<1x200x64xf32, #tpu.memory_space<vmem>>
      %dma_wait3A_656 = tpu.memref_squeeze %dma_wait3A_655 : memref<1x200x64xf32, #tpu.memory_space<vmem>> -> memref<200x64xf32, #tpu.memory_space<vmem>>
      %dma_wait3A_657 = arith.constant 0 : i32
      %dma_wait3A_658 = arith.constant 0 : i32
      %dma_wait3A_659 = tpu.memref_slice %dma_wait3A_656[%dma_wait3A_657, %dma_wait3A_658] : memref<200x64xf32, #tpu.memory_space<vmem>> -> memref<128x64xf32, #tpu.memory_space<vmem>>
      %dma_wait3A_660 = arith.constant 0 : i32
      %dma_wait3A_661 = tpu.memref_slice %arg7[%mul3A_593, %dma_wait3A_660] : memref<32x200xi32, #tpu.memory_space<vmem>> -> memref<1x128xi32, #tpu.memory_space<vmem>>
      %dma_wait3A_662 = tpu.memref_squeeze %dma_wait3A_661 : memref<1x128xi32, #tpu.memory_space<vmem>> -> memref<128xi32, #tpu.memory_space<vmem>>
      %dma_wait3A_663 = arith.constant 0 : i32
      %dma_wait3A_664 = arith.constant 0 : i32
      %dma_wait3A_665 = tpu.memref_slice %arg5[%arg0, %dma_wait3A_663, %dma_wait3A_664] : memref<2x1000000x64xf32, #tpu.memory_space<hbm>> -> memref<1x1000000x64xf32, #tpu.memory_space<hbm>>
      %dma_wait3A_666 = tpu.memref_squeeze %dma_wait3A_665 : memref<1x1000000x64xf32, #tpu.memory_space<hbm>> -> memref<1000000x64xf32, #tpu.memory_space<hbm>>
      %dma_wait3A_667 = arith.constant 0 : i32
      %dma_wait3A_668 = arith.constant 0 : i32
      %dma_wait3A_669 = tpu.memref_slice %dma_wait3A_666[%dma_wait3A_667, %dma_wait3A_668] : memref<1000000x64xf32, #tpu.memory_space<hbm>> -> memref<1000000x64xf32, #tpu.memory_space<hbm>>
      tpu.wait_indirect_dma semaphore(%arg13 : memref<!tpu.dma_semaphore, #tpu.memory_space<semaphore_mem>>) src(%dma_wait3A_669 : memref<1000000x64xf32, #tpu.memory_space<hbm>>) dst(%dma_wait3A_659 : memref<128x64xf32, #tpu.memory_space<vmem>>)
      %dma_wait3A_670 = arith.constant 0 : i32
      %dma_wait3A_671 = arith.constant 0 : i32
      %dma_wait3A_672 = arith.constant 0 : i32
      %dma_wait3A_673 = tpu.memref_slice %arg8[%dma_wait3A_670, %dma_wait3A_671, %dma_wait3A_672] : memref<2x200x64xf32, #tpu.memory_space<vmem>> -> memref<1x200x64xf32, #tpu.memory_space<vmem>>
      %dma_wait3A_674 = tpu.memref_squeeze %dma_wait3A_673 : memref<1x200x64xf32, #tpu.memory_space<vmem>> -> memref<200x64xf32, #tpu.memory_space<vmem>>
      %dma_wait3A_675 = arith.constant 128 : i32
      %dma_wait3A_676 = arith.constant 0 : i32
      %dma_wait3A_677 = tpu.memref_slice %dma_wait3A_674[%dma_wait3A_675, %dma_wait3A_676] : memref<200x64xf32, #tpu.memory_space<vmem>> -> memref<72x64xf32, #tpu.memory_space<vmem>>
      %dma_wait3A_678 = arith.constant 128 : i32
      %dma_wait3A_679 = tpu.memref_slice %arg7[%mul3A_593, %dma_wait3A_678] : memref<32x200xi32, #tpu.memory_space<vmem>> -> memref<1x72xi32, #tpu.memory_space<vmem>>
      %dma_wait3A_680 = tpu.memref_squeeze %dma_wait3A_679 : memref<1x72xi32, #tpu.memory_space<vmem>> -> memref<72xi32, #tpu.memory_space<vmem>>
      %dma_wait3A_681 = arith.constant 0 : i32
      %dma_wait3A_682 = arith.constant 0 : i32
      %dma_wait3A_683 = tpu.memref_slice %arg5[%arg0, %dma_wait3A_681, %dma_wait3A_682] : memref<2x1000000x64xf32, #tpu.memory_space<hbm>> -> memref<1x1000000x64xf32, #tpu.memory_space<hbm>>
      %dma_wait3A_684 = tpu.memref_squeeze %dma_wait3A_683 : memref<1x1000000x64xf32, #tpu.memory_space<hbm>> -> memref<1000000x64xf32, #tpu.memory_space<hbm>>
      %dma_wait3A_685 = arith.constant 0 : i32
      %dma_wait3A_686 = arith.constant 0 : i32
      %dma_wait3A_687 = tpu.memref_slice %dma_wait3A_684[%dma_wait3A_685, %dma_wait3A_686] : memref<1000000x64xf32, #tpu.memory_space<hbm>> -> memref<1000000x64xf32, #tpu.memory_space<hbm>>
      tpu.wait_indirect_dma semaphore(%arg13 : memref<!tpu.dma_semaphore, #tpu.memory_space<semaphore_mem>>) src(%dma_wait3A_687 : memref<1000000x64xf32, #tpu.memory_space<hbm>>) dst(%dma_wait3A_677 : memref<72x64xf32, #tpu.memory_space<vmem>>)
      %dma_start3A_688 = arith.constant 0 : i32
      %dma_start3A_689 = arith.constant 0 : i32
      %dma_start3A_690 = arith.constant 0 : i32
      %dma_start3A_691 = tpu.memref_slice %arg8[%dma_start3A_688, %dma_start3A_689, %dma_start3A_690] : memref<2x200x64xf32, #tpu.memory_space<vmem>> -> memref<1x200x64xf32, #tpu.memory_space<vmem>>
      %dma_start3A_692 = tpu.memref_squeeze %dma_start3A_691 : memref<1x200x64xf32, #tpu.memory_space<vmem>> -> memref<200x64xf32, #tpu.memory_space<vmem>>
      %dma_start3A_693 = arith.constant 0 : i32
      %dma_start3A_694 = arith.constant 0 : i32
      %dma_start3A_695 = tpu.memref_slice %arg4[%add3A_598, %dma_start3A_693, %dma_start3A_694] : memref<4096x200x64xf32, #tpu.memory_space<hbm>> -> memref<1x200x64xf32, #tpu.memory_space<hbm>>
      %dma_start3A_696 = tpu.memref_squeeze %dma_start3A_695 : memref<1x200x64xf32, #tpu.memory_space<hbm>> -> memref<200x64xf32, #tpu.memory_space<hbm>>
      %dma_start3A_697 = arith.constant 0 : i32
      %dma_start3A_698 = arith.constant 0 : i32
      %dma_start3A_699 = tpu.memref_slice %arg4[%add3A_598, %dma_start3A_697, %dma_start3A_698] : memref<4096x200x64xf32, #tpu.memory_space<hbm>> -> memref<1x200x64xf32, #tpu.memory_space<hbm>>
      %dma_start3A_700 = tpu.memref_squeeze %dma_start3A_699 : memref<1x200x64xf32, #tpu.memory_space<hbm>> -> memref<200x64xf32, #tpu.memory_space<hbm>>
      %dma_start3A_701 = arith.constant 0 : i32
      %dma_start3A_702 = arith.constant 0 : i32
      %dma_start3A_703 = tpu.memref_slice %arg8[%dma_start3A_688, %dma_start3A_701, %dma_start3A_702] : memref<2x200x64xf32, #tpu.memory_space<vmem>> -> memref<1x200x64xf32, #tpu.memory_space<vmem>>
      %dma_start3A_704 = tpu.memref_squeeze %dma_start3A_703 : memref<1x200x64xf32, #tpu.memory_space<vmem>> -> memref<200x64xf32, #tpu.memory_space<vmem>>
      tpu.enqueue_dma source(%dma_start3A_704 : memref<200x64xf32, #tpu.memory_space<vmem>>) target(%dma_start3A_700 : memref<200x64xf32, #tpu.memory_space<hbm>>) target_semaphore(%arg14 : memref<!tpu.dma_semaphore, #tpu.memory_space<semaphore_mem>>)
      %mul3A_705 = arith.constant 2 : i32
      %mul3A_706 = arith.muli %mul3A_705, %scan3A_591 : i32
      %add3A_707 = arith.constant 1 : i32
      %add3A_708 = arith.addi %mul3A_706, %add3A_707 : i32
      %mul3A_709 = arith.constant 2 : i32
      %mul3A_710 = arith.muli %mul3A_709, %scan3A_591 : i32
      %add3A_711 = arith.constant 64 : i32
      %add3A_712 = arith.addi %add3A_711, %mul3A_710 : i32
      %add3A_713 = arith.constant 1 : i32
      %add3A_714 = arith.addi %add3A_712, %add3A_713 : i32
      %add3A_715 = arith.addi %mul3A_2, %add3A_714 : i32
      %dma_wait3A_716 = arith.constant 1 : i32
      %dma_wait3A_717 = arith.constant 0 : i32
      %dma_wait3A_718 = arith.constant 0 : i32
      %dma_wait3A_719 = tpu.memref_slice %arg8[%dma_wait3A_716, %dma_wait3A_717, %dma_wait3A_718] : memref<2x200x64xf32, #tpu.memory_space<vmem>> -> memref<1x200x64xf32, #tpu.memory_space<vmem>>
      %dma_wait3A_720 = tpu.memref_squeeze %dma_wait3A_719 : memref<1x200x64xf32, #tpu.memory_space<vmem>> -> memref<200x64xf32, #tpu.memory_space<vmem>>
      %dma_wait3A_721 = arith.constant 0 : i32
      %dma_wait3A_722 = arith.constant 0 : i32
      %dma_wait3A_723 = tpu.memref_slice %arg4[%add3A_715, %dma_wait3A_721, %dma_wait3A_722] : memref<4096x200x64xf32, #tpu.memory_space<hbm>> -> memref<1x200x64xf32, #tpu.memory_space<hbm>>
      %dma_wait3A_724 = tpu.memref_squeeze %dma_wait3A_723 : memref<1x200x64xf32, #tpu.memory_space<hbm>> -> memref<200x64xf32, #tpu.memory_space<hbm>>
      %dma_wait3A_725 = arith.constant 0 : i32
      %dma_wait3A_726 = arith.constant 0 : i32
      %dma_wait3A_727 = tpu.memref_slice %arg4[%add3A_715, %dma_wait3A_725, %dma_wait3A_726] : memref<4096x200x64xf32, #tpu.memory_space<hbm>> -> memref<1x200x64xf32, #tpu.memory_space<hbm>>
      %dma_wait3A_728 = tpu.memref_squeeze %dma_wait3A_727 : memref<1x200x64xf32, #tpu.memory_space<hbm>> -> memref<200x64xf32, #tpu.memory_space<hbm>>
      %dma_wait3A_729 = arith.constant 0 : i32
      %dma_wait3A_730 = arith.constant 0 : i32
      %dma_wait3A_731 = tpu.memref_slice %arg8[%dma_wait3A_716, %dma_wait3A_729, %dma_wait3A_730] : memref<2x200x64xf32, #tpu.memory_space<vmem>> -> memref<1x200x64xf32, #tpu.memory_space<vmem>>
      %dma_wait3A_732 = tpu.memref_squeeze %dma_wait3A_731 : memref<1x200x64xf32, #tpu.memory_space<vmem>> -> memref<200x64xf32, #tpu.memory_space<vmem>>
      tpu.wait_dma2 semaphore(%arg15 : memref<!tpu.dma_semaphore, #tpu.memory_space<semaphore_mem>>) src(%dma_wait3A_732 : memref<200x64xf32, #tpu.memory_space<vmem>>) dst(%dma_wait3A_728 : memref<200x64xf32, #tpu.memory_space<hbm>>)
      %dma_start3A_733 = arith.constant 1 : i32
      %dma_start3A_734 = arith.constant 0 : i32
      %dma_start3A_735 = arith.constant 0 : i32
      %dma_start3A_736 = tpu.memref_slice %arg8[%dma_start3A_733, %dma_start3A_734, %dma_start3A_735] : memref<2x200x64xf32, #tpu.memory_space<vmem>> -> memref<1x200x64xf32, #tpu.memory_space<vmem>>
      %dma_start3A_737 = tpu.memref_squeeze %dma_start3A_736 : memref<1x200x64xf32, #tpu.memory_space<vmem>> -> memref<200x64xf32, #tpu.memory_space<vmem>>
      %dma_start3A_738 = arith.constant 0 : i32
      %dma_start3A_739 = arith.constant 0 : i32
      %dma_start3A_740 = tpu.memref_slice %dma_start3A_737[%dma_start3A_738, %dma_start3A_739] : memref<200x64xf32, #tpu.memory_space<vmem>> -> memref<128x64xf32, #tpu.memory_space<vmem>>
      %dma_start3A_741 = arith.constant 0 : i32
      %dma_start3A_742 = tpu.memref_slice %arg7[%add3A_708, %dma_start3A_741] : memref<32x200xi32, #tpu.memory_space<vmem>> -> memref<1x128xi32, #tpu.memory_space<vmem>>
      %dma_start3A_743 = tpu.memref_squeeze %dma_start3A_742 : memref<1x128xi32, #tpu.memory_space<vmem>> -> memref<128xi32, #tpu.memory_space<vmem>>
      %dma_start3A_744 = arith.constant 0 : i32
      %dma_start3A_745 = arith.constant 0 : i32
      %dma_start3A_746 = tpu.memref_slice %arg5[%arg0, %dma_start3A_744, %dma_start3A_745] : memref<2x1000000x64xf32, #tpu.memory_space<hbm>> -> memref<1x1000000x64xf32, #tpu.memory_space<hbm>>
      %dma_start3A_747 = tpu.memref_squeeze %dma_start3A_746 : memref<1x1000000x64xf32, #tpu.memory_space<hbm>> -> memref<1000000x64xf32, #tpu.memory_space<hbm>>
      %dma_start3A_748 = arith.constant 0 : i32
      %dma_start3A_749 = arith.constant 0 : i32
      %dma_start3A_750 = tpu.memref_slice %dma_start3A_747[%dma_start3A_748, %dma_start3A_749] : memref<1000000x64xf32, #tpu.memory_space<hbm>> -> memref<1000000x64xf32, #tpu.memory_space<hbm>>
      tpu.enqueue_indirect_dma source(%dma_start3A_750 : memref<1000000x64xf32, #tpu.memory_space<hbm>>) target(%dma_start3A_740 : memref<128x64xf32, #tpu.memory_space<vmem>>) offsets(%dma_start3A_743 : memref<128xi32, #tpu.memory_space<vmem>>) semaphore(%arg13 : memref<!tpu.dma_semaphore, #tpu.memory_space<semaphore_mem>>)
      %dma_start3A_751 = arith.constant 1 : i32
      %dma_start3A_752 = arith.constant 0 : i32
      %dma_start3A_753 = arith.constant 0 : i32
      %dma_start3A_754 = tpu.memref_slice %arg8[%dma_start3A_751, %dma_start3A_752, %dma_start3A_753] : memref<2x200x64xf32, #tpu.memory_space<vmem>> -> memref<1x200x64xf32, #tpu.memory_space<vmem>>
      %dma_start3A_755 = tpu.memref_squeeze %dma_start3A_754 : memref<1x200x64xf32, #tpu.memory_space<vmem>> -> memref<200x64xf32, #tpu.memory_space<vmem>>
      %dma_start3A_756 = arith.constant 128 : i32
      %dma_start3A_757 = arith.constant 0 : i32
      %dma_start3A_758 = tpu.memref_slice %dma_start3A_755[%dma_start3A_756, %dma_start3A_757] : memref<200x64xf32, #tpu.memory_space<vmem>> -> memref<72x64xf32, #tpu.memory_space<vmem>>
      %dma_start3A_759 = arith.constant 128 : i32
      %dma_start3A_760 = tpu.memref_slice %arg7[%add3A_708, %dma_start3A_759] : memref<32x200xi32, #tpu.memory_space<vmem>> -> memref<1x72xi32, #tpu.memory_space<vmem>>
      %dma_start3A_761 = tpu.memref_squeeze %dma_start3A_760 : memref<1x72xi32, #tpu.memory_space<vmem>> -> memref<72xi32, #tpu.memory_space<vmem>>
      %dma_start3A_762 = arith.constant 0 : i32
      %dma_start3A_763 = arith.constant 0 : i32
      %dma_start3A_764 = tpu.memref_slice %arg5[%arg0, %dma_start3A_762, %dma_start3A_763] : memref<2x1000000x64xf32, #tpu.memory_space<hbm>> -> memref<1x1000000x64xf32, #tpu.memory_space<hbm>>
      %dma_start3A_765 = tpu.memref_squeeze %dma_start3A_764 : memref<1x1000000x64xf32, #tpu.memory_space<hbm>> -> memref<1000000x64xf32, #tpu.memory_space<hbm>>
      %dma_start3A_766 = arith.constant 0 : i32
      %dma_start3A_767 = arith.constant 0 : i32
      %dma_start3A_768 = tpu.memref_slice %dma_start3A_765[%dma_start3A_766, %dma_start3A_767] : memref<1000000x64xf32, #tpu.memory_space<hbm>> -> memref<1000000x64xf32, #tpu.memory_space<hbm>>
      tpu.enqueue_indirect_dma source(%dma_start3A_768 : memref<1000000x64xf32, #tpu.memory_space<hbm>>) target(%dma_start3A_758 : memref<72x64xf32, #tpu.memory_space<vmem>>) offsets(%dma_start3A_761 : memref<72xi32, #tpu.memory_space<vmem>>) semaphore(%arg13 : memref<!tpu.dma_semaphore, #tpu.memory_space<semaphore_mem>>)
      %dma_wait3A_769 = arith.constant 1 : i32
      %dma_wait3A_770 = arith.constant 0 : i32
      %dma_wait3A_771 = arith.constant 0 : i32
      %dma_wait3A_772 = tpu.memref_slice %arg8[%dma_wait3A_769, %dma_wait3A_770, %dma_wait3A_771] : memref<2x200x64xf32, #tpu.memory_space<vmem>> -> memref<1x200x64xf32, #tpu.memory_space<vmem>>
      %dma_wait3A_773 = tpu.memref_squeeze %dma_wait3A_772 : memref<1x200x64xf32, #tpu.memory_space<vmem>> -> memref<200x64xf32, #tpu.memory_space<vmem>>
      %dma_wait3A_774 = arith.constant 0 : i32
      %dma_wait3A_775 = arith.constant 0 : i32
      %dma_wait3A_776 = tpu.memref_slice %dma_wait3A_773[%dma_wait3A_774, %dma_wait3A_775] : memref<200x64xf32, #tpu.memory_space<vmem>> -> memref<128x64xf32, #tpu.memory_space<vmem>>
      %dma_wait3A_777 = arith.constant 0 : i32
      %dma_wait3A_778 = tpu.memref_slice %arg7[%add3A_708, %dma_wait3A_777] : memref<32x200xi32, #tpu.memory_space<vmem>> -> memref<1x128xi32, #tpu.memory_space<vmem>>
      %dma_wait3A_779 = tpu.memref_squeeze %dma_wait3A_778 : memref<1x128xi32, #tpu.memory_space<vmem>> -> memref<128xi32, #tpu.memory_space<vmem>>
      %dma_wait3A_780 = arith.constant 0 : i32
      %dma_wait3A_781 = arith.constant 0 : i32
      %dma_wait3A_782 = tpu.memref_slice %arg5[%arg0, %dma_wait3A_780, %dma_wait3A_781] : memref<2x1000000x64xf32, #tpu.memory_space<hbm>> -> memref<1x1000000x64xf32, #tpu.memory_space<hbm>>
      %dma_wait3A_783 = tpu.memref_squeeze %dma_wait3A_782 : memref<1x1000000x64xf32, #tpu.memory_space<hbm>> -> memref<1000000x64xf32, #tpu.memory_space<hbm>>
      %dma_wait3A_784 = arith.constant 0 : i32
      %dma_wait3A_785 = arith.constant 0 : i32
      %dma_wait3A_786 = tpu.memref_slice %dma_wait3A_783[%dma_wait3A_784, %dma_wait3A_785] : memref<1000000x64xf32, #tpu.memory_space<hbm>> -> memref<1000000x64xf32, #tpu.memory_space<hbm>>
      tpu.wait_indirect_dma semaphore(%arg13 : memref<!tpu.dma_semaphore, #tpu.memory_space<semaphore_mem>>) src(%dma_wait3A_786 : memref<1000000x64xf32, #tpu.memory_space<hbm>>) dst(%dma_wait3A_776 : memref<128x64xf32, #tpu.memory_space<vmem>>)
      %dma_wait3A_787 = arith.constant 1 : i32
      %dma_wait3A_788 = arith.constant 0 : i32
      %dma_wait3A_789 = arith.constant 0 : i32
      %dma_wait3A_790 = tpu.memref_slice %arg8[%dma_wait3A_787, %dma_wait3A_788, %dma_wait3A_789] : memref<2x200x64xf32, #tpu.memory_space<vmem>> -> memref<1x200x64xf32, #tpu.memory_space<vmem>>
      %dma_wait3A_791 = tpu.memref_squeeze %dma_wait3A_790 : memref<1x200x64xf32, #tpu.memory_space<vmem>> -> memref<200x64xf32, #tpu.memory_space<vmem>>
      %dma_wait3A_792 = arith.constant 128 : i32
      %dma_wait3A_793 = arith.constant 0 : i32
      %dma_wait3A_794 = tpu.memref_slice %dma_wait3A_791[%dma_wait3A_792, %dma_wait3A_793] : memref<200x64xf32, #tpu.memory_space<vmem>> -> memref<72x64xf32, #tpu.memory_space<vmem>>
      %dma_wait3A_795 = arith.constant 128 : i32
      %dma_wait3A_796 = tpu.memref_slice %arg7[%add3A_708, %dma_wait3A_795] : memref<32x200xi32, #tpu.memory_space<vmem>> -> memref<1x72xi32, #tpu.memory_space<vmem>>
      %dma_wait3A_797 = tpu.memref_squeeze %dma_wait3A_796 : memref<1x72xi32, #tpu.memory_space<vmem>> -> memref<72xi32, #tpu.memory_space<vmem>>
      %dma_wait3A_798 = arith.constant 0 : i32
      %dma_wait3A_799 = arith.constant 0 : i32
      %dma_wait3A_800 = tpu.memref_slice %arg5[%arg0, %dma_wait3A_798, %dma_wait3A_799] : memref<2x1000000x64xf32, #tpu.memory_space<hbm>> -> memref<1x1000000x64xf32, #tpu.memory_space<hbm>>
      %dma_wait3A_801 = tpu.memref_squeeze %dma_wait3A_800 : memref<1x1000000x64xf32, #tpu.memory_space<hbm>> -> memref<1000000x64xf32, #tpu.memory_space<hbm>>
      %dma_wait3A_802 = arith.constant 0 : i32
      %dma_wait3A_803 = arith.constant 0 : i32
      %dma_wait3A_804 = tpu.memref_slice %dma_wait3A_801[%dma_wait3A_802, %dma_wait3A_803] : memref<1000000x64xf32, #tpu.memory_space<hbm>> -> memref<1000000x64xf32, #tpu.memory_space<hbm>>
      tpu.wait_indirect_dma semaphore(%arg13 : memref<!tpu.dma_semaphore, #tpu.memory_space<semaphore_mem>>) src(%dma_wait3A_804 : memref<1000000x64xf32, #tpu.memory_space<hbm>>) dst(%dma_wait3A_794 : memref<72x64xf32, #tpu.memory_space<vmem>>)
      %dma_start3A_805 = arith.constant 1 : i32
      %dma_start3A_806 = arith.constant 0 : i32
      %dma_start3A_807 = arith.constant 0 : i32
      %dma_start3A_808 = tpu.memref_slice %arg8[%dma_start3A_805, %dma_start3A_806, %dma_start3A_807] : memref<2x200x64xf32, #tpu.memory_space<vmem>> -> memref<1x200x64xf32, #tpu.memory_space<vmem>>
      %dma_start3A_809 = tpu.memref_squeeze %dma_start3A_808 : memref<1x200x64xf32, #tpu.memory_space<vmem>> -> memref<200x64xf32, #tpu.memory_space<vmem>>
      %dma_start3A_810 = arith.constant 0 : i32
      %dma_start3A_811 = arith.constant 0 : i32
      %dma_start3A_812 = tpu.memref_slice %arg4[%add3A_715, %dma_start3A_810, %dma_start3A_811] : memref<4096x200x64xf32, #tpu.memory_space<hbm>> -> memref<1x200x64xf32, #tpu.memory_space<hbm>>
      %dma_start3A_813 = tpu.memref_squeeze %dma_start3A_812 : memref<1x200x64xf32, #tpu.memory_space<hbm>> -> memref<200x64xf32, #tpu.memory_space<hbm>>
      %dma_start3A_814 = arith.constant 0 : i32
      %dma_start3A_815 = arith.constant 0 : i32
      %dma_start3A_816 = tpu.memref_slice %arg4[%add3A_715, %dma_start3A_814, %dma_start3A_815] : memref<4096x200x64xf32, #tpu.memory_space<hbm>> -> memref<1x200x64xf32, #tpu.memory_space<hbm>>
      %dma_start3A_817 = tpu.memref_squeeze %dma_start3A_816 : memref<1x200x64xf32, #tpu.memory_space<hbm>> -> memref<200x64xf32, #tpu.memory_space<hbm>>
      %dma_start3A_818 = arith.constant 0 : i32
      %dma_start3A_819 = arith.constant 0 : i32
      %dma_start3A_820 = tpu.memref_slice %arg8[%dma_start3A_805, %dma_start3A_818, %dma_start3A_819] : memref<2x200x64xf32, #tpu.memory_space<vmem>> -> memref<1x200x64xf32, #tpu.memory_space<vmem>>
      %dma_start3A_821 = tpu.memref_squeeze %dma_start3A_820 : memref<1x200x64xf32, #tpu.memory_space<vmem>> -> memref<200x64xf32, #tpu.memory_space<vmem>>
      tpu.enqueue_dma source(%dma_start3A_821 : memref<200x64xf32, #tpu.memory_space<vmem>>) target(%dma_start3A_817 : memref<200x64xf32, #tpu.memory_space<hbm>>) target_semaphore(%arg15 : memref<!tpu.dma_semaphore, #tpu.memory_space<semaphore_mem>>)
    }
    %scan3A_541 = arith.constant 16 : i32
    %add3A_542 = arith.constant 96 : i32
    %add3A_543 = arith.addi %mul3A_2, %add3A_542 : i32
    "tpu.region"() ({
      %run_scoped3A = tpu.sem_alloc : memref<!tpu.dma_semaphore, #tpu.memory_space<semaphore_mem>>
      %dma_start3A_591 = arith.constant 0 : i32
      %dma_start3A_592 = tpu.memref_slice %arg2[%add3A_543, %dma_start3A_591] : memref<4096x200xi32, #tpu.memory_space<hbm>> -> memref<32x200xi32, #tpu.memory_space<hbm>>
      %dma_start3A_593 = arith.constant 0 : i32
      %dma_start3A_594 = tpu.memref_slice %arg2[%add3A_543, %dma_start3A_593] : memref<4096x200xi32, #tpu.memory_space<hbm>> -> memref<32x200xi32, #tpu.memory_space<hbm>>
      tpu.enqueue_dma source(%dma_start3A_594 : memref<32x200xi32, #tpu.memory_space<hbm>>) target(%arg7 : memref<32x200xi32, #tpu.memory_space<vmem>>) target_semaphore(%run_scoped3A : memref<!tpu.dma_semaphore, #tpu.memory_space<semaphore_mem>>)
      %dma_wait3A_595 = arith.constant 0 : i32
      %dma_wait3A_596 = tpu.memref_slice %arg2[%add3A_543, %dma_wait3A_595] : memref<4096x200xi32, #tpu.memory_space<hbm>> -> memref<32x200xi32, #tpu.memory_space<hbm>>
      %dma_wait3A_597 = arith.constant 0 : i32
      %dma_wait3A_598 = tpu.memref_slice %arg2[%add3A_543, %dma_wait3A_597] : memref<4096x200xi32, #tpu.memory_space<hbm>> -> memref<32x200xi32, #tpu.memory_space<hbm>>
      tpu.wait_dma2 semaphore(%run_scoped3A : memref<!tpu.dma_semaphore, #tpu.memory_space<semaphore_mem>>) src(%dma_wait3A_598 : memref<32x200xi32, #tpu.memory_space<hbm>>) dst(%arg7 : memref<32x200xi32, #tpu.memory_space<vmem>>)
      tpu.yield
    }) : () -> ()
    %scan3A_544 = arith.constant 0 : i32
    %scan3A_545 = arith.constant 0 : i32
    %scan3A_546 = arith.constant 16 : i32
    %scan3A_547 = arith.addi %scan3A_545, %scan3A_546 : i32
    %scan3A_548 = arith.constant 1 : i32
    scf.for %scan3A_591 = %scan3A_545 to %scan3A_547 step %scan3A_548  : i32 {
      %mul3A_592 = arith.constant 2 : i32
      %mul3A_593 = arith.muli %mul3A_592, %scan3A_591 : i32
      %mul3A_594 = arith.constant 2 : i32
      %mul3A_595 = arith.muli %mul3A_594, %scan3A_591 : i32
      %add3A_596 = arith.constant 96 : i32
      %add3A_597 = arith.addi %add3A_596, %mul3A_595 : i32
      %add3A_598 = arith.addi %mul3A_2, %add3A_597 : i32
      %dma_wait3A_599 = arith.constant 0 : i32
      %dma_wait3A_600 = arith.constant 0 : i32
      %dma_wait3A_601 = arith.constant 0 : i32
      %dma_wait3A_602 = tpu.memref_slice %arg8[%dma_wait3A_599, %dma_wait3A_600, %dma_wait3A_601] : memref<2x200x64xf32, #tpu.memory_space<vmem>> -> memref<1x200x64xf32, #tpu.memory_space<vmem>>
      %dma_wait3A_603 = tpu.memref_squeeze %dma_wait3A_602 : memref<1x200x64xf32, #tpu.memory_space<vmem>> -> memref<200x64xf32, #tpu.memory_space<vmem>>
      %dma_wait3A_604 = arith.constant 0 : i32
      %dma_wait3A_605 = arith.constant 0 : i32
      %dma_wait3A_606 = tpu.memref_slice %arg4[%add3A_598, %dma_wait3A_604, %dma_wait3A_605] : memref<4096x200x64xf32, #tpu.memory_space<hbm>> -> memref<1x200x64xf32, #tpu.memory_space<hbm>>
      %dma_wait3A_607 = tpu.memref_squeeze %dma_wait3A_606 : memref<1x200x64xf32, #tpu.memory_space<hbm>> -> memref<200x64xf32, #tpu.memory_space<hbm>>
      %dma_wait3A_608 = arith.constant 0 : i32
      %dma_wait3A_609 = arith.constant 0 : i32
      %dma_wait3A_610 = tpu.memref_slice %arg4[%add3A_598, %dma_wait3A_608, %dma_wait3A_609] : memref<4096x200x64xf32, #tpu.memory_space<hbm>> -> memref<1x200x64xf32, #tpu.memory_space<hbm>>
      %dma_wait3A_611 = tpu.memref_squeeze %dma_wait3A_610 : memref<1x200x64xf32, #tpu.memory_space<hbm>> -> memref<200x64xf32, #tpu.memory_space<hbm>>
      %dma_wait3A_612 = arith.constant 0 : i32
      %dma_wait3A_613 = arith.constant 0 : i32
      %dma_wait3A_614 = tpu.memref_slice %arg8[%dma_wait3A_599, %dma_wait3A_612, %dma_wait3A_613] : memref<2x200x64xf32, #tpu.memory_space<vmem>> -> memref<1x200x64xf32, #tpu.memory_space<vmem>>
      %dma_wait3A_615 = tpu.memref_squeeze %dma_wait3A_614 : memref<1x200x64xf32, #tpu.memory_space<vmem>> -> memref<200x64xf32, #tpu.memory_space<vmem>>
      tpu.wait_dma2 semaphore(%arg14 : memref<!tpu.dma_semaphore, #tpu.memory_space<semaphore_mem>>) src(%dma_wait3A_615 : memref<200x64xf32, #tpu.memory_space<vmem>>) dst(%dma_wait3A_611 : memref<200x64xf32, #tpu.memory_space<hbm>>)
      %dma_start3A_616 = arith.constant 0 : i32
      %dma_start3A_617 = arith.constant 0 : i32
      %dma_start3A_618 = arith.constant 0 : i32
      %dma_start3A_619 = tpu.memref_slice %arg8[%dma_start3A_616, %dma_start3A_617, %dma_start3A_618] : memref<2x200x64xf32, #tpu.memory_space<vmem>> -> memref<1x200x64xf32, #tpu.memory_space<vmem>>
      %dma_start3A_620 = tpu.memref_squeeze %dma_start3A_619 : memref<1x200x64xf32, #tpu.memory_space<vmem>> -> memref<200x64xf32, #tpu.memory_space<vmem>>
      %dma_start3A_621 = arith.constant 0 : i32
      %dma_start3A_622 = arith.constant 0 : i32
      %dma_start3A_623 = tpu.memref_slice %dma_start3A_620[%dma_start3A_621, %dma_start3A_622] : memref<200x64xf32, #tpu.memory_space<vmem>> -> memref<128x64xf32, #tpu.memory_space<vmem>>
      %dma_start3A_624 = arith.constant 0 : i32
      %dma_start3A_625 = tpu.memref_slice %arg7[%mul3A_593, %dma_start3A_624] : memref<32x200xi32, #tpu.memory_space<vmem>> -> memref<1x128xi32, #tpu.memory_space<vmem>>
      %dma_start3A_626 = tpu.memref_squeeze %dma_start3A_625 : memref<1x128xi32, #tpu.memory_space<vmem>> -> memref<128xi32, #tpu.memory_space<vmem>>
      %dma_start3A_627 = arith.constant 0 : i32
      %dma_start3A_628 = arith.constant 0 : i32
      %dma_start3A_629 = tpu.memref_slice %arg5[%arg0, %dma_start3A_627, %dma_start3A_628] : memref<2x1000000x64xf32, #tpu.memory_space<hbm>> -> memref<1x1000000x64xf32, #tpu.memory_space<hbm>>
      %dma_start3A_630 = tpu.memref_squeeze %dma_start3A_629 : memref<1x1000000x64xf32, #tpu.memory_space<hbm>> -> memref<1000000x64xf32, #tpu.memory_space<hbm>>
      %dma_start3A_631 = arith.constant 0 : i32
      %dma_start3A_632 = arith.constant 0 : i32
      %dma_start3A_633 = tpu.memref_slice %dma_start3A_630[%dma_start3A_631, %dma_start3A_632] : memref<1000000x64xf32, #tpu.memory_space<hbm>> -> memref<1000000x64xf32, #tpu.memory_space<hbm>>
      tpu.enqueue_indirect_dma source(%dma_start3A_633 : memref<1000000x64xf32, #tpu.memory_space<hbm>>) target(%dma_start3A_623 : memref<128x64xf32, #tpu.memory_space<vmem>>) offsets(%dma_start3A_626 : memref<128xi32, #tpu.memory_space<vmem>>) semaphore(%arg13 : memref<!tpu.dma_semaphore, #tpu.memory_space<semaphore_mem>>)
      %dma_start3A_634 = arith.constant 0 : i32
      %dma_start3A_635 = arith.constant 0 : i32
      %dma_start3A_636 = arith.constant 0 : i32
      %dma_start3A_637 = tpu.memref_slice %arg8[%dma_start3A_634, %dma_start3A_635, %dma_start3A_636] : memref<2x200x64xf32, #tpu.memory_space<vmem>> -> memref<1x200x64xf32, #tpu.memory_space<vmem>>
      %dma_start3A_638 = tpu.memref_squeeze %dma_start3A_637 : memref<1x200x64xf32, #tpu.memory_space<vmem>> -> memref<200x64xf32, #tpu.memory_space<vmem>>
      %dma_start3A_639 = arith.constant 128 : i32
      %dma_start3A_640 = arith.constant 0 : i32
      %dma_start3A_641 = tpu.memref_slice %dma_start3A_638[%dma_start3A_639, %dma_start3A_640] : memref<200x64xf32, #tpu.memory_space<vmem>> -> memref<72x64xf32, #tpu.memory_space<vmem>>
      %dma_start3A_642 = arith.constant 128 : i32
      %dma_start3A_643 = tpu.memref_slice %arg7[%mul3A_593, %dma_start3A_642] : memref<32x200xi32, #tpu.memory_space<vmem>> -> memref<1x72xi32, #tpu.memory_space<vmem>>
      %dma_start3A_644 = tpu.memref_squeeze %dma_start3A_643 : memref<1x72xi32, #tpu.memory_space<vmem>> -> memref<72xi32, #tpu.memory_space<vmem>>
      %dma_start3A_645 = arith.constant 0 : i32
      %dma_start3A_646 = arith.constant 0 : i32
      %dma_start3A_647 = tpu.memref_slice %arg5[%arg0, %dma_start3A_645, %dma_start3A_646] : memref<2x1000000x64xf32, #tpu.memory_space<hbm>> -> memref<1x1000000x64xf32, #tpu.memory_space<hbm>>
      %dma_start3A_648 = tpu.memref_squeeze %dma_start3A_647 : memref<1x1000000x64xf32, #tpu.memory_space<hbm>> -> memref<1000000x64xf32, #tpu.memory_space<hbm>>
      %dma_start3A_649 = arith.constant 0 : i32
      %dma_start3A_650 = arith.constant 0 : i32
      %dma_start3A_651 = tpu.memref_slice %dma_start3A_648[%dma_start3A_649, %dma_start3A_650] : memref<1000000x64xf32, #tpu.memory_space<hbm>> -> memref<1000000x64xf32, #tpu.memory_space<hbm>>
      tpu.enqueue_indirect_dma source(%dma_start3A_651 : memref<1000000x64xf32, #tpu.memory_space<hbm>>) target(%dma_start3A_641 : memref<72x64xf32, #tpu.memory_space<vmem>>) offsets(%dma_start3A_644 : memref<72xi32, #tpu.memory_space<vmem>>) semaphore(%arg13 : memref<!tpu.dma_semaphore, #tpu.memory_space<semaphore_mem>>)
      %dma_wait3A_652 = arith.constant 0 : i32
      %dma_wait3A_653 = arith.constant 0 : i32
      %dma_wait3A_654 = arith.constant 0 : i32
      %dma_wait3A_655 = tpu.memref_slice %arg8[%dma_wait3A_652, %dma_wait3A_653, %dma_wait3A_654] : memref<2x200x64xf32, #tpu.memory_space<vmem>> -> memref<1x200x64xf32, #tpu.memory_space<vmem>>
      %dma_wait3A_656 = tpu.memref_squeeze %dma_wait3A_655 : memref<1x200x64xf32, #tpu.memory_space<vmem>> -> memref<200x64xf32, #tpu.memory_space<vmem>>
      %dma_wait3A_657 = arith.constant 0 : i32
      %dma_wait3A_658 = arith.constant 0 : i32
      %dma_wait3A_659 = tpu.memref_slice %dma_wait3A_656[%dma_wait3A_657, %dma_wait3A_658] : memref<200x64xf32, #tpu.memory_space<vmem>> -> memref<128x64xf32, #tpu.memory_space<vmem>>
      %dma_wait3A_660 = arith.constant 0 : i32
      %dma_wait3A_661 = tpu.memref_slice %arg7[%mul3A_593, %dma_wait3A_660] : memref<32x200xi32, #tpu.memory_space<vmem>> -> memref<1x128xi32, #tpu.memory_space<vmem>>
      %dma_wait3A_662 = tpu.memref_squeeze %dma_wait3A_661 : memref<1x128xi32, #tpu.memory_space<vmem>> -> memref<128xi32, #tpu.memory_space<vmem>>
      %dma_wait3A_663 = arith.constant 0 : i32
      %dma_wait3A_664 = arith.constant 0 : i32
      %dma_wait3A_665 = tpu.memref_slice %arg5[%arg0, %dma_wait3A_663, %dma_wait3A_664] : memref<2x1000000x64xf32, #tpu.memory_space<hbm>> -> memref<1x1000000x64xf32, #tpu.memory_space<hbm>>
      %dma_wait3A_666 = tpu.memref_squeeze %dma_wait3A_665 : memref<1x1000000x64xf32, #tpu.memory_space<hbm>> -> memref<1000000x64xf32, #tpu.memory_space<hbm>>
      %dma_wait3A_667 = arith.constant 0 : i32
      %dma_wait3A_668 = arith.constant 0 : i32
      %dma_wait3A_669 = tpu.memref_slice %dma_wait3A_666[%dma_wait3A_667, %dma_wait3A_668] : memref<1000000x64xf32, #tpu.memory_space<hbm>> -> memref<1000000x64xf32, #tpu.memory_space<hbm>>
      tpu.wait_indirect_dma semaphore(%arg13 : memref<!tpu.dma_semaphore, #tpu.memory_space<semaphore_mem>>) src(%dma_wait3A_669 : memref<1000000x64xf32, #tpu.memory_space<hbm>>) dst(%dma_wait3A_659 : memref<128x64xf32, #tpu.memory_space<vmem>>)
      %dma_wait3A_670 = arith.constant 0 : i32
      %dma_wait3A_671 = arith.constant 0 : i32
      %dma_wait3A_672 = arith.constant 0 : i32
      %dma_wait3A_673 = tpu.memref_slice %arg8[%dma_wait3A_670, %dma_wait3A_671, %dma_wait3A_672] : memref<2x200x64xf32, #tpu.memory_space<vmem>> -> memref<1x200x64xf32, #tpu.memory_space<vmem>>
      %dma_wait3A_674 = tpu.memref_squeeze %dma_wait3A_673 : memref<1x200x64xf32, #tpu.memory_space<vmem>> -> memref<200x64xf32, #tpu.memory_space<vmem>>
      %dma_wait3A_675 = arith.constant 128 : i32
      %dma_wait3A_676 = arith.constant 0 : i32
      %dma_wait3A_677 = tpu.memref_slice %dma_wait3A_674[%dma_wait3A_675, %dma_wait3A_676] : memref<200x64xf32, #tpu.memory_space<vmem>> -> memref<72x64xf32, #tpu.memory_space<vmem>>
      %dma_wait3A_678 = arith.constant 128 : i32
      %dma_wait3A_679 = tpu.memref_slice %arg7[%mul3A_593, %dma_wait3A_678] : memref<32x200xi32, #tpu.memory_space<vmem>> -> memref<1x72xi32, #tpu.memory_space<vmem>>
      %dma_wait3A_680 = tpu.memref_squeeze %dma_wait3A_679 : memref<1x72xi32, #tpu.memory_space<vmem>> -> memref<72xi32, #tpu.memory_space<vmem>>
      %dma_wait3A_681 = arith.constant 0 : i32
      %dma_wait3A_682 = arith.constant 0 : i32
      %dma_wait3A_683 = tpu.memref_slice %arg5[%arg0, %dma_wait3A_681, %dma_wait3A_682] : memref<2x1000000x64xf32, #tpu.memory_space<hbm>> -> memref<1x1000000x64xf32, #tpu.memory_space<hbm>>
      %dma_wait3A_684 = tpu.memref_squeeze %dma_wait3A_683 : memref<1x1000000x64xf32, #tpu.memory_space<hbm>> -> memref<1000000x64xf32, #tpu.memory_space<hbm>>
      %dma_wait3A_685 = arith.constant 0 : i32
      %dma_wait3A_686 = arith.constant 0 : i32
      %dma_wait3A_687 = tpu.memref_slice %dma_wait3A_684[%dma_wait3A_685, %dma_wait3A_686] : memref<1000000x64xf32, #tpu.memory_space<hbm>> -> memref<1000000x64xf32, #tpu.memory_space<hbm>>
      tpu.wait_indirect_dma semaphore(%arg13 : memref<!tpu.dma_semaphore, #tpu.memory_space<semaphore_mem>>) src(%dma_wait3A_687 : memref<1000000x64xf32, #tpu.memory_space<hbm>>) dst(%dma_wait3A_677 : memref<72x64xf32, #tpu.memory_space<vmem>>)
      %dma_start3A_688 = arith.constant 0 : i32
      %dma_start3A_689 = arith.constant 0 : i32
      %dma_start3A_690 = arith.constant 0 : i32
      %dma_start3A_691 = tpu.memref_slice %arg8[%dma_start3A_688, %dma_start3A_689, %dma_start3A_690] : memref<2x200x64xf32, #tpu.memory_space<vmem>> -> memref<1x200x64xf32, #tpu.memory_space<vmem>>
      %dma_start3A_692 = tpu.memref_squeeze %dma_start3A_691 : memref<1x200x64xf32, #tpu.memory_space<vmem>> -> memref<200x64xf32, #tpu.memory_space<vmem>>
      %dma_start3A_693 = arith.constant 0 : i32
      %dma_start3A_694 = arith.constant 0 : i32
      %dma_start3A_695 = tpu.memref_slice %arg4[%add3A_598, %dma_start3A_693, %dma_start3A_694] : memref<4096x200x64xf32, #tpu.memory_space<hbm>> -> memref<1x200x64xf32, #tpu.memory_space<hbm>>
      %dma_start3A_696 = tpu.memref_squeeze %dma_start3A_695 : memref<1x200x64xf32, #tpu.memory_space<hbm>> -> memref<200x64xf32, #tpu.memory_space<hbm>>
      %dma_start3A_697 = arith.constant 0 : i32
      %dma_start3A_698 = arith.constant 0 : i32
      %dma_start3A_699 = tpu.memref_slice %arg4[%add3A_598, %dma_start3A_697, %dma_start3A_698] : memref<4096x200x64xf32, #tpu.memory_space<hbm>> -> memref<1x200x64xf32, #tpu.memory_space<hbm>>
      %dma_start3A_700 = tpu.memref_squeeze %dma_start3A_699 : memref<1x200x64xf32, #tpu.memory_space<hbm>> -> memref<200x64xf32, #tpu.memory_space<hbm>>
      %dma_start3A_701 = arith.constant 0 : i32
      %dma_start3A_702 = arith.constant 0 : i32
      %dma_start3A_703 = tpu.memref_slice %arg8[%dma_start3A_688, %dma_start3A_701, %dma_start3A_702] : memref<2x200x64xf32, #tpu.memory_space<vmem>> -> memref<1x200x64xf32, #tpu.memory_space<vmem>>
      %dma_start3A_704 = tpu.memref_squeeze %dma_start3A_703 : memref<1x200x64xf32, #tpu.memory_space<vmem>> -> memref<200x64xf32, #tpu.memory_space<vmem>>
      tpu.enqueue_dma source(%dma_start3A_704 : memref<200x64xf32, #tpu.memory_space<vmem>>) target(%dma_start3A_700 : memref<200x64xf32, #tpu.memory_space<hbm>>) target_semaphore(%arg14 : memref<!tpu.dma_semaphore, #tpu.memory_space<semaphore_mem>>)
      %mul3A_705 = arith.constant 2 : i32
      %mul3A_706 = arith.muli %mul3A_705, %scan3A_591 : i32
      %add3A_707 = arith.constant 1 : i32
      %add3A_708 = arith.addi %mul3A_706, %add3A_707 : i32
      %mul3A_709 = arith.constant 2 : i32
      %mul3A_710 = arith.muli %mul3A_709, %scan3A_591 : i32
      %add3A_711 = arith.constant 96 : i32
      %add3A_712 = arith.addi %add3A_711, %mul3A_710 : i32
      %add3A_713 = arith.constant 1 : i32
      %add3A_714 = arith.addi %add3A_712, %add3A_713 : i32
      %add3A_715 = arith.addi %mul3A_2, %add3A_714 : i32
      %dma_wait3A_716 = arith.constant 1 : i32
      %dma_wait3A_717 = arith.constant 0 : i32
      %dma_wait3A_718 = arith.constant 0 : i32
      %dma_wait3A_719 = tpu.memref_slice %arg8[%dma_wait3A_716, %dma_wait3A_717, %dma_wait3A_718] : memref<2x200x64xf32, #tpu.memory_space<vmem>> -> memref<1x200x64xf32, #tpu.memory_space<vmem>>
      %dma_wait3A_720 = tpu.memref_squeeze %dma_wait3A_719 : memref<1x200x64xf32, #tpu.memory_space<vmem>> -> memref<200x64xf32, #tpu.memory_space<vmem>>
      %dma_wait3A_721 = arith.constant 0 : i32
      %dma_wait3A_722 = arith.constant 0 : i32
      %dma_wait3A_723 = tpu.memref_slice %arg4[%add3A_715, %dma_wait3A_721, %dma_wait3A_722] : memref<4096x200x64xf32, #tpu.memory_space<hbm>> -> memref<1x200x64xf32, #tpu.memory_space<hbm>>
      %dma_wait3A_724 = tpu.memref_squeeze %dma_wait3A_723 : memref<1x200x64xf32, #tpu.memory_space<hbm>> -> memref<200x64xf32, #tpu.memory_space<hbm>>
      %dma_wait3A_725 = arith.constant 0 : i32
      %dma_wait3A_726 = arith.constant 0 : i32
      %dma_wait3A_727 = tpu.memref_slice %arg4[%add3A_715, %dma_wait3A_725, %dma_wait3A_726] : memref<4096x200x64xf32, #tpu.memory_space<hbm>> -> memref<1x200x64xf32, #tpu.memory_space<hbm>>
      %dma_wait3A_728 = tpu.memref_squeeze %dma_wait3A_727 : memref<1x200x64xf32, #tpu.memory_space<hbm>> -> memref<200x64xf32, #tpu.memory_space<hbm>>
      %dma_wait3A_729 = arith.constant 0 : i32
      %dma_wait3A_730 = arith.constant 0 : i32
      %dma_wait3A_731 = tpu.memref_slice %arg8[%dma_wait3A_716, %dma_wait3A_729, %dma_wait3A_730] : memref<2x200x64xf32, #tpu.memory_space<vmem>> -> memref<1x200x64xf32, #tpu.memory_space<vmem>>
      %dma_wait3A_732 = tpu.memref_squeeze %dma_wait3A_731 : memref<1x200x64xf32, #tpu.memory_space<vmem>> -> memref<200x64xf32, #tpu.memory_space<vmem>>
      tpu.wait_dma2 semaphore(%arg15 : memref<!tpu.dma_semaphore, #tpu.memory_space<semaphore_mem>>) src(%dma_wait3A_732 : memref<200x64xf32, #tpu.memory_space<vmem>>) dst(%dma_wait3A_728 : memref<200x64xf32, #tpu.memory_space<hbm>>)
      %dma_start3A_733 = arith.constant 1 : i32
      %dma_start3A_734 = arith.constant 0 : i32
      %dma_start3A_735 = arith.constant 0 : i32
      %dma_start3A_736 = tpu.memref_slice %arg8[%dma_start3A_733, %dma_start3A_734, %dma_start3A_735] : memref<2x200x64xf32, #tpu.memory_space<vmem>> -> memref<1x200x64xf32, #tpu.memory_space<vmem>>
      %dma_start3A_737 = tpu.memref_squeeze %dma_start3A_736 : memref<1x200x64xf32, #tpu.memory_space<vmem>> -> memref<200x64xf32, #tpu.memory_space<vmem>>
      %dma_start3A_738 = arith.constant 0 : i32
      %dma_start3A_739 = arith.constant 0 : i32
      %dma_start3A_740 = tpu.memref_slice %dma_start3A_737[%dma_start3A_738, %dma_start3A_739] : memref<200x64xf32, #tpu.memory_space<vmem>> -> memref<128x64xf32, #tpu.memory_space<vmem>>
      %dma_start3A_741 = arith.constant 0 : i32
      %dma_start3A_742 = tpu.memref_slice %arg7[%add3A_708, %dma_start3A_741] : memref<32x200xi32, #tpu.memory_space<vmem>> -> memref<1x128xi32, #tpu.memory_space<vmem>>
      %dma_start3A_743 = tpu.memref_squeeze %dma_start3A_742 : memref<1x128xi32, #tpu.memory_space<vmem>> -> memref<128xi32, #tpu.memory_space<vmem>>
      %dma_start3A_744 = arith.constant 0 : i32
      %dma_start3A_745 = arith.constant 0 : i32
      %dma_start3A_746 = tpu.memref_slice %arg5[%arg0, %dma_start3A_744, %dma_start3A_745] : memref<2x1000000x64xf32, #tpu.memory_space<hbm>> -> memref<1x1000000x64xf32, #tpu.memory_space<hbm>>
      %dma_start3A_747 = tpu.memref_squeeze %dma_start3A_746 : memref<1x1000000x64xf32, #tpu.memory_space<hbm>> -> memref<1000000x64xf32, #tpu.memory_space<hbm>>
      %dma_start3A_748 = arith.constant 0 : i32
      %dma_start3A_749 = arith.constant 0 : i32
      %dma_start3A_750 = tpu.memref_slice %dma_start3A_747[%dma_start3A_748, %dma_start3A_749] : memref<1000000x64xf32, #tpu.memory_space<hbm>> -> memref<1000000x64xf32, #tpu.memory_space<hbm>>
      tpu.enqueue_indirect_dma source(%dma_start3A_750 : memref<1000000x64xf32, #tpu.memory_space<hbm>>) target(%dma_start3A_740 : memref<128x64xf32, #tpu.memory_space<vmem>>) offsets(%dma_start3A_743 : memref<128xi32, #tpu.memory_space<vmem>>) semaphore(%arg13 : memref<!tpu.dma_semaphore, #tpu.memory_space<semaphore_mem>>)
      %dma_start3A_751 = arith.constant 1 : i32
      %dma_start3A_752 = arith.constant 0 : i32
      %dma_start3A_753 = arith.constant 0 : i32
      %dma_start3A_754 = tpu.memref_slice %arg8[%dma_start3A_751, %dma_start3A_752, %dma_start3A_753] : memref<2x200x64xf32, #tpu.memory_space<vmem>> -> memref<1x200x64xf32, #tpu.memory_space<vmem>>
      %dma_start3A_755 = tpu.memref_squeeze %dma_start3A_754 : memref<1x200x64xf32, #tpu.memory_space<vmem>> -> memref<200x64xf32, #tpu.memory_space<vmem>>
      %dma_start3A_756 = arith.constant 128 : i32
      %dma_start3A_757 = arith.constant 0 : i32
      %dma_start3A_758 = tpu.memref_slice %dma_start3A_755[%dma_start3A_756, %dma_start3A_757] : memref<200x64xf32, #tpu.memory_space<vmem>> -> memref<72x64xf32, #tpu.memory_space<vmem>>
      %dma_start3A_759 = arith.constant 128 : i32
      %dma_start3A_760 = tpu.memref_slice %arg7[%add3A_708, %dma_start3A_759] : memref<32x200xi32, #tpu.memory_space<vmem>> -> memref<1x72xi32, #tpu.memory_space<vmem>>
      %dma_start3A_761 = tpu.memref_squeeze %dma_start3A_760 : memref<1x72xi32, #tpu.memory_space<vmem>> -> memref<72xi32, #tpu.memory_space<vmem>>
      %dma_start3A_762 = arith.constant 0 : i32
      %dma_start3A_763 = arith.constant 0 : i32
      %dma_start3A_764 = tpu.memref_slice %arg5[%arg0, %dma_start3A_762, %dma_start3A_763] : memref<2x1000000x64xf32, #tpu.memory_space<hbm>> -> memref<1x1000000x64xf32, #tpu.memory_space<hbm>>
      %dma_start3A_765 = tpu.memref_squeeze %dma_start3A_764 : memref<1x1000000x64xf32, #tpu.memory_space<hbm>> -> memref<1000000x64xf32, #tpu.memory_space<hbm>>
      %dma_start3A_766 = arith.constant 0 : i32
      %dma_start3A_767 = arith.constant 0 : i32
      %dma_start3A_768 = tpu.memref_slice %dma_start3A_765[%dma_start3A_766, %dma_start3A_767] : memref<1000000x64xf32, #tpu.memory_space<hbm>> -> memref<1000000x64xf32, #tpu.memory_space<hbm>>
      tpu.enqueue_indirect_dma source(%dma_start3A_768 : memref<1000000x64xf32, #tpu.memory_space<hbm>>) target(%dma_start3A_758 : memref<72x64xf32, #tpu.memory_space<vmem>>) offsets(%dma_start3A_761 : memref<72xi32, #tpu.memory_space<vmem>>) semaphore(%arg13 : memref<!tpu.dma_semaphore, #tpu.memory_space<semaphore_mem>>)
      %dma_wait3A_769 = arith.constant 1 : i32
      %dma_wait3A_770 = arith.constant 0 : i32
      %dma_wait3A_771 = arith.constant 0 : i32
      %dma_wait3A_772 = tpu.memref_slice %arg8[%dma_wait3A_769, %dma_wait3A_770, %dma_wait3A_771] : memref<2x200x64xf32, #tpu.memory_space<vmem>> -> memref<1x200x64xf32, #tpu.memory_space<vmem>>
      %dma_wait3A_773 = tpu.memref_squeeze %dma_wait3A_772 : memref<1x200x64xf32, #tpu.memory_space<vmem>> -> memref<200x64xf32, #tpu.memory_space<vmem>>
      %dma_wait3A_774 = arith.constant 0 : i32
      %dma_wait3A_775 = arith.constant 0 : i32
      %dma_wait3A_776 = tpu.memref_slice %dma_wait3A_773[%dma_wait3A_774, %dma_wait3A_775] : memref<200x64xf32, #tpu.memory_space<vmem>> -> memref<128x64xf32, #tpu.memory_space<vmem>>
      %dma_wait3A_777 = arith.constant 0 : i32
      %dma_wait3A_778 = tpu.memref_slice %arg7[%add3A_708, %dma_wait3A_777] : memref<32x200xi32, #tpu.memory_space<vmem>> -> memref<1x128xi32, #tpu.memory_space<vmem>>
      %dma_wait3A_779 = tpu.memref_squeeze %dma_wait3A_778 : memref<1x128xi32, #tpu.memory_space<vmem>> -> memref<128xi32, #tpu.memory_space<vmem>>
      %dma_wait3A_780 = arith.constant 0 : i32
      %dma_wait3A_781 = arith.constant 0 : i32
      %dma_wait3A_782 = tpu.memref_slice %arg5[%arg0, %dma_wait3A_780, %dma_wait3A_781] : memref<2x1000000x64xf32, #tpu.memory_space<hbm>> -> memref<1x1000000x64xf32, #tpu.memory_space<hbm>>
      %dma_wait3A_783 = tpu.memref_squeeze %dma_wait3A_782 : memref<1x1000000x64xf32, #tpu.memory_space<hbm>> -> memref<1000000x64xf32, #tpu.memory_space<hbm>>
      %dma_wait3A_784 = arith.constant 0 : i32
      %dma_wait3A_785 = arith.constant 0 : i32
      %dma_wait3A_786 = tpu.memref_slice %dma_wait3A_783[%dma_wait3A_784, %dma_wait3A_785] : memref<1000000x64xf32, #tpu.memory_space<hbm>> -> memref<1000000x64xf32, #tpu.memory_space<hbm>>
      tpu.wait_indirect_dma semaphore(%arg13 : memref<!tpu.dma_semaphore, #tpu.memory_space<semaphore_mem>>) src(%dma_wait3A_786 : memref<1000000x64xf32, #tpu.memory_space<hbm>>) dst(%dma_wait3A_776 : memref<128x64xf32, #tpu.memory_space<vmem>>)
      %dma_wait3A_787 = arith.constant 1 : i32
      %dma_wait3A_788 = arith.constant 0 : i32
      %dma_wait3A_789 = arith.constant 0 : i32
      %dma_wait3A_790 = tpu.memref_slice %arg8[%dma_wait3A_787, %dma_wait3A_788, %dma_wait3A_789] : memref<2x200x64xf32, #tpu.memory_space<vmem>> -> memref<1x200x64xf32, #tpu.memory_space<vmem>>
      %dma_wait3A_791 = tpu.memref_squeeze %dma_wait3A_790 : memref<1x200x64xf32, #tpu.memory_space<vmem>> -> memref<200x64xf32, #tpu.memory_space<vmem>>
      %dma_wait3A_792 = arith.constant 128 : i32
      %dma_wait3A_793 = arith.constant 0 : i32
      %dma_wait3A_794 = tpu.memref_slice %dma_wait3A_791[%dma_wait3A_792, %dma_wait3A_793] : memref<200x64xf32, #tpu.memory_space<vmem>> -> memref<72x64xf32, #tpu.memory_space<vmem>>
      %dma_wait3A_795 = arith.constant 128 : i32
      %dma_wait3A_796 = tpu.memref_slice %arg7[%add3A_708, %dma_wait3A_795] : memref<32x200xi32, #tpu.memory_space<vmem>> -> memref<1x72xi32, #tpu.memory_space<vmem>>
      %dma_wait3A_797 = tpu.memref_squeeze %dma_wait3A_796 : memref<1x72xi32, #tpu.memory_space<vmem>> -> memref<72xi32, #tpu.memory_space<vmem>>
      %dma_wait3A_798 = arith.constant 0 : i32
      %dma_wait3A_799 = arith.constant 0 : i32
      %dma_wait3A_800 = tpu.memref_slice %arg5[%arg0, %dma_wait3A_798, %dma_wait3A_799] : memref<2x1000000x64xf32, #tpu.memory_space<hbm>> -> memref<1x1000000x64xf32, #tpu.memory_space<hbm>>
      %dma_wait3A_801 = tpu.memref_squeeze %dma_wait3A_800 : memref<1x1000000x64xf32, #tpu.memory_space<hbm>> -> memref<1000000x64xf32, #tpu.memory_space<hbm>>
      %dma_wait3A_802 = arith.constant 0 : i32
      %dma_wait3A_803 = arith.constant 0 : i32
      %dma_wait3A_804 = tpu.memref_slice %dma_wait3A_801[%dma_wait3A_802, %dma_wait3A_803] : memref<1000000x64xf32, #tpu.memory_space<hbm>> -> memref<1000000x64xf32, #tpu.memory_space<hbm>>
      tpu.wait_indirect_dma semaphore(%arg13 : memref<!tpu.dma_semaphore, #tpu.memory_space<semaphore_mem>>) src(%dma_wait3A_804 : memref<1000000x64xf32, #tpu.memory_space<hbm>>) dst(%dma_wait3A_794 : memref<72x64xf32, #tpu.memory_space<vmem>>)
      %dma_start3A_805 = arith.constant 1 : i32
      %dma_start3A_806 = arith.constant 0 : i32
      %dma_start3A_807 = arith.constant 0 : i32
      %dma_start3A_808 = tpu.memref_slice %arg8[%dma_start3A_805, %dma_start3A_806, %dma_start3A_807] : memref<2x200x64xf32, #tpu.memory_space<vmem>> -> memref<1x200x64xf32, #tpu.memory_space<vmem>>
      %dma_start3A_809 = tpu.memref_squeeze %dma_start3A_808 : memref<1x200x64xf32, #tpu.memory_space<vmem>> -> memref<200x64xf32, #tpu.memory_space<vmem>>
      %dma_start3A_810 = arith.constant 0 : i32
      %dma_start3A_811 = arith.constant 0 : i32
      %dma_start3A_812 = tpu.memref_slice %arg4[%add3A_715, %dma_start3A_810, %dma_start3A_811] : memref<4096x200x64xf32, #tpu.memory_space<hbm>> -> memref<1x200x64xf32, #tpu.memory_space<hbm>>
      %dma_start3A_813 = tpu.memref_squeeze %dma_start3A_812 : memref<1x200x64xf32, #tpu.memory_space<hbm>> -> memref<200x64xf32, #tpu.memory_space<hbm>>
      %dma_start3A_814 = arith.constant 0 : i32
      %dma_start3A_815 = arith.constant 0 : i32
      %dma_start3A_816 = tpu.memref_slice %arg4[%add3A_715, %dma_start3A_814, %dma_start3A_815] : memref<4096x200x64xf32, #tpu.memory_space<hbm>> -> memref<1x200x64xf32, #tpu.memory_space<hbm>>
      %dma_start3A_817 = tpu.memref_squeeze %dma_start3A_816 : memref<1x200x64xf32, #tpu.memory_space<hbm>> -> memref<200x64xf32, #tpu.memory_space<hbm>>
      %dma_start3A_818 = arith.constant 0 : i32
      %dma_start3A_819 = arith.constant 0 : i32
      %dma_start3A_820 = tpu.memref_slice %arg8[%dma_start3A_805, %dma_start3A_818, %dma_start3A_819] : memref<2x200x64xf32, #tpu.memory_space<vmem>> -> memref<1x200x64xf32, #tpu.memory_space<vmem>>
      %dma_start3A_821 = tpu.memref_squeeze %dma_start3A_820 : memref<1x200x64xf32, #tpu.memory_space<vmem>> -> memref<200x64xf32, #tpu.memory_space<vmem>>
      tpu.enqueue_dma source(%dma_start3A_821 : memref<200x64xf32, #tpu.memory_space<vmem>>) target(%dma_start3A_817 : memref<200x64xf32, #tpu.memory_space<hbm>>) target_semaphore(%arg15 : memref<!tpu.dma_semaphore, #tpu.memory_space<semaphore_mem>>)
    }
    %scan3A_549 = arith.constant 16 : i32
    %add3A_550 = arith.constant 128 : i32
    %add3A_551 = arith.addi %mul3A_2, %add3A_550 : i32
    %sub3A = arith.constant 2 : i32
    %sub3A_552 = arith.subi %add3A_551, %sub3A : i32
    %dma_wait3A_553 = arith.constant 0 : i32
    %dma_wait3A_554 = arith.constant 0 : i32
    %dma_wait3A_555 = arith.constant 0 : i32
    %dma_wait3A_556 = tpu.memref_slice %arg8[%dma_wait3A_553, %dma_wait3A_554, %dma_wait3A_555] : memref<2x200x64xf32, #tpu.memory_space<vmem>> -> memref<1x200x64xf32, #tpu.memory_space<vmem>>
    %dma_wait3A_557 = tpu.memref_squeeze %dma_wait3A_556 : memref<1x200x64xf32, #tpu.memory_space<vmem>> -> memref<200x64xf32, #tpu.memory_space<vmem>>
    %dma_wait3A_558 = arith.constant 0 : i32
    %dma_wait3A_559 = arith.constant 0 : i32
    %dma_wait3A_560 = tpu.memref_slice %arg4[%sub3A_552, %dma_wait3A_558, %dma_wait3A_559] : memref<4096x200x64xf32, #tpu.memory_space<hbm>> -> memref<1x200x64xf32, #tpu.memory_space<hbm>>
    %dma_wait3A_561 = tpu.memref_squeeze %dma_wait3A_560 : memref<1x200x64xf32, #tpu.memory_space<hbm>> -> memref<200x64xf32, #tpu.memory_space<hbm>>
    %dma_wait3A_562 = arith.constant 0 : i32
    %dma_wait3A_563 = arith.constant 0 : i32
    %dma_wait3A_564 = tpu.memref_slice %arg4[%sub3A_552, %dma_wait3A_562, %dma_wait3A_563] : memref<4096x200x64xf32, #tpu.memory_space<hbm>> -> memref<1x200x64xf32, #tpu.memory_space<hbm>>
    %dma_wait3A_565 = tpu.memref_squeeze %dma_wait3A_564 : memref<1x200x64xf32, #tpu.memory_space<hbm>> -> memref<200x64xf32, #tpu.memory_space<hbm>>
    %dma_wait3A_566 = arith.constant 0 : i32
    %dma_wait3A_567 = arith.constant 0 : i32
    %dma_wait3A_568 = tpu.memref_slice %arg8[%dma_wait3A_553, %dma_wait3A_566, %dma_wait3A_567] : memref<2x200x64xf32, #tpu.memory_space<vmem>> -> memref<1x200x64xf32, #tpu.memory_space<vmem>>
    %dma_wait3A_569 = tpu.memref_squeeze %dma_wait3A_568 : memref<1x200x64xf32, #tpu.memory_space<vmem>> -> memref<200x64xf32, #tpu.memory_space<vmem>>
    tpu.wait_dma2 semaphore(%arg14 : memref<!tpu.dma_semaphore, #tpu.memory_space<semaphore_mem>>) src(%dma_wait3A_569 : memref<200x64xf32, #tpu.memory_space<vmem>>) dst(%dma_wait3A_565 : memref<200x64xf32, #tpu.memory_space<hbm>>)
    %add3A_570 = arith.constant 128 : i32
    %add3A_571 = arith.addi %mul3A_2, %add3A_570 : i32
    %sub3A_572 = arith.constant 1 : i32
    %sub3A_573 = arith.subi %add3A_571, %sub3A_572 : i32
    %dma_wait3A_574 = arith.constant 1 : i32
    %dma_wait3A_575 = arith.constant 0 : i32
    %dma_wait3A_576 = arith.constant 0 : i32
    %dma_wait3A_577 = tpu.memref_slice %arg8[%dma_wait3A_574, %dma_wait3A_575, %dma_wait3A_576] : memref<2x200x64xf32, #tpu.memory_space<vmem>> -> memref<1x200x64xf32, #tpu.memory_space<vmem>>
    %dma_wait3A_578 = tpu.memref_squeeze %dma_wait3A_577 : memref<1x200x64xf32, #tpu.memory_space<vmem>> -> memref<200x64xf32, #tpu.memory_space<vmem>>
    %dma_wait3A_579 = arith.constant 0 : i32
    %dma_wait3A_580 = arith.constant 0 : i32
    %dma_wait3A_581 = tpu.memref_slice %arg4[%sub3A_573, %dma_wait3A_579, %dma_wait3A_580] : memref<4096x200x64xf32, #tpu.memory_space<hbm>> -> memref<1x200x64xf32, #tpu.memory_space<hbm>>
    %dma_wait3A_582 = tpu.memref_squeeze %dma_wait3A_581 : memref<1x200x64xf32, #tpu.memory_space<hbm>> -> memref<200x64xf32, #tpu.memory_space<hbm>>
    %dma_wait3A_583 = arith.constant 0 : i32
    %dma_wait3A_584 = arith.constant 0 : i32
    %dma_wait3A_585 = tpu.memref_slice %arg4[%sub3A_573, %dma_wait3A_583, %dma_wait3A_584] : memref<4096x200x64xf32, #tpu.memory_space<hbm>> -> memref<1x200x64xf32, #tpu.memory_space<hbm>>
    %dma_wait3A_586 = tpu.memref_squeeze %dma_wait3A_585 : memref<1x200x64xf32, #tpu.memory_space<hbm>> -> memref<200x64xf32, #tpu.memory_space<hbm>>
    %dma_wait3A_587 = arith.constant 0 : i32
    %dma_wait3A_588 = arith.constant 0 : i32
    %dma_wait3A_589 = tpu.memref_slice %arg8[%dma_wait3A_574, %dma_wait3A_587, %dma_wait3A_588] : memref<2x200x64xf32, #tpu.memory_space<vmem>> -> memref<1x200x64xf32, #tpu.memory_space<vmem>>
    %dma_wait3A_590 = tpu.memref_squeeze %dma_wait3A_589 : memref<1x200x64xf32, #tpu.memory_space<vmem>> -> memref<200x64xf32, #tpu.memory_space<vmem>>
    tpu.wait_dma2 semaphore(%arg15 : memref<!tpu.dma_semaphore, #tpu.memory_space<semaphore_mem>>) src(%dma_wait3A_590 : memref<200x64xf32, #tpu.memory_space<vmem>>) dst(%dma_wait3A_586 : memref<200x64xf32, #tpu.memory_space<hbm>>)
    return
  }
}

</mosaic_0001>

<sc_bundles>
// kernel: kernel.3.cloned.1.call-start
scs
__scs_entry_jumppad:
0x0: {  	(pc) =	sbr.rel $0x88, $3  }
0x1: {  	(tag) =	ssettag $0x0;
	lr =	simm.s32 $0x1  }
0x2: {  	[smem:$0x3F9F] =	sst lr;
	_ =	strace $0xD0000000  }
0x3: {  	_ = 	snop  }
0x4: {  	_ = 	snop  }
0x5: {  	_ = 	snop  }
0x6: {  	_ = 	snop  }
0x7: {  	_ = 	snop  }
__scs_overlays_trampoline_lowered:
0x8: {  	[smem:$0x3FAE] =	sst s0  }
0x9: {  	[smem:$0x3FAF] =	sst s1  }
0xa: {  	[smem:$0x3FB0] =	sst s2  }
0xb: {  	[smem:$0x3FB1] =	sst s3  }
0xc: {  	[smem:$0x3FB2] =	sst s4  }
0xd: {  	[smem:$0x3FB3] =	sst s5  }
0xe: {  	[smem:$0x3FB4] =	sst s6  }
0xf: {  	[smem:$0x3FB5] =	sst s7  }
0x10: {  	[smem:$0x3FB6] =	sst s8  }
0x11: {  	[smem:$0x3FB7] =	sst s9;
	s0 =	simm.s32 @!p0 $0x0  }
0x12: {  	s1 =	sld [smem:$0x3F9D];
	s0 =	simm.s32 @p0 $0x1  }
0x13: {  	[smem:$0x3FB8] =	sst s0;
	s0 =	simm.s32 @!p1 $0x0  }
0x14: {  	s2 =	sld [smem:$0x3F9C];
	s0 =	simm.s32 @p1 $0x1  }
0x15: {  	[smem:$0x3FB9] =	sst s0;
	s0 =	simm.s32 @!p2 $0x0  }
0x16: {  	s3 =	sld [smem:$0x3FDB];
	s0 =	simm.s32 @p2 $0x1  }
0x17: {  	s4 =	simm.s32 $0x1BF5;
	[smem:$0x3FBB] =	sst s0  }
0x18: {  	s0 =	sld [smem:$0x3F9E];
	_ =	swait.ge [sflag:s4], $0x0  }
0x19: {  	s7 =	sld [smem:$0x3F9F]  }
0x1a: {  	s8 =	sadd.s32 $0xFFFFE003, lr  }
0x1b: {  	s9 =	sadd.s32 $0xFFFFFEF7, lr;
	s5 =	simm.s32 $0xFFFFFFFF;
	p2 =	slt.u32 s8, $0xFFFFF086  }
0x1c: {  	p1 =	slt.u32 s9, $0xF7A;
	s5 =	simm.s32 @!p2 $0x0  }
0x1d: {  	s5 =	simm.s32 @p1 $0x1;
	p0 =	seq.s32 s7, s2  }
0x1e: {  	s7 =	smul.u32 @!p0 $0xF7A, s2;
	p2 =	seq.s32 @!p0 s5, $0x0  }
0x1f: {  	s9 =	smul.u32 $0xF7A, s1;
	s8 =	simm.s32 @!p0 $0x1BF5;
	p2 =	por !p2, p0  }
0x20: {  	[sflag:s8] =	ssyncset.s32 @!p0 $0xFFFFF086;
	s6 =	sadd.s32 @!p0 s3, s7;
	s7 =	simm.s32 @!p0 $0x108  }
0x21: {  	s3 =	sadd.s32 s3, s9;
	s6 =	sadd.s32 @!p0 $0x88, s6;
	s7 =	simm.s32 @p2 $0x1082  }
0x22: {  	[simem:s7], [sflag:s8] =	dma.local @!p0 [hbm:s6], $0xF7A  }
0x23: {  	s9 =	sor.u32 $0xD0000000, s2;
	s6 =	simm.s32 $0x108;
	_ =	swait.ge @!p0 [sflag:s8], $0x0  }
0x24: {  	s3 =	sadd.s32 $0x88, s3;
	s6 =	simm.s32 @!p1 $0x1082;
	[sflag:s4] =	ssyncset.s32 $0xFFFFF086  }
0x25: {  	[simem:s6], [sflag:s4] =	dma.local [hbm:s3], $0xF7A  }
0x26: {  	[smem:$0x3F9F] =	sst s1;
	(tag) =	ssettag s2;
	_ =	strace s9  }
0x27: {  	s1 =	sld [smem:$0x3FAF]  }
0x28: {  	s2 =	sld [smem:$0x3FB0]  }
0x29: {  	s4 =	sld [smem:$0x3FB2]  }
0x2a: {  	p0 =	seq.s32 s5, $0x0;
	s5 =	sld [smem:$0x3FB3]  }
0x2b: {  	s6 =	sld [smem:$0x3FB4]  }
0x2c: {  	s7 =	sld [smem:$0x3FB5]  }
0x2d: {  	s3 =	simm.s32 $0x108;
	s8 =	sld [smem:$0x3FB6]  }
0x2e: {  	s3 =	simm.s32 @!p0 $0x1082;
	s9 =	sld [smem:$0x3FB7]  }
0x2f: {  	lr =	sadd.s32 s0, s3;
	s0 =	sld [smem:$0x3FAE]  }
0x30: {  	s3 =	sld [smem:$0x3FB1]  }
0x31: {  	[smem:$0x3FBA] =	sst s10  }
0x32: {  	s10 =	sld [smem:$0x3FB8];
	_ =	sdelay $0x3  }
0x33: {  	p0 =	seq.s32 s10, $0x1;
	s10 =	sld [smem:$0x3FBA];
	_ =	sdelay $0x3  }
0x34: {  	[smem:$0x3FBA] =	sst s10  }
0x35: {  	s10 =	sld [smem:$0x3FB9];
	_ =	sdelay $0x3  }
0x36: {  	p1 =	seq.s32 s10, $0x1;
	s10 =	sld [smem:$0x3FBA];
	_ =	sdelay $0x3  }
0x37: {  	[smem:$0x3FBA] =	sst s10  }
0x38: {  	s10 =	sld [smem:$0x3FBB]  }
0x39: {  	_ = 	snop;
	(pc) =	sbr.ind lr, $3  }
0x3a: {  	_ = 	snop  }
0x3b: {  	_ = 	snop  }
0x3c: {  	p2 =	seq.s32 s10, $0x1;
	s10 =	sld [smem:$0x3FBA]  }
0x3d: {  	_ =	shalt  }
0x3e: {  	_ =	shalt  }
0x3f: {  	_ =	shalt  }
0x40: {  	_ =	shalt  }
0x41: {  	_ =	shalt  }
0x42: {  	_ =	shalt  }
0x43: {  	_ =	shalt  }
0x44: {  	_ =	shalt  }
0x45: {  	_ =	shalt  }
0x46: {  	_ =	shalt  }
0x47: {  	_ =	shalt  }
0x48: {  	_ =	shalt  }
0x49: {  	_ =	shalt  }
0x4a: {  	_ =	shalt  }
0x4b: {  	_ =	shalt  }
0x4c: {  	_ =	shalt  }
0x4d: {  	_ =	shalt  }
0x4e: {  	_ =	shalt  }
0x4f: {  	_ =	shalt  }
0x50: {  	_ =	shalt  }
0x51: {  	_ =	shalt  }
0x52: {  	_ =	shalt  }
0x53: {  	_ =	shalt  }
0x54: {  	_ =	shalt  }
0x55: {  	_ =	shalt  }
0x56: {  	_ =	shalt  }
0x57: {  	_ =	shalt  }
0x58: {  	_ =	shalt  }
0x59: {  	_ =	shalt  }
0x5a: {  	_ =	shalt  }
0x5b: {  	_ =	shalt  }
0x5c: {  	_ =	shalt  }
0x5d: {  	_ =	shalt  }
0x5e: {  	_ =	shalt  }
0x5f: {  	_ =	shalt  }
0x60: {  	_ =	shalt  }
0x61: {  	_ =	shalt  }
0x62: {  	_ =	shalt  }
0x63: {  	_ =	shalt  }
0x64: {  	_ =	shalt  }
0x65: {  	_ =	shalt  }
0x66: {  	_ =	shalt  }
0x67: {  	_ =	shalt  }
0x68: {  	_ =	shalt  }
0x69: {  	_ =	shalt  }
0x6a: {  	_ =	shalt  }
0x6b: {  	_ =	shalt  }
0x6c: {  	_ =	shalt  }
0x6d: {  	_ =	shalt  }
0x6e: {  	_ =	shalt  }
0x6f: {  	_ =	shalt  }
0x70: {  	_ =	shalt  }
0x71: {  	_ =	shalt  }
0x72: {  	_ =	shalt  }
0x73: {  	_ =	shalt  }
0x74: {  	_ =	shalt  }
0x75: {  	_ =	shalt  }
0x76: {  	_ =	shalt  }
0x77: {  	_ =	shalt  }
0x78: {  	_ =	shalt  }
0x79: {  	_ =	shalt  }
0x7a: {  	_ =	shalt  }
0x7b: {  	_ =	shalt  }
0x7c: {  	_ =	shalt  }
0x7d: {  	_ =	shalt  }
0x7e: {  	_ =	shalt  }
0x7f: {  	_ =	shalt  }
0x80: {  	_ =	shalt  }
0x81: {  	_ =	shalt  }
0x82: {  	_ =	shalt  }
0x83: {  	_ =	shalt  }
0x84: {  	_ =	shalt  }
0x85: {  	_ =	shalt  }
0x86: {  	_ =	shalt  }
0x87: {  	_ =	shalt  }
.Lfunc_end0:
.L_simem_size_0:
called_computation_lowered:
.L_overlay_start_0:
0x88: {  	s2 =	sld [smem:$0x3FD9]  }
0x89: {  	s3 =	sld [smem:$0x3FFE];
	_ =	sdelay $0x1  }
0x8a: {  	s1 =	srdreg.scid  }
0x8b: {  	s0 =	sand.u32 $0x1, s1  }
0x8c: {  	s18 =	sshll.u32 s0, $0xA;
	s2 =	sadd.s32 s3, s2  }
0x8d: {  	s3 =	sadd.s32 s2, s18  }
0x8e: {  	[smem:$0x3FC6] =	sst s3  }
0x8f: {  	_ = 	snop  }
0x90: {  	s3 =	sld [smem:$0x3FD0];
	(tm) =	ssettm $0x1  }
0x91: {  	s4 =	sld [smem:$0x3FFB];
	_ =	sdelay $0x3  }
0x92: {  	_ =	strace s4  }
0x93: {  	s4 =	sld [smem:$0x3FFC];
	_ =	sdelay $0x3  }
0x94: {  	_ =	strace s4  }
0x95: {  	s4 =	sld [smem:$0x3FFD];
	_ =	sdelay $0x3  }
0x96: {  	_ =	strace s4  }
0x97: {  	_ =	strace $0x8FFFFFFF  }
0x98: {  	s19 =	sld [smem:$0x3FDB];
	_ =	sdelay $0x1  }
0x99: {  	s5 =	simm.s32 $_scs_section_size  }
0x9a: {  	s6 =	simm.s32 $_size__tile_overlayer_lowered;
	s7 =	simm.s32 $_tile_overlayer_lowered  }
0x9b: {  	s22 =	simm.s32 $0x1BFF;
	s21 =	sshll.u32 s7, $0x1;
	s4 =	sadd.s32 s5, s19  }
0x9c: {  	s8 =	simm.s32 $0x0;
	s20 =	sshll.u32 s6, $0x1;
	s6 =	sadd.s32 s21, s4  }
0x9d: {  	[timem:s8], [sflag:s22] =	dma.local [hbm:s6], s20  }
0x9e: {  	_ =	swait.ge [sflag:s22], s20  }
0x9f: {  	s5 =	ssub.s32 $0x0, s20;
	[sflag:s22] =	ssyncset.done $0x0  }
0xa0: {  	[sflag:s22] =	ssyncadd.s32 s5;
	_ =	sdelay $0x1  }
0xa1: {  	s23 =	simm.s32 $0x1B8B  }
0xa2: {  	_ =	swait.ge [sflag:s23], $0x1  }
0xa3: {  	[sflag:s23] =	ssyncset.done $0x0  }
0xa4: {  	s25 =	simm.s32 $0x1B8E;
	s24 =	sld [smem:$0x3FFE];
	[sflag:s23] =	ssyncadd.s32 $0xFFFFFFFF  }
0xa5: {  	s26 =	simm.s32 $execute0_lowered;
	[smem:$0x3FD2] =	sst s25  }
0xa6: {  	s6 =	sshll.u32 s26, $0x1;
	_ =	strace $0x80000046;
	[dreg:$0x1] =	wrdreg $0xFFFFFFFF  }
0xa7: {  	s28 =	simm.s32 $_size_execute0_lowered;
	s4 =	sadd.s32 s4, s6;
	[dreg:$0x0] =	wrdreg $0x0  }
0xa8: {  	s6 =	sshll.u32 s28, $0x1;
	[dreg:$0x2] =	wrdreg s4  }
0xa9: {  	[dreg:$0x3] =	wrdreg s6  }
0xaa: {  	[dreg:$0x4] =	wrdreg $0xC0  }
0xab: {  	_ =	task [dreg:s8], $0x5FFFF  }
0xac: {  	[dreg:$0x1] =	wrdreg $0xFFFFFFFF  }
0xad: {  	[dreg:$0x0] =	wrdreg $0x60  }
0xae: {  	[dreg:$0x2] =	wrdreg s3  }
0xaf: {  	s2 =	sadd.s32 $0x800, s2;
	[dreg:$0x3] =	wrdreg s24  }
0xb0: {  	[dreg:$0x4] =	wrdreg s2  }
0xb1: {  	[dreg:$0x5] =	wrdreg $0x9  }
0xb2: {  	_ =	task.clear_ibuf [dreg:s8], $0x6FFFF;
	_ =	strace $0x90000046  }
0xb3: {  	s29 =	simm.s32 $0x9;
	_ =	strace $0x80000048  }
0xb4: {  	_ =	swait.ge [sflag:s29], $0x1  }
0xb5: {  	[sflag:s29] =	ssyncadd.s32 $0xFFFFFFFF  }
0xb6: {  	_ =	strace $0x90000048  }
0xb7: {  	_ =	sfence  }
0xb8: {  	s30 =	sld [smem:$0x0];
	_ =	sdelay $0x2  }
0xb9: {  	s31 =	sshll.u32 s1, $0xD;
	s1 =	sshrl.u32 s1, $0x2  }
0xba: {  	s3 =	sand.u32 $0x4000, s31;
	s1 =	sadd.s32 s1, s30  }
0xbb: {  	s0 =	sor.u32 s3, s0;
	s1 =	sshll.u32 s1, $0x11  }
0xbc: {  	s0 =	sor.u32 s1, s0  }
0xbd: {  	s0 =	sadd.s32 $0x8F2B, s0  }
0xbe: {  	[sflag:s0] =	ssyncadd.remote.s32 $0x1  }
0xbf: {  	_ =	sfence.sel $0xFFFF  }
0xc0: {  	[dreg:$0x0] =	wrdreg $0xFFFFFFFF;
	(pc) =	sbr.abs _section_cstart, $3  }
0xc1: {  	[dreg:$0x1] =	wrdreg $0xFFFFFFFF  }
0xc2: {  	_ =	task.clear_ibuf [dreg:s8], $0x2FFFF;
	_ =	strace $0x9FFFFFFF  }
0xc3: {  	(tm) =	ssettm $0x7FFFFFFF  }
tec
execute0_lowered:
.L_overlay_start_1:
0x0: {  	(tag) =	ssettag $0x1  }
0x1: {  	s0 =	rddreg [dreg:$0x0]  }
0x2: {  	s3 =	rddreg [dreg:$0x1]  }
0x3: {  	s5 =	rddreg [dreg:$0x2];
	s1 =	simm.s32 $0x0  }
0x4: {  	s2 =	srdreg.scid;
	s8 =	stileid.u32;
	s28 =	simm.s32 $0x3  }
0x5: {  	s29 =	simm.s32 $0x2;
	s30 =	simm.s32 $0x4;
	s31 =	simm.s32 $0x10000  }
0x6: {  	[smem:$0x7FF] =	sst s1;
	s6 =	sand.u32 $0x1, s2;
	s7 =	sadd.s32 $0x400, s3  }
0x7: {  	s9 =	sadd.s32 $0xF42800, s3;
	s21 =	sshll.u32 s8, $0xC;
	s22 =	sshll.u32 s8, $0x8  }
0x8: {  	s24 =	sadd.s32 $0xF40400, s3;
	s18 =	smul.u32 $0xC8000, s8;
	p0 =	sne.s32 s8, $0x0  }
0x9: {  	s8 =	simm.s32 $0x48;
	_ =	strace $0x80000047;
	s2 =	ssub.s32 $0x2, s6  }
0xa: {  	s11 =	sshll.u32 s6, $0x7;
	s12 =	sor.u32 $0x10000, s21;
	s14 =	smul.u32 $0xF42400, s6  }
0xb: {  	s13 =	sor.u32 $0xF30000, s21;
	[dreg:$0x4] =	wrdreg s21;
	s15 =	sor.u32 $0xF20000, s21  }
0xc: {  	[dreg:$0x9] =	wrdreg s24;
	s20 =	smul.u32 $0x64000, s6;
	s6 =	simm.s32 $0x12000  }
0xd: {  	s4 =	sshrl.u32 s2, $0x1;
	s11 =	sor.u32 s11, s22;
	[dreg:$0x5] =	wrdreg s12  }
0xe: {  	s12 =	sadd.s32 s7, s12;
	[dreg:$0x8] =	wrdreg s13;
	s26 =	sadd.s32 s7, s13  }
0xf: {  	s13 =	sadd.s32 $0xF42400, s3;
	s10 =	ssub.s32 s2, s4;
	[dreg:$0x6] =	wrdreg s12  }
0x10: {  	s4 =	sadd.s32 s7, s21;
	s25 =	smul.u32 $0xC80, s11;
	[dreg:$0xa] =	wrdreg s26  }
0x11: {  	s7 =	sadd.s32 $0xF41400, s3;
	[dreg:$0xc] =	wrdreg s13;
	s16 =	sshll.u32 s11, $0x5  }
0x12: {  	s11 =	simm.s32 $0x18400;
	s23 =	sadd.s32 $0x20000, s4;
	[dreg:$0xb] =	wrdreg s7  }
0x13: {  	s13 =	sadd.s32 s0, s16;
	[dreg:$0x7] =	wrdreg s23;
	s17 =	sadd.s32 s9, s25  }
0x14: {  	s3 =	simm.s32 $0x7;
	s21 =	sadd.s32 $0x400, s13;
	[dreg:$0xd] =	wrdreg s17  }
0x15: {  	s16 =	simm.s32 $0x0;
	s22 =	sadd.s32 $0x800, s13;
	[dreg:$0xf] =	wrdreg s21  }
0x16: {  	s23 =	sadd.s32 s18, s9;
	s24 =	sadd.s32 $0xC00, s13;
	[dreg:$0x10] =	wrdreg s22  }
0x17: {  	s25 =	smax.u32 s10, $0x1;
	s9 =	simm.s32 $0x16000;
	[dreg:$0x11] =	wrdreg s24  }
0x18: {  	s10 =	simm.s32 $0x5;
	s19 =	sadd.s32 $0xC80, s17;
	[dreg:$0x12] =	wrdreg s25  }
0x19: {  	s0 =	sadd.s32 s20, s23;
	s21 =	sadd.s32 s14, s5;
	s24 =	simm.s32 $0x8000  }
0x1a: {  	s5 =	simm.s32 $0x80;
	s14 =	simm.s32 $0x1C400;
	[dreg:$0xe] =	wrdreg s19  }
0x1b: {  	s19 =	sadd.s32 $0x1900, s0;
	s25 =	sadd.s32 $0x19C80, s0;
	s22 =	sadd.s32 $0x32C80, s0  }
0x1c: {  	s23 =	sadd.s32 $0x4BC80, s0;
	s26 =	sadd.s32 s21, s15;
	s0 =	simm.s32 $0x8  }
0x1d: {  	s15 =	simm.s32 $0x6;
	[dreg:$0x13] =	wrdreg s26;
	s26 =	simm.s32 $0x1  }
.LBB2_1:
0x1e: {  	[tilespmem:s1], [sflag:$0x1] =	stream.linear.gather [hbm4b:s4+s1], $0x8000, $0x38;
	[tilespmem:$0x1E800] =	vst v63  }
0x1f: {  	s2 =	rddreg [dreg:$0x6]  }
0x20: {  	[tilespmem:s24], [sflag:$0x2] =	stream.linear.gather [hbm4b:s2+s1], $0x8000, $0x38;
	[tilespmem:$0x1E800] =	vst v63  }
0x21: {  	_ =	swait.ge [sflag:s26], $0x8000  }
0x22: {  	[sflag:s26] =	ssyncset.done $0x0;
	s17 =	rddreg [dreg:$0x4]  }
0x23: {  	[sflag:s26] =	ssyncadd.s32 $0xFFFF8000;
	s17 =	sadd.s32 s17, s21  }
0x24: {  	[hbm4b:s17+s1] =	stream.linear.scatter [tilespmem:s1], [sflag:$0x3], $0x8000, $0x38;
	[tilespmem:$0x1E800] =	vst v63  }
0x25: {  	_ =	swait.ge [sflag:s28], $0x8000  }
0x26: {  	[sflag:s28] =	ssyncset.done $0x0  }
0x27: {  	s18 =	rddreg [dreg:$0x7];
	[sflag:s28] =	ssyncadd.s32 $0xFFFF8000  }
0x28: {  	[tilespmem:s1], [sflag:$0x1] =	stream.linear.gather [hbm4b:s18+s1], $0x8000, $0x38;
	[tilespmem:$0x1E800] =	vst v63  }
0x29: {  	_ =	swait.ge [sflag:s29], $0x8000  }
0x2a: {  	[sflag:s29] =	ssyncset.done $0x0;
	s20 =	rddreg [dreg:$0x5]  }
0x2b: {  	[sflag:s29] =	ssyncadd.s32 $0xFFFF8000;
	s7 =	sadd.s32 s20, s21  }
0x2c: {  	[hbm4b:s7+s1] =	stream.linear.scatter [tilespmem:s24], [sflag:$0x4], $0x8000, $0x38;
	[tilespmem:$0x1E800] =	vst v63  }
0x2d: {  	_ =	swait.ge [sflag:s30], $0x8000  }
0x2e: {  	s2 =	sadd.s32 $0xFF100000, s4;
	[sflag:s30] =	ssyncset.done $0x0  }
0x2f: {  	s18 =	sadd.s32 $0xF30000, s2;
	[sflag:s30] =	ssyncadd.s32 $0xFFFF8000  }
0x30: {  	[tilespmem:s24], [sflag:$0x2] =	stream.linear.gather [hbm4b:s18+s1], $0x8000, $0x38;
	[tilespmem:$0x1E800] =	vst v63  }
0x31: {  	_ =	swait.ge [sflag:s26], $0x8000  }
0x32: {  	s12 =	sadd.s32 $0xFF100000, s17;
	[sflag:s26] =	ssyncset.done $0x0  }
0x33: {  	s20 =	sadd.s32 $0xF20000, s12;
	[sflag:s26] =	ssyncadd.s32 $0xFFFF8000  }
0x34: {  	[hbm4b:s20+s1] =	stream.linear.scatter [tilespmem:s1], [sflag:$0x3], $0x8000, $0x38;
	[tilespmem:$0x1E800] =	vst v63  }
0x35: {  	_ =	swait.ge [sflag:s28], $0x8000  }
0x36: {  	[sflag:s28] =	ssyncset.done $0x0  }
0x37: {  	s7 =	sadd.s32 $0xF40000, s2;
	[sflag:s28] =	ssyncadd.s32 $0xFFFF8000  }
0x38: {  	[tilespmem:s1], [sflag:$0x1] =	stream.linear.gather [hbm4b:s7+s1], $0x8000, $0x38;
	[tilespmem:$0x1E800] =	vst v63  }
0x39: {  	_ =	swait.ge [sflag:s29], $0x8000  }
0x3a: {  	[sflag:s29] =	ssyncset.done $0x0  }
0x3b: {  	s18 =	sadd.s32 $0xF30000, s12;
	s7 =	simm.s32 $0xFF120000;
	[sflag:s29] =	ssyncadd.s32 $0xFFFF8000  }
.LBB2_2:
0x3c: {  	[hbm4b:s18+s1] =	stream.linear.scatter [tilespmem:s24], [sflag:$0x4], $0x8000, $0x38;
	[tilespmem:$0x1E800] =	vst v63  }
0x3d: {  	s18 =	smov.u32 s7  }
0x3e: {  	p1 =	sne.s32 s7, $0xFFFE0000;
	s7 =	sadd.s32 $0x20000, s7;
	_ =	swait.ge [sflag:s30], $0x8000  }
0x3f: {  	s20 =	sadd.s32 s18, s4;
	[sflag:s30] =	ssyncset.done $0x0  }
0x40: {  	s12 =	sadd.s32 $0xF30000, s20;
	[sflag:s30] =	ssyncadd.s32 $0xFFFF8000  }
0x41: {  	[tilespmem:s24], [sflag:$0x2] =	stream.linear.gather [hbm4b:s12+s1], $0x8000, $0x38;
	[tilespmem:$0x1E800] =	vst v63  }
0x42: {  	_ =	swait.ge [sflag:s26], $0x8000  }
0x43: {  	s12 =	sadd.s32 s18, s17;
	[sflag:s26] =	ssyncset.done $0x0  }
0x44: {  	s18 =	sadd.s32 $0xF20000, s12;
	[sflag:s26] =	ssyncadd.s32 $0xFFFF8000  }
0x45: {  	[hbm4b:s18+s1] =	stream.linear.scatter [tilespmem:s1], [sflag:$0x3], $0x8000, $0x38;
	[tilespmem:$0x1E800] =	vst v63  }
0x46: {  	_ =	swait.ge [sflag:s28], $0x8000  }
0x47: {  	[sflag:s28] =	ssyncset.done $0x0  }
.Ltmp0:
0x48: {  	s18 =	sadd.s32 $0xF40000, s20;
	[sflag:s28] =	ssyncadd.s32 $0xFFFF8000;
	(pc) =	sbr.rel @p1 .LBB2_2-.Ltmp0, $4  }
0x49: {  	[tilespmem:s1], [sflag:$0x1] =	stream.linear.gather [hbm4b:s18+s1], $0x8000, $0x38;
	[tilespmem:$0x1E800] =	vst v63  }
0x4a: {  	_ =	swait.ge [sflag:s29], $0x8000  }
0x4b: {  	[sflag:s29] =	ssyncset.done $0x0  }
0x4c: {  	s18 =	sadd.s32 $0xF30000, s12;
	[sflag:s29] =	ssyncadd.s32 $0xFFFF8000  }
0x4d: {  	[hbm4b:s18+s1] =	stream.linear.scatter [tilespmem:s24], [sflag:$0x4], $0x8000, $0x38;
	[tilespmem:$0x1E800] =	vst v63  }
0x4e: {  	_ =	swait.ge [sflag:s30], $0x8000  }
0x4f: {  	[sflag:s30] =	ssyncset.done $0x0  }
0x50: {  	s2 =	rddreg [dreg:$0xa];
	[sflag:s30] =	ssyncadd.s32 $0xFFFF8000  }
0x51: {  	[tilespmem:s24], [sflag:$0x2] =	stream.linear.gather [hbm4b:s2+s1], $0x8000, $0x38;
	[tilespmem:$0x1E800] =	vst v63  }
0x52: {  	_ =	swait.ge [sflag:s26], $0x8000  }
0x53: {  	[sflag:s26] =	ssyncset.done $0x0  }
0x54: {  	s7 =	rddreg [dreg:$0x13];
	[sflag:s26] =	ssyncadd.s32 $0xFFFF8000  }
0x55: {  	[hbm4b:s7+s1] =	stream.linear.scatter [tilespmem:s1], [sflag:$0x3], $0x8000, $0x38;
	[tilespmem:$0x1E800] =	vst v63  }
0x56: {  	_ =	swait.ge [sflag:s29], $0x8000  }
0x57: {  	[sflag:s29] =	ssyncset.done $0x0;
	s12 =	rddreg [dreg:$0x8]  }
0x58: {  	[sflag:s29] =	ssyncadd.s32 $0xFFFF8000;
	s7 =	sadd.s32 s12, s21  }
0x59: {  	[hbm4b:s7+s1] =	stream.linear.scatter [tilespmem:s24], [sflag:$0x4], $0x8000, $0x38;
	[tilespmem:$0x1E800] =	vst v63  }
0x5a: {  	_ =	swait.ge [sflag:s28], $0x8000  }
0x5b: {  	[sflag:s28] =	ssyncset.done $0x0  }
0x5c: {  	[sflag:s28] =	ssyncadd.s32 $0xFFFF8000  }
0x5d: {  	_ =	swait.ge [sflag:s30], $0x8000  }
0x5e: {  	s12 =	simm.s32 @!p0 $0x8;
	[sflag:s30] =	ssyncset.done $0x0  }
0x5f: {  	s7 =	simm.s32 @!p0 $0x0;
	s2 =	rddreg [dreg:$0x9];
	[sflag:s30] =	ssyncadd.s32 $0xFFFF8000  }
0x60: {  	[tilespmem:s7], [sflag:$0x8] =	stream.linear.gather @!p0 [hbm4b:s2+s7], $0x8000, $0x38;
	[tilespmem:$0x1E800] =	vst v63  }
0x61: {  	_ =	swait.ge @!p0 [sflag:s12], $0x8000  }
0x62: {  	[sflag:s12] =	ssyncset.done @!p0 $0x0  }
0x63: {  	s17 =	sadd.s32 @!p0 $0xF40000, s21;
	[sflag:s12] =	ssyncadd.s32 @!p0 $0xFFFF8000  }
0x64: {  	[hbm4b:s17+s7] =	stream.linear.scatter @!p0 [tilespmem:s7], [sflag:$0x8], $0x8000, $0x38;
	[tilespmem:$0x1E800] =	vst v63  }
0x65: {  	_ =	swait.ge @!p0 [sflag:s12], $0x8000  }
0x66: {  	[sflag:s12] =	ssyncset.done @!p0 $0x0  }
0x67: {  	s2 =	rddreg [dreg:$0xb];
	[sflag:s12] =	ssyncadd.s32 @!p0 $0xFFFF8000  }
0x68: {  	[tilespmem:s7], [sflag:$0x8] =	stream.linear.gather @!p0 [hbm4b:s2+s7], $0x8000, $0x38;
	[tilespmem:$0x1E800] =	vst v63  }
0x69: {  	_ =	swait.ge @!p0 [sflag:s12], $0x8000  }
0x6a: {  	[sflag:s12] =	ssyncset.done @!p0 $0x0  }
0x6b: {  	s17 =	sadd.s32 @!p0 $0xF41000, s21;
	[sflag:s12] =	ssyncadd.s32 @!p0 $0xFFFF8000  }
0x6c: {  	[hbm4b:s17+s7] =	stream.linear.scatter @!p0 [tilespmem:s7], [sflag:$0x8], $0x8000, $0x38;
	[tilespmem:$0x1E800] =	vst v63  }
0x6d: {  	_ =	swait.ge @!p0 [sflag:s12], $0x8000  }
0x6e: {  	[sflag:s12] =	ssyncset.done @!p0 $0x0  }
0x6f: {  	s2 =	rddreg [dreg:$0xc];
	[sflag:s12] =	ssyncadd.s32 @!p0 $0xFFFF8000  }
0x70: {  	[tilespmem:s7], [sflag:$0x8] =	stream.linear.gather @!p0 [hbm4b:s2+s7], $0x2000, $0x38;
	[tilespmem:$0x1E800] =	vst v63  }
0x71: {  	_ =	swait.ge @!p0 [sflag:s12], $0x2000  }
0x72: {  	[sflag:s12] =	ssyncset.done @!p0 $0x0  }
0x73: {  	s17 =	sadd.s32 @!p0 $0xF42000, s21;
	[sflag:s12] =	ssyncadd.s32 @!p0 $0xFFFFE000  }
0x74: {  	[hbm4b:s17+s7] =	stream.linear.scatter @!p0 [tilespmem:s7], [sflag:$0x8], $0x2000, $0x38;
	[tilespmem:$0x1E800] =	vst v63  }
0x75: {  	_ =	swait.ge @!p0 [sflag:s12], $0x2000  }
0x76: {  	[sflag:s12] =	ssyncset.done @!p0 $0x0  }
0x77: {  	[sflag:s12] =	ssyncadd.s32 @!p0 $0xFFFFE000  }
0x78: {  	[bflag:$0x0] =	sbarrier.arrive $0xFFFF  }
0x79: {  	[tilespmem:s31], [sflag:$0x8] =	stream.linear.gather [hbm4b:s13+s1], $0x2000, $0x38;
	[tilespmem:$0x1E800] =	vst v63  }
0x7a: {  	_ =	swait.ge [sflag:s0], $0x2000  }
0x7b: {  	[sflag:s0] =	ssyncset.done $0x0  }
0x7c: {  	[sflag:s0] =	ssyncadd.s32 $0xFFFFE000  }
0x7d: {  	[tilespmem:s6], [sflag:$0x5] =	stream.indirect.gather [hbm4b:s21+s5], $0x40, s31, s5, $0xb8;
	[tilespmem:$0x1E800] =	vst v63  }
0x7e: {  	s17 =	simm.s32 $0x10400  }
0x7f: {  	[tilespmem:s9], [sflag:$0x5] =	stream.indirect.gather [hbm4b:s21+s8], $0x40, s17, s8, $0xb8;
	[tilespmem:$0x1E800] =	vst v63  }
0x80: {  	_ =	swait.ge [sflag:s10], $0x2000  }
0x81: {  	[sflag:s10] =	ssyncset.done $0x0  }
0x82: {  	[sflag:s10] =	ssyncadd.s32 $0xFFFFE000  }
0x83: {  	_ =	swait.ge [sflag:s10], $0x1200  }
0x84: {  	[sflag:s10] =	ssyncset.done $0x0  }
0x85: {  	s18 =	rddreg [dreg:$0xd];
	[sflag:s10] =	ssyncadd.s32 $0xFFFFEE00  }
0x86: {  	[hbm4b:s18+s1] =	stream.linear.scatter [tilespmem:s6], [sflag:$0x6], $0x6400, $0x38;
	[tilespmem:$0x1E800] =	vst v63  }
0x87: {  	s20 =	simm.s32 $0x10080  }
0x88: {  	[tilespmem:s11], [sflag:$0x5] =	stream.indirect.gather [hbm4b:s21+s5], $0x40, s20, s5, $0xb8;
	[tilespmem:$0x1E800] =	vst v63  }
0x89: {  	s7 =	simm.s32 $0x10480  }
0x8a: {  	[tilespmem:s14], [sflag:$0x5] =	stream.indirect.gather [hbm4b:s21+s8], $0x40, s7, s8, $0xb8;
	[tilespmem:$0x1E800] =	vst v63  }
0x8b: {  	_ =	swait.ge [sflag:s10], $0x2000  }
0x8c: {  	[sflag:s10] =	ssyncset.done $0x0  }
0x8d: {  	[sflag:s10] =	ssyncadd.s32 $0xFFFFE000  }
0x8e: {  	_ =	swait.ge [sflag:s10], $0x1200  }
0x8f: {  	[sflag:s10] =	ssyncset.done $0x0  }
0x90: {  	s17 =	simm.s32 $0x200;
	s12 =	rddreg [dreg:$0xe];
	[sflag:s10] =	ssyncadd.s32 $0xFFFFEE00  }
0x91: {  	[hbm4b:s12+s1] =	stream.linear.scatter [tilespmem:s11], [sflag:$0x7], $0x6400, $0x38;
	[tilespmem:$0x1E800] =	vst v63  }
0x92: {  	s18 =	simm.s32 $0x100;
	s7 =	sand.u32 $0x1800, s17;
	_ =	swait.ge [sflag:s15], $0x6400  }
0x93: {  	s7 =	sor.u32 $0x10000, s7;
	s12 =	sand.u32 $0x300, s18;
	[sflag:s15] =	ssyncset.done $0x0  }
0x94: {  	s12 =	sor.u32 s12, s7;
	[sflag:s15] =	ssyncadd.s32 $0xFFFF9C00  }
0x95: {  	[tilespmem:s6], [sflag:$0x5] =	stream.indirect.gather [hbm4b:s21+s5], $0x40, s12, s5, $0xb8;
	[tilespmem:$0x1E800] =	vst v63  }
0x96: {  	s12 =	sor.u32 $0x400, s12  }
0x97: {  	[tilespmem:s9], [sflag:$0x5] =	stream.indirect.gather [hbm4b:s21+s8], $0x40, s12, s8, $0xb8;
	[tilespmem:$0x1E800] =	vst v63  }
0x98: {  	_ =	swait.ge [sflag:s10], $0x2000  }
0x99: {  	[sflag:s10] =	ssyncset.done $0x0  }
0x9a: {  	[sflag:s10] =	ssyncadd.s32 $0xFFFFE000  }
0x9b: {  	_ =	swait.ge [sflag:s10], $0x1200  }
0x9c: {  	[sflag:s10] =	ssyncset.done $0x0  }
0x9d: {  	[sflag:s10] =	ssyncadd.s32 $0xFFFFEE00  }
0x9e: {  	[hbm4b:s19+s1] =	stream.linear.scatter [tilespmem:s6], [sflag:$0x6], $0x6400, $0x38;
	[tilespmem:$0x1E800] =	vst v63  }
0x9f: {  	s20 =	simm.s32 $0x180;
	_ =	swait.ge [sflag:s3], $0x6400  }
0xa0: {  	s12 =	sand.u32 $0x380, s20;
	[sflag:s3] =	ssyncset.done $0x0  }
0xa1: {  	s7 =	sor.u32 s12, s7;
	[sflag:s3] =	ssyncadd.s32 $0xFFFF9C00  }
0xa2: {  	[tilespmem:s11], [sflag:$0x5] =	stream.indirect.gather [hbm4b:s21+s5], $0x40, s7, s5, $0xb8;
	[tilespmem:$0x1E800] =	vst v63  }
0xa3: {  	s7 =	sor.u32 $0x400, s7  }
0xa4: {  	[tilespmem:s14], [sflag:$0x5] =	stream.indirect.gather [hbm4b:s21+s8], $0x40, s7, s8, $0xb8;
	[tilespmem:$0x1E800] =	vst v63  }
0xa5: {  	_ =	swait.ge [sflag:s10], $0x2000  }
0xa6: {  	[sflag:s10] =	ssyncset.done $0x0  }
0xa7: {  	[sflag:s10] =	ssyncadd.s32 $0xFFFFE000  }
0xa8: {  	_ =	swait.ge [sflag:s10], $0x1200  }
0xa9: {  	s17 =	simm.s32 $0x280;
	s18 =	sadd.s32 $0x1900, s19;
	[sflag:s10] =	ssyncset.done $0x0  }
0xaa: {  	s20 =	sadd.s32 $0xC80, s19;
	s7 =	simm.s32 $0x400;
	[sflag:s10] =	ssyncadd.s32 $0xFFFFEE00  }
.LBB2_4:
0xab: {  	[hbm4b:s20+s1] =	stream.linear.scatter [tilespmem:s11], [sflag:$0x7], $0x6400, $0x38;
	[tilespmem:$0x1E800] =	vst v63  }
0xac: {  	s12 =	sand.u32 $0x1800, s7;
	s20 =	sadd.s32 $0xFFFFFF80, s17;
	_ =	swait.ge [sflag:s15], $0x6400  }
0xad: {  	s20 =	sand.u32 $0x300, s20;
	s12 =	sor.u32 $0x10000, s12;
	[sflag:s15] =	ssyncset.done $0x0  }
0xae: {  	p1 =	sne.s32 s17, $0xF80;
	s20 =	sor.u32 s20, s12;
	[sflag:s15] =	ssyncadd.s32 $0xFFFF9C00  }
0xaf: {  	[tilespmem:s6], [sflag:$0x5] =	stream.indirect.gather [hbm4b:s21+s5], $0x40, s20, s5, $0xb8;
	[tilespmem:$0x1E800] =	vst v63  }
0xb0: {  	s2 =	smov.u32 s17;
	s17 =	sadd.s32 $0x100, s17;
	s20 =	sor.u32 $0x400, s20  }
0xb1: {  	[tilespmem:s9], [sflag:$0x5] =	stream.indirect.gather [hbm4b:s21+s8], $0x40, s20, s8, $0xb8;
	[tilespmem:$0x1E800] =	vst v63  }
0xb2: {  	s20 =	smov.u32 s18;
	_ =	swait.ge [sflag:s10], $0x2000  }
0xb3: {  	[sflag:s10] =	ssyncset.done $0x0  }
0xb4: {  	[sflag:s10] =	ssyncadd.s32 $0xFFFFE000  }
0xb5: {  	_ =	swait.ge [sflag:s10], $0x1200  }
0xb6: {  	[sflag:s10] =	ssyncset.done $0x0  }
0xb7: {  	[sflag:s10] =	ssyncadd.s32 $0xFFFFEE00  }
0xb8: {  	[hbm4b:s18+s1] =	stream.linear.scatter [tilespmem:s6], [sflag:$0x6], $0x6400, $0x38;
	[tilespmem:$0x1E800] =	vst v63  }
0xb9: {  	_ =	swait.ge [sflag:s3], $0x6400  }
0xba: {  	s2 =	sand.u32 $0x380, s2;
	[sflag:s3] =	ssyncset.done $0x0  }
0xbb: {  	s2 =	sor.u32 s2, s12;
	[sflag:s3] =	ssyncadd.s32 $0xFFFF9C00  }
0xbc: {  	[tilespmem:s11], [sflag:$0x5] =	stream.indirect.gather [hbm4b:s21+s5], $0x40, s2, s5, $0xb8;
	[tilespmem:$0x1E800] =	vst v63  }
0xbd: {  	s2 =	sor.u32 $0x400, s2  }
0xbe: {  	[tilespmem:s14], [sflag:$0x5] =	stream.indirect.gather [hbm4b:s21+s8], $0x40, s2, s8, $0xb8;
	[tilespmem:$0x1E800] =	vst v63  }
0xbf: {  	_ =	swait.ge [sflag:s10], $0x2000  }
.Ltmp1:
0xc0: {  	[sflag:s10] =	ssyncset.done $0x0;
	(pc) =	sbr.rel @p1 .LBB2_4-.Ltmp1, $4  }
0xc1: {  	[sflag:s10] =	ssyncadd.s32 $0xFFFFE000  }
0xc2: {  	_ =	swait.ge [sflag:s10], $0x1200  }
0xc3: {  	s18 =	sadd.s32 $0x1900, s18;
	[sflag:s10] =	ssyncset.done $0x0  }
0xc4: {  	s7 =	sadd.s32 $0x200, s7;
	s20 =	sadd.s32 $0xC80, s20;
	[sflag:s10] =	ssyncadd.s32 $0xFFFFEE00  }
0xc5: {  	[hbm4b:s20+s1] =	stream.linear.scatter [tilespmem:s11], [sflag:$0x7], $0x6400, $0x38;
	[tilespmem:$0x1E800] =	vst v63  }
0xc6: {  	s2 =	simm.s32 $0x0;
	s7 =	rddreg [dreg:$0xf]  }
0xc7: {  	[tilespmem:s31], [sflag:$0x8] =	stream.linear.gather [hbm4b:s7+s2], $0x2000, $0x38;
	[tilespmem:$0x1E800] =	vst v63  }
0xc8: {  	_ =	swait.ge [sflag:s0], $0x2000  }
0xc9: {  	[sflag:s0] =	ssyncset.done $0x0  }
0xca: {  	[sflag:s0] =	ssyncadd.s32 $0xFFFFE000  }
0xcb: {  	s12 =	sand.u32 $0x1800, s2;
	s2 =	sand.u32 $0x300, s2;
	_ =	swait.ge [sflag:s15], $0x6400  }
0xcc: {  	s2 =	sor.u32 s2, s12;
	[sflag:s15] =	ssyncset.done $0x0  }
0xcd: {  	s7 =	sor.u32 $0x10000, s2;
	[sflag:s15] =	ssyncadd.s32 $0xFFFF9C00  }
0xce: {  	[tilespmem:s6], [sflag:$0x5] =	stream.indirect.gather [hbm4b:s21+s5], $0x40, s7, s5, $0xb8;
	[tilespmem:$0x1E800] =	vst v63  }
0xcf: {  	s17 =	sor.u32 $0x10400, s2  }
0xd0: {  	[tilespmem:s9], [sflag:$0x5] =	stream.indirect.gather [hbm4b:s21+s8], $0x40, s17, s8, $0xb8;
	[tilespmem:$0x1E800] =	vst v63  }
0xd1: {  	_ =	swait.ge [sflag:s10], $0x2000  }
0xd2: {  	[sflag:s10] =	ssyncset.done $0x0  }
0xd3: {  	[sflag:s10] =	ssyncadd.s32 $0xFFFFE000  }
0xd4: {  	_ =	swait.ge [sflag:s10], $0x1200  }
0xd5: {  	[sflag:s10] =	ssyncset.done $0x0  }
0xd6: {  	s18 =	sadd.s32 $0xFFFFF380, s25;
	[sflag:s10] =	ssyncadd.s32 $0xFFFFEE00  }
0xd7: {  	[hbm4b:s18+s1] =	stream.linear.scatter [tilespmem:s6], [sflag:$0x6], $0x6400, $0x38;
	[tilespmem:$0x1E800] =	vst v63  }
0xd8: {  	_ =	swait.ge [sflag:s3], $0x6400  }
0xd9: {  	[sflag:s3] =	ssyncset.done $0x0  }
0xda: {  	s20 =	sor.u32 $0x10080, s2;
	[sflag:s3] =	ssyncadd.s32 $0xFFFF9C00  }
0xdb: {  	[tilespmem:s11], [sflag:$0x5] =	stream.indirect.gather [hbm4b:s21+s5], $0x40, s20, s5, $0xb8;
	[tilespmem:$0x1E800] =	vst v63  }
0xdc: {  	s2 =	sor.u32 $0x10480, s2  }
0xdd: {  	[tilespmem:s14], [sflag:$0x5] =	stream.indirect.gather [hbm4b:s21+s8], $0x40, s2, s8, $0xb8;
	[tilespmem:$0x1E800] =	vst v63  }
0xde: {  	_ =	swait.ge [sflag:s10], $0x2000  }
0xdf: {  	[sflag:s10] =	ssyncset.done $0x0  }
0xe0: {  	[sflag:s10] =	ssyncadd.s32 $0xFFFFE000  }
0xe1: {  	_ =	swait.ge [sflag:s10], $0x1200  }
0xe2: {  	s7 =	simm.s32 $0x100;
	s17 =	simm.s32 $0x200;
	[sflag:s10] =	ssyncset.done $0x0  }
0xe3: {  	s18 =	sadd.s32 $0x1900, s25;
	s20 =	smov.u32 s25;
	[sflag:s10] =	ssyncadd.s32 $0xFFFFEE00  }
.LBB2_6:
0xe4: {  	[hbm4b:s20+s1] =	stream.linear.scatter [tilespmem:s11], [sflag:$0x7], $0x6400, $0x38;
	[tilespmem:$0x1E800] =	vst v63  }
0xe5: {  	s2 =	sand.u32 $0x1800, s17;
	s12 =	sand.u32 $0x300, s7;
	_ =	swait.ge [sflag:s15], $0x6400  }
0xe6: {  	p1 =	sne.s32 s17, $0x1E00;
	s2 =	sor.u32 s12, s2;
	[sflag:s15] =	ssyncset.done $0x0  }
0xe7: {  	s17 =	sadd.s32 $0x200, s17;
	s12 =	sor.u32 $0x10000, s2;
	[sflag:s15] =	ssyncadd.s32 $0xFFFF9C00  }
0xe8: {  	[tilespmem:s6], [sflag:$0x5] =	stream.indirect.gather [hbm4b:s21+s5], $0x40, s12, s5, $0xb8;
	[tilespmem:$0x1E800] =	vst v63  }
0xe9: {  	s20 =	smov.u32 s18;
	s12 =	sor.u32 $0x10400, s2  }
0xea: {  	[tilespmem:s9], [sflag:$0x5] =	stream.indirect.gather [hbm4b:s21+s8], $0x40, s12, s8, $0xb8;
	[tilespmem:$0x1E800] =	vst v63  }
0xeb: {  	_ =	swait.ge [sflag:s10], $0x2000  }
0xec: {  	[sflag:s10] =	ssyncset.done $0x0  }
0xed: {  	[sflag:s10] =	ssyncadd.s32 $0xFFFFE000  }
0xee: {  	_ =	swait.ge [sflag:s10], $0x1200  }
0xef: {  	[sflag:s10] =	ssyncset.done $0x0  }
0xf0: {  	s12 =	sadd.s32 $0xFFFFF380, s18;
	[sflag:s10] =	ssyncadd.s32 $0xFFFFEE00  }
0xf1: {  	[hbm4b:s12+s1] =	stream.linear.scatter [tilespmem:s6], [sflag:$0x6], $0x6400, $0x38;
	[tilespmem:$0x1E800] =	vst v63  }
0xf2: {  	_ =	swait.ge [sflag:s3], $0x6400  }
0xf3: {  	[sflag:s3] =	ssyncset.done $0x0  }
0xf4: {  	s12 =	sor.u32 $0x10080, s2;
	[sflag:s3] =	ssyncadd.s32 $0xFFFF9C00  }
0xf5: {  	[tilespmem:s11], [sflag:$0x5] =	stream.indirect.gather [hbm4b:s21+s5], $0x40, s12, s5, $0xb8;
	[tilespmem:$0x1E800] =	vst v63  }
0xf6: {  	s2 =	sor.u32 $0x10480, s2  }
0xf7: {  	[tilespmem:s14], [sflag:$0x5] =	stream.indirect.gather [hbm4b:s21+s8], $0x40, s2, s8, $0xb8;
	[tilespmem:$0x1E800] =	vst v63  }
0xf8: {  	_ =	swait.ge [sflag:s10], $0x2000  }
.Ltmp2:
0xf9: {  	[sflag:s10] =	ssyncset.done $0x0;
	(pc) =	sbr.rel @p1 .LBB2_6-.Ltmp2, $4  }
0xfa: {  	[sflag:s10] =	ssyncadd.s32 $0xFFFFE000  }
0xfb: {  	_ =	swait.ge [sflag:s10], $0x1200  }
0xfc: {  	[sflag:s10] =	ssyncset.done $0x0  }
0xfd: {  	s7 =	sadd.s32 $0x100, s7;
	s18 =	sadd.s32 $0x1900, s18;
	[sflag:s10] =	ssyncadd.s32 $0xFFFFEE00  }
0xfe: {  	[hbm4b:s20+s1] =	stream.linear.scatter [tilespmem:s11], [sflag:$0x7], $0x6400, $0x38;
	[tilespmem:$0x1E800] =	vst v63  }
0xff: {  	s2 =	simm.s32 $0x0;
	s7 =	rddreg [dreg:$0x10]  }
0x100: {  	[tilespmem:s31], [sflag:$0x8] =	stream.linear.gather [hbm4b:s7+s2], $0x2000, $0x38;
	[tilespmem:$0x1E800] =	vst v63  }
0x101: {  	_ =	swait.ge [sflag:s0], $0x2000  }
0x102: {  	[sflag:s0] =	ssyncset.done $0x0  }
0x103: {  	[sflag:s0] =	ssyncadd.s32 $0xFFFFE000  }
0x104: {  	s12 =	sand.u32 $0x1800, s2;
	s2 =	sand.u32 $0x300, s2;
	_ =	swait.ge [sflag:s15], $0x6400  }
0x105: {  	s2 =	sor.u32 s2, s12;
	[sflag:s15] =	ssyncset.done $0x0  }
0x106: {  	s7 =	sor.u32 $0x10000, s2;
	[sflag:s15] =	ssyncadd.s32 $0xFFFF9C00  }
0x107: {  	[tilespmem:s6], [sflag:$0x5] =	stream.indirect.gather [hbm4b:s21+s5], $0x40, s7, s5, $0xb8;
	[tilespmem:$0x1E800] =	vst v63  }
0x108: {  	s17 =	sor.u32 $0x10400, s2  }
0x109: {  	[tilespmem:s9], [sflag:$0x5] =	stream.indirect.gather [hbm4b:s21+s8], $0x40, s17, s8, $0xb8;
	[tilespmem:$0x1E800] =	vst v63  }
0x10a: {  	_ =	swait.ge [sflag:s10], $0x2000  }
0x10b: {  	[sflag:s10] =	ssyncset.done $0x0  }
0x10c: {  	[sflag:s10] =	ssyncadd.s32 $0xFFFFE000  }
0x10d: {  	_ =	swait.ge [sflag:s10], $0x1200  }
0x10e: {  	[sflag:s10] =	ssyncset.done $0x0  }
0x10f: {  	s18 =	sadd.s32 $0xFFFFF380, s22;
	[sflag:s10] =	ssyncadd.s32 $0xFFFFEE00  }
0x110: {  	[hbm4b:s18+s1] =	stream.linear.scatter [tilespmem:s6], [sflag:$0x6], $0x6400, $0x38;
	[tilespmem:$0x1E800] =	vst v63  }
0x111: {  	_ =	swait.ge [sflag:s3], $0x6400  }
0x112: {  	[sflag:s3] =	ssyncset.done $0x0  }
0x113: {  	s20 =	sor.u32 $0x10080, s2;
	[sflag:s3] =	ssyncadd.s32 $0xFFFF9C00  }
0x114: {  	[tilespmem:s11], [sflag:$0x5] =	stream.indirect.gather [hbm4b:s21+s5], $0x40, s20, s5, $0xb8;
	[tilespmem:$0x1E800] =	vst v63  }
0x115: {  	s2 =	sor.u32 $0x10480, s2  }
0x116: {  	[tilespmem:s14], [sflag:$0x5] =	stream.indirect.gather [hbm4b:s21+s8], $0x40, s2, s8, $0xb8;
	[tilespmem:$0x1E800] =	vst v63  }
0x117: {  	_ =	swait.ge [sflag:s10], $0x2000  }
0x118: {  	[sflag:s10] =	ssyncset.done $0x0  }
0x119: {  	[sflag:s10] =	ssyncadd.s32 $0xFFFFE000  }
0x11a: {  	_ =	swait.ge [sflag:s10], $0x1200  }
0x11b: {  	s7 =	simm.s32 $0x100;
	s17 =	simm.s32 $0x200;
	[sflag:s10] =	ssyncset.done $0x0  }
0x11c: {  	s18 =	sadd.s32 $0x1900, s22;
	s20 =	smov.u32 s22;
	[sflag:s10] =	ssyncadd.s32 $0xFFFFEE00  }
.LBB2_8:
0x11d: {  	[hbm4b:s20+s1] =	stream.linear.scatter [tilespmem:s11], [sflag:$0x7], $0x6400, $0x38;
	[tilespmem:$0x1E800] =	vst v63  }
0x11e: {  	s2 =	sand.u32 $0x1800, s17;
	s12 =	sand.u32 $0x300, s7;
	_ =	swait.ge [sflag:s15], $0x6400  }
0x11f: {  	p1 =	sne.s32 s17, $0x1E00;
	s2 =	sor.u32 s12, s2;
	[sflag:s15] =	ssyncset.done $0x0  }
0x120: {  	s17 =	sadd.s32 $0x200, s17;
	s12 =	sor.u32 $0x10000, s2;
	[sflag:s15] =	ssyncadd.s32 $0xFFFF9C00  }
0x121: {  	[tilespmem:s6], [sflag:$0x5] =	stream.indirect.gather [hbm4b:s21+s5], $0x40, s12, s5, $0xb8;
	[tilespmem:$0x1E800] =	vst v63  }
0x122: {  	s20 =	smov.u32 s18;
	s12 =	sor.u32 $0x10400, s2  }
0x123: {  	[tilespmem:s9], [sflag:$0x5] =	stream.indirect.gather [hbm4b:s21+s8], $0x40, s12, s8, $0xb8;
	[tilespmem:$0x1E800] =	vst v63  }
0x124: {  	_ =	swait.ge [sflag:s10], $0x2000  }
0x125: {  	[sflag:s10] =	ssyncset.done $0x0  }
0x126: {  	[sflag:s10] =	ssyncadd.s32 $0xFFFFE000  }
0x127: {  	_ =	swait.ge [sflag:s10], $0x1200  }
0x128: {  	[sflag:s10] =	ssyncset.done $0x0  }
0x129: {  	s12 =	sadd.s32 $0xFFFFF380, s18;
	[sflag:s10] =	ssyncadd.s32 $0xFFFFEE00  }
0x12a: {  	[hbm4b:s12+s1] =	stream.linear.scatter [tilespmem:s6], [sflag:$0x6], $0x6400, $0x38;
	[tilespmem:$0x1E800] =	vst v63  }
0x12b: {  	_ =	swait.ge [sflag:s3], $0x6400  }
0x12c: {  	[sflag:s3] =	ssyncset.done $0x0  }
0x12d: {  	s12 =	sor.u32 $0x10080, s2;
	[sflag:s3] =	ssyncadd.s32 $0xFFFF9C00  }
0x12e: {  	[tilespmem:s11], [sflag:$0x5] =	stream.indirect.gather [hbm4b:s21+s5], $0x40, s12, s5, $0xb8;
	[tilespmem:$0x1E800] =	vst v63  }
0x12f: {  	s2 =	sor.u32 $0x10480, s2  }
0x130: {  	[tilespmem:s14], [sflag:$0x5] =	stream.indirect.gather [hbm4b:s21+s8], $0x40, s2, s8, $0xb8;
	[tilespmem:$0x1E800] =	vst v63  }
0x131: {  	_ =	swait.ge [sflag:s10], $0x2000  }
.Ltmp3:
0x132: {  	[sflag:s10] =	ssyncset.done $0x0;
	(pc) =	sbr.rel @p1 .LBB2_8-.Ltmp3, $4  }
0x133: {  	[sflag:s10] =	ssyncadd.s32 $0xFFFFE000  }
0x134: {  	_ =	swait.ge [sflag:s10], $0x1200  }
0x135: {  	[sflag:s10] =	ssyncset.done $0x0  }
0x136: {  	s7 =	sadd.s32 $0x100, s7;
	s18 =	sadd.s32 $0x1900, s18;
	[sflag:s10] =	ssyncadd.s32 $0xFFFFEE00  }
0x137: {  	[hbm4b:s20+s1] =	stream.linear.scatter [tilespmem:s11], [sflag:$0x7], $0x6400, $0x38;
	[tilespmem:$0x1E800] =	vst v63  }
0x138: {  	s2 =	simm.s32 $0x0;
	s7 =	rddreg [dreg:$0x11]  }
0x139: {  	[tilespmem:s31], [sflag:$0x8] =	stream.linear.gather [hbm4b:s7+s2], $0x2000, $0x38;
	[tilespmem:$0x1E800] =	vst v63  }
0x13a: {  	_ =	swait.ge [sflag:s0], $0x2000  }
0x13b: {  	[sflag:s0] =	ssyncset.done $0x0  }
0x13c: {  	[sflag:s0] =	ssyncadd.s32 $0xFFFFE000  }
0x13d: {  	s12 =	sand.u32 $0x1800, s2;
	s2 =	sand.u32 $0x300, s2;
	_ =	swait.ge [sflag:s15], $0x6400  }
0x13e: {  	s2 =	sor.u32 s2, s12;
	[sflag:s15] =	ssyncset.done $0x0  }
0x13f: {  	s7 =	sor.u32 $0x10000, s2;
	[sflag:s15] =	ssyncadd.s32 $0xFFFF9C00  }
0x140: {  	[tilespmem:s6], [sflag:$0x5] =	stream.indirect.gather [hbm4b:s21+s5], $0x40, s7, s5, $0xb8;
	[tilespmem:$0x1E800] =	vst v63  }
0x141: {  	s17 =	sor.u32 $0x10400, s2  }
0x142: {  	[tilespmem:s9], [sflag:$0x5] =	stream.indirect.gather [hbm4b:s21+s8], $0x40, s17, s8, $0xb8;
	[tilespmem:$0x1E800] =	vst v63  }
0x143: {  	_ =	swait.ge [sflag:s10], $0x2000  }
0x144: {  	[sflag:s10] =	ssyncset.done $0x0  }
0x145: {  	[sflag:s10] =	ssyncadd.s32 $0xFFFFE000  }
0x146: {  	_ =	swait.ge [sflag:s10], $0x1200  }
0x147: {  	[sflag:s10] =	ssyncset.done $0x0  }
0x148: {  	s18 =	sadd.s32 $0xFFFFF380, s23;
	[sflag:s10] =	ssyncadd.s32 $0xFFFFEE00  }
0x149: {  	[hbm4b:s18+s1] =	stream.linear.scatter [tilespmem:s6], [sflag:$0x6], $0x6400, $0x38;
	[tilespmem:$0x1E800] =	vst v63  }
0x14a: {  	_ =	swait.ge [sflag:s3], $0x6400  }
0x14b: {  	[sflag:s3] =	ssyncset.done $0x0  }
0x14c: {  	s20 =	sor.u32 $0x10080, s2;
	[sflag:s3] =	ssyncadd.s32 $0xFFFF9C00  }
0x14d: {  	[tilespmem:s11], [sflag:$0x5] =	stream.indirect.gather [hbm4b:s21+s5], $0x40, s20, s5, $0xb8;
	[tilespmem:$0x1E800] =	vst v63  }
0x14e: {  	s2 =	sor.u32 $0x10480, s2  }
0x14f: {  	[tilespmem:s14], [sflag:$0x5] =	stream.indirect.gather [hbm4b:s21+s8], $0x40, s2, s8, $0xb8;
	[tilespmem:$0x1E800] =	vst v63  }
0x150: {  	_ =	swait.ge [sflag:s10], $0x2000  }
0x151: {  	[sflag:s10] =	ssyncset.done $0x0  }
0x152: {  	[sflag:s10] =	ssyncadd.s32 $0xFFFFE000  }
0x153: {  	_ =	swait.ge [sflag:s10], $0x1200  }
0x154: {  	s7 =	simm.s32 $0x100;
	s17 =	simm.s32 $0x200;
	[sflag:s10] =	ssyncset.done $0x0  }
0x155: {  	s18 =	sadd.s32 $0x1900, s23;
	s20 =	smov.u32 s23;
	[sflag:s10] =	ssyncadd.s32 $0xFFFFEE00  }
.LBB2_10:
0x156: {  	[hbm4b:s20+s1] =	stream.linear.scatter [tilespmem:s11], [sflag:$0x7], $0x6400, $0x38;
	[tilespmem:$0x1E800] =	vst v63  }
0x157: {  	s2 =	sand.u32 $0x1800, s17;
	s12 =	sand.u32 $0x300, s7;
	_ =	swait.ge [sflag:s15], $0x6400  }
0x158: {  	p1 =	sne.s32 s17, $0x1E00;
	s2 =	sor.u32 s12, s2;
	[sflag:s15] =	ssyncset.done $0x0  }
0x159: {  	s17 =	sadd.s32 $0x200, s17;
	s12 =	sor.u32 $0x10000, s2;
	[sflag:s15] =	ssyncadd.s32 $0xFFFF9C00  }
0x15a: {  	[tilespmem:s6], [sflag:$0x5] =	stream.indirect.gather [hbm4b:s21+s5], $0x40, s12, s5, $0xb8;
	[tilespmem:$0x1E800] =	vst v63  }
0x15b: {  	s20 =	smov.u32 s18;
	s12 =	sor.u32 $0x10400, s2  }
0x15c: {  	[tilespmem:s9], [sflag:$0x5] =	stream.indirect.gather [hbm4b:s21+s8], $0x40, s12, s8, $0xb8;
	[tilespmem:$0x1E800] =	vst v63  }
0x15d: {  	_ =	swait.ge [sflag:s10], $0x2000  }
0x15e: {  	[sflag:s10] =	ssyncset.done $0x0  }
0x15f: {  	[sflag:s10] =	ssyncadd.s32 $0xFFFFE000  }
0x160: {  	_ =	swait.ge [sflag:s10], $0x1200  }
0x161: {  	[sflag:s10] =	ssyncset.done $0x0  }
0x162: {  	s12 =	sadd.s32 $0xFFFFF380, s18;
	[sflag:s10] =	ssyncadd.s32 $0xFFFFEE00  }
0x163: {  	[hbm4b:s12+s1] =	stream.linear.scatter [tilespmem:s6], [sflag:$0x6], $0x6400, $0x38;
	[tilespmem:$0x1E800] =	vst v63  }
0x164: {  	_ =	swait.ge [sflag:s3], $0x6400  }
0x165: {  	[sflag:s3] =	ssyncset.done $0x0  }
0x166: {  	s12 =	sor.u32 $0x10080, s2;
	[sflag:s3] =	ssyncadd.s32 $0xFFFF9C00  }
0x167: {  	[tilespmem:s11], [sflag:$0x5] =	stream.indirect.gather [hbm4b:s21+s5], $0x40, s12, s5, $0xb8;
	[tilespmem:$0x1E800] =	vst v63  }
0x168: {  	s2 =	sor.u32 $0x10480, s2  }
0x169: {  	[tilespmem:s14], [sflag:$0x5] =	stream.indirect.gather [hbm4b:s21+s8], $0x40, s2, s8, $0xb8;
	[tilespmem:$0x1E800] =	vst v63  }
0x16a: {  	_ =	swait.ge [sflag:s10], $0x2000  }
.Ltmp4:
0x16b: {  	[sflag:s10] =	ssyncset.done $0x0;
	(pc) =	sbr.rel @p1 .LBB2_10-.Ltmp4, $4  }
0x16c: {  	[sflag:s10] =	ssyncadd.s32 $0xFFFFE000  }
0x16d: {  	_ =	swait.ge [sflag:s10], $0x1200  }
0x16e: {  	[sflag:s10] =	ssyncset.done $0x0  }
0x16f: {  	s7 =	sadd.s32 $0x100, s7;
	s18 =	sadd.s32 $0x1900, s18;
	[sflag:s10] =	ssyncadd.s32 $0xFFFFEE00  }
0x170: {  	[hbm4b:s20+s1] =	stream.linear.scatter [tilespmem:s11], [sflag:$0x7], $0x6400, $0x38;
	[tilespmem:$0x1E800] =	vst v63  }
0x171: {  	_ =	swait.ge [sflag:s15], $0x6400  }
0x172: {  	[sflag:s15] =	ssyncset.done $0x0  }
0x173: {  	[sflag:s15] =	ssyncadd.s32 $0xFFFF9C00  }
0x174: {  	_ =	swait.ge [sflag:s3], $0x6400  }
0x175: {  	s16 =	sadd.s32 $0x1, s16;
	s2 =	rddreg [dreg:$0x12]  }
0x176: {  	p1 =	sne.s32 s16, s2  }
.Ltmp5:
0x177: {  	_ = 	snop;
	(pc) =	sbr.rel @p1 .LBB2_1-.Ltmp5, $3  }
0x178: {  	_ =	sdelay $0x1  }
0x179: {  	[sflag:s3] =	ssyncset.done $0x0  }
0x17a: {  	[sflag:s3] =	ssyncadd.s32 $0xFFFF9C00  }
0x17b: {  	_ =	sfence.sel $0x180000  }
0x17c: {  	[bflag:$0x0] =	sbarrier.arrive $0xFFFF  }
0x17d: {  	_ =	strace $0x90000047  }
0x17e: {  	[bflag:$0x2] =	sbarrier.arrive $0xFFFF  }
0x17f: {  	s0 =	rddreg [dreg:$0x3]  }
0x180: {  	s0 =	sadd.s32 @!p0 $0x100000, s0  }
0x181: {  	[sflag:s0] =	ssyncadd.tile.s32 @!p0 $0x1;
	_ =	shalt  }
.Lfunc_end2:
_tile_overlayer_lowered:
.L_overlay_start_2:
0x182: {  	(tag) =	ssettag $0x2  }
0x183: {  	s0 =	rddreg [dreg:$0x0];
	s2 =	stileid.u32  }
0x184: {  	s1 =	rddreg [dreg:$0x1];
	p0 =	sne.s32 s2, $0x0  }
0x185: {  	s3 =	rddreg [dreg:$0x2];
	[bflag:$0x3] =	sbarrier.arrive $0xFFFF;
	s2 =	simm.s32 @!p0 $0x1C08  }
0x186: {  	[timem:s3], [sflag:s2] =	dma.local @!p0 [hbm:s0], s1  }
0x187: {  	s0 =	simm.s32 @!p0 $0x8  }
0x188: {  	_ =	swait.ge @!p0 [sflag:s0], s1  }
0x189: {  	s1 =	ssub.s32 @!p0 $0x0, s1;
	[sflag:s0] =	ssyncset.done @!p0 $0x0  }
0x18a: {  	[sflag:s0] =	ssyncadd.s32 @!p0 s1  }
0x18b: {  	[bflag:$0x3] =	sbarrier.arrive $0xFFFF  }
0x18c: {  	_ =	shalt  }

</sc_bundles>
